<compile_context>
chip_gen: v7x
topology: tpu7x:2x2x1
jax: 0.10.2.dev20260603
libtpu: 0.0.44.dev20260713+nightly
codegen_flags: <defaults>
</compile_context>

<pallas_src>
import functools

import jax
import jax.numpy as jnp
from jax import lax
from jax.experimental import pallas as pl
from jax.experimental.pallas import tpu as pltpu
from jax.experimental.pallas import tpu_sc as plsc

_H = 384
_W = 384
_N = _H * _W
_K = int(_N * 0.15)
_START_WARM = 20000

_MESH = plsc.VectorSubcoreMesh(core_axis_name="c", subcore_axis_name="s")
_CP = pltpu.CompilerParams(needs_layout_passes=False)
_NW = 32
_CHUNK = _N // 4
_NVREG = _CHUNK // 16
_ROUNDS = ((19, 12), (7, 12), (0, 7))



def _raw_ce(L, tgt, full):
    l0, l1, l2 = L[0], L[1], L[2]
    if full:
        m = jnp.maximum(jnp.maximum(l0, l1), l2)
        lse = jnp.log(jnp.exp(l0 - m) + jnp.exp(l1 - m) + jnp.exp(l2 - m)) + m
        lt = jnp.where(tgt == 0, l0, jnp.where(tgt == 1, l1, l2))
    else:
        m = jnp.maximum(l0, l1)
        lse = jnp.log(jnp.exp(l0 - m) + jnp.exp(l1 - m)) + m
        lt = jnp.where(tgt >= 1, l1, l0)
    return jnp.maximum(lse - lt, 0.0)


def _ce_kernel(sel_ref, cls_ref, l1_ref, l2_ref, rawA_ref, rawB_ref, tot_ref):
    j = pl.program_id(0)
    sel_full = sel_ref[j, 1] > 0.5
    for i in (1, 2):
        L = l1_ref[0] if i == 1 else l2_ref[0]
        tgt = cls_ref[0, i]
        raw = lax.cond(sel_full,
                       lambda L=L, tgt=tgt: _raw_ce(L, tgt, True),
                       lambda L=L, tgt=tgt: _raw_ce(L, tgt, False))
        out_ref = rawA_ref if i == 1 else rawB_ref
        out_ref[0] = raw
        tot = jnp.sum(raw).reshape(1, 1)
        tot_ref[pl.ds((i - 1) * 4 + j, 1), :] = jnp.broadcast_to(tot, (1, 128))


def _run_ce(cls_gt, logits_1, logits_2, selector):
    return pl.pallas_call(
        _ce_kernel,
        grid=(4,),
        in_specs=[
            pl.BlockSpec(memory_space=pltpu.SMEM),
            pl.BlockSpec((1, 3, _H, _W), lambda j: (j, 0, 0, 0)),
            pl.BlockSpec((1, 3, _H, _W), lambda j: (j, 0, 0, 0)),
            pl.BlockSpec((1, 3, _H, _W), lambda j: (j, 0, 0, 0)),
        ],
        out_specs=[
            pl.BlockSpec((1, _H, _W), lambda j: (j, 0, 0)),
            pl.BlockSpec((1, _H, _W), lambda j: (j, 0, 0)),
            pl.BlockSpec((8, 128), lambda j: (0, 0)),
        ],
        out_shape=[
            jax.ShapeDtypeStruct((4, _H, _W), jnp.float32),
            jax.ShapeDtypeStruct((4, _H, _W), jnp.float32),
            jax.ShapeDtypeStruct((8, 128), jnp.float32),
        ],
    )(selector, cls_gt, logits_1, logits_2)



def _lane0(vec):
    return jnp.sum(jnp.where(lax.iota(jnp.int32, 16) == 0, vec, 0))


def _lane1(vec):
    return jnp.sum(jnp.where(lax.iota(jnp.int32, 16) == 1, vec, 0))


def _scan_hist(h4_v, kk, nrow):
    iota = lax.iota(jnp.int32, 16)

    def row_c(j):
        sl = pl.ds(j * 16, 16)
        return h4_v[0, sl] + h4_v[1, sl] + h4_v[2, sl] + h4_v[3, sl]

    def scan(t, carry):
        run_c, found, jc, cb = carry
        j = nrow - 1 - t
        rc = jnp.sum(row_c(j))
        take = jnp.logical_and(found == 0, run_c + rc >= kk)
        jc = jnp.where(take, j, jc)
        cb = jnp.where(take, run_c, cb)
        found = jnp.where(take, jnp.int32(1), found)
        return run_c + rc, found, jc, cb

    init = (jnp.int32(0), jnp.int32(0), jnp.int32(0), jnp.int32(0))
    _, _, jc, cb = lax.fori_loop(0, nrow, scan, init)

    rowc = row_c(jc)
    rev_c = lax.rev(rowc, (0,))
    cum_c = plsc.cumsum(rev_c)
    crossed = (cb + cum_c) >= kk
    lstar = plsc.all_reduce_ffs(crossed)
    l0 = jnp.sum(jnp.where(iota == 0, lstar, 0))
    csel = jnp.sum(jnp.where(iota == l0, cum_c, 0))
    crev = jnp.sum(jnp.where(iota == l0, rev_c, 0))
    digit = jc * 16 + 15 - l0
    c_inc = cb + csel - crev
    return digit, c_inc


def _load_chunk(rawA, rawB, data_v, p, q):
    @pl.when(p < 4)
    def _():
        pltpu.sync_copy(rawA.at[p, pl.ds(q * _CHUNK, _CHUNK)], data_v)

    @pl.when(p >= 4)
    def _():
        pltpu.sync_copy(rawB.at[p - 4, pl.ds(q * _CHUNK, _CHUNK)], data_v)


@functools.partial(
    pl.kernel,
    out_type=jax.ShapeDtypeStruct((_NW, 4096), jnp.int32),
    mesh=_MESH, compiler_params=_CP,
    scratch_types=[pltpu.VMEM((_CHUNK,), jnp.float32),
                   pltpu.VMEM((4096,), jnp.int32)])
def _h0_kernel(rawA, rawB, hist_o, data_v, hi_v):
    c = lax.axis_index("c")
    s = lax.axis_index("s")
    wid = c * 16 + s
    _load_chunk(rawA, rawB, data_v, wid // 4, wid % 4)
    zi = jnp.zeros((16,), jnp.int32)

    @plsc.parallel_loop(0, 256, 1, unroll=8)
    def _zero(i):
        hi_v[pl.ds(i * 16, 16)] = zi

    ones_i = jnp.ones((16,), jnp.int32)

    @plsc.parallel_loop(0, _NVREG, 1, unroll=16)
    def _body(i):
        x = data_v[pl.ds(i * 16, 16)]
        u = plsc.bitcast(x, jnp.int32)
        d = lax.shift_right_logical(u, 19)
        plsc.addupdate_scatter(hi_v, [d], ones_i)

    pltpu.sync_copy(hi_v, hist_o.at[wid])


def _make_hist(r):
    shift, width = _ROUNDS[r]
    p_shift, p_width = _ROUNDS[r - 1]
    nb = 1 << width
    nb_prev = 1 << p_width
    first = r == 1

    @functools.partial(
        pl.kernel,
        out_type=[jax.ShapeDtypeStruct((_NW, nb), jnp.int32),
                  jax.ShapeDtypeStruct((8, 16), jnp.int32)],
        mesh=_MESH, compiler_params=_CP,
        scratch_types=[pltpu.VMEM((_CHUNK,), jnp.float32),
                       pltpu.VMEM((4, nb_prev), jnp.int32),
                       pltpu.VMEM((nb,), jnp.int32),
                       pltpu.VMEM((16,), jnp.int32)])
    def hist_kernel(rawA, rawB, prev_hist, prev_state, hist_o, state_o,
                    data_v, h4_v, hi_v, st_v):
        c = lax.axis_index("c")
        s = lax.axis_index("s")
        wid = c * 16 + s
        p = wid // 4
        q = wid % 4
        _load_chunk(rawA, rawB, data_v, p, q)
        pltpu.sync_copy(prev_hist.at[pl.ds(p * 4, 4)], h4_v)

        if first:
            prefix_prev = jnp.int32(0)
            c_prev = jnp.int32(0)
        else:
            pltpu.sync_copy(prev_state.at[p], st_v)
            prefix_prev = _lane0(st_v[...])
            c_prev = _lane1(st_v[...])

        digit, c_inc = _scan_hist(h4_v, jnp.int32(_K) - c_prev, nb_prev // 16)
        prefix = (prefix_prev << p_width) | digit
        c_above = c_prev + c_inc

        zi = jnp.zeros((16,), jnp.int32)

        @plsc.parallel_loop(0, nb // 16, 1, unroll=8)
        def _zero(i):
            hi_v[pl.ds(i * 16, 16)] = zi

        ones_i = jnp.ones((16,), jnp.int32)

        @plsc.parallel_loop(0, _NVREG, 1, unroll=16)
        def _body(i):
            x = data_v[pl.ds(i * 16, 16)]
            u = plsc.bitcast(x, jnp.int32)
            d = lax.shift_right_logical(u, shift) & (nb - 1)
            m = lax.shift_right_logical(u, shift + width) == prefix
            plsc.addupdate_scatter(hi_v, [d], ones_i, mask=m)

        pltpu.sync_copy(hi_v, hist_o.at[wid])

        @pl.when(q == 0)
        def _():
            iota = lax.iota(jnp.int32, 16)
            st_v[...] = jnp.where(iota == 0, prefix,
                                  jnp.where(iota == 1, c_above, 0))
            pltpu.sync_copy(st_v, state_o.at[p])

    return hist_kernel


@functools.partial(
    pl.kernel,
    out_type=[jax.ShapeDtypeStruct((_NW, 16), jnp.float32),
              jax.ShapeDtypeStruct((8, 16), jnp.int32)],
    mesh=_MESH, compiler_params=_CP,
    scratch_types=[pltpu.VMEM((_CHUNK,), jnp.float32),
                   pltpu.VMEM((4, 128), jnp.int32),
                   pltpu.VMEM((16,), jnp.int32),
                   pltpu.VMEM((16,), jnp.float32)])
def _sum_kernel(rawA, rawB, prev_hist, prev_state, parts_o, state_o,
                data_v, h4_v, st_v, tf_v):
    c = lax.axis_index("c")
    s = lax.axis_index("s")
    wid = c * 16 + s
    p = wid // 4
    q = wid % 4
    _load_chunk(rawA, rawB, data_v, p, q)
    pltpu.sync_copy(prev_hist.at[pl.ds(p * 4, 4)], h4_v)
    pltpu.sync_copy(prev_state.at[p], st_v)
    prefix_prev = _lane0(st_v[...])
    c_prev = _lane1(st_v[...])

    digit, c_inc = _scan_hist(h4_v, jnp.int32(_K) - c_prev, 8)
    vbits = (prefix_prev << _ROUNDS[2][1]) | digit
    c_above = c_prev + c_inc

    v = plsc.bitcast(jnp.zeros((16,), jnp.int32) + vbits, jnp.float32)
    zf = jnp.zeros((16,), jnp.float32)

    @plsc.parallel_loop(0, _NVREG // 4, 1, unroll=4, carry=(zf, zf, zf, zf))
    def _accs(i, accs):
        a0, a1, a2, a3 = accs
        base = i * 64
        x0 = data_v[pl.ds(base, 16)]
        x1 = data_v[pl.ds(base + 16, 16)]
        x2 = data_v[pl.ds(base + 32, 16)]
        x3 = data_v[pl.ds(base + 48, 16)]
        return (a0 + jnp.where(x0 > v, x0, zf),
                a1 + jnp.where(x1 > v, x1, zf),
                a2 + jnp.where(x2 > v, x2, zf),
                a3 + jnp.where(x3 > v, x3, zf))
    a0, a1, a2, a3 = _accs
    tf_v[...] = (a0 + a1) + (a2 + a3)
    pltpu.sync_copy(tf_v, parts_o.at[wid])

    @pl.when(q == 0)
    def _():
        iota = lax.iota(jnp.int32, 16)
        st_v[...] = jnp.where(iota == 0, vbits,
                              jnp.where(iota == 1, c_above, 0))
        pltpu.sync_copy(st_v, state_o.at[p])


_H1 = _make_hist(1)
_H2 = _make_hist(2)


def kernel(gt, cls_gt, logits_1, logits_2, selector, it):
    rawA, rawB, tot = _run_ce(cls_gt, logits_1, logits_2, selector)
    rawA = rawA.reshape(4, _N)
    rawB = rawB.reshape(4, _N)
    zero_state = jnp.zeros((8, 16), jnp.int32)
    h0 = _h0_kernel(rawA, rawB)
    h1, st1 = _H1(rawA, rawB, h0, zero_state)
    h2, st2 = _H2(rawA, rawB, h1, st1)
    parts, st3 = _sum_kernel(rawA, rawB, h2, st2)
    v = lax.bitcast_convert_type(st3[:, 0], jnp.float32)
    c_above = st3[:, 1].astype(jnp.float32)
    s_above = jnp.sum(parts.reshape(8, 4 * 16), axis=1)
    tk = s_above + (jnp.float32(_K) - c_above) * v
    per_topk = tk / jnp.float32(_K)
    per_tot = tot[:, 0] / jnp.float32(_N)
    per = jnp.where(it < _START_WARM, per_tot, per_topk)
    return jnp.sum(per) * jnp.float32(0.25)

# --- scband reference (transcript-rebuilt; emitter-appended) ---
"""Pipeline reference for scband-video-bootstrapped-celoss-28020366639480 (READ-ONLY COPY).

The authoritative reference and input builder live on the scoring server;
editing this copy changes nothing except your own understanding.
"""

import jax, jax.numpy as jnp
import numpy as np

START_WARM = 20000
END_WARM = 70000
TOP_P = 0.15


def setup_inputs(seed: int = 0) -> dict:
    key = jax.random.key(seed)
    k1, k2, k3, k4 = jax.random.split(key, 4)
    b, s, H, W, C = 4, 3, 384, 384, 3
    gt = jax.random.normal(k1, (b, s, 1, H, W), dtype=jnp.float32)
    cls_gt = jax.random.randint(k2, (b, s, H, W), 0, C)
    logits_1 = jax.random.normal(k3, (b, C, H, W), dtype=jnp.float32)
    logits_2 = jax.random.normal(k4, (b, C, H, W), dtype=jnp.float32)
    selector = jnp.ones((b, 2), dtype=jnp.float32)
    return {"gt": gt, "cls_gt": cls_gt, "logits_1": logits_1, "logits_2": logits_2, "selector": selector, "it": 100000}


def _bce(inp, tgt, it):
    # inp: [1, C, H, W] float, tgt: [1, H, W] int
    logp = jax.nn.log_softmax(inp, axis=1)
    raw = -jnp.take_along_axis(logp, tgt[:, None, :, :], axis=1)[:, 0]  # [1, H, W]
    raw = raw.reshape(-1)
    this_p = jnp.where(
        it > END_WARM,
        jnp.float32(TOP_P),
        TOP_P + (1.0 - TOP_P) * ((END_WARM - it) / (END_WARM - START_WARM)),
    )
    k = int(raw.shape[0] * TOP_P)
    topk, _ = jax.lax.top_k(raw, k)
    loss = jnp.where(it < START_WARM, raw.mean(), topk.mean())
    return loss, this_p


def reference(gt, cls_gt, logits_1, logits_2, selector, it):
    b = gt.shape[0]
    s = gt.shape[1]
    logits_list = [logits_1, logits_2]
    losses = jnp.float32(0.0)
    for i in range(1, s):
        loss_i = jnp.float32(0.0)
        for j in range(b):
            inp_full = logits_list[i - 1][j:j + 1]
            tgt = cls_gt[j:j + 1, i]
            if selector is not None:
                loss_full, p = _bce(inp_full, tgt, it)
                loss_part, _ = _bce(inp_full[:, :2], tgt, it)
                loss = jnp.where(selector[j, 1] > 0.5, loss_full, loss_part)
            else:
                loss, p = _bce(inp_full[:, :2], tgt, it)
            loss_i = loss_i + loss / b
        losses = losses + loss_i
    return losses

if __name__ == "__main__":
    import jax
    _d = setup_inputs()
    print(jax.jit(kernel)(*tuple(_d.values())))

</pallas_src>

<mosaic_0001>
#map = affine_map<(d0, d1) -> (0, 0)>
module attributes {stable_mosaic.version = 14 : i64} {
  func.func @hist_kernel(%arg0: i32, %arg1: i32, %arg2: memref<4x147456xf32, #tpu.memory_space<hbm>>, %arg3: memref<4x147456xf32, #tpu.memory_space<hbm>>, %arg4: memref<32x4096xi32, #tpu.memory_space<hbm>>, %arg5: memref<8x16xi32, #tpu.memory_space<hbm>>, %arg6: memref<32x128xi32, #tpu.memory_space<hbm>>, %arg7: memref<8x16xi32, #tpu.memory_space<hbm>>, %arg8: memref<36864xf32, #tpu.memory_space<vmem>>, %arg9: memref<4x4096xi32, #tpu.memory_space<vmem>>, %arg10: memref<128xi32, #tpu.memory_space<vmem>>, %arg11: memref<16xi32, #tpu.memory_space<vmem>>) attributes {dimension_semantics = [#tpu.dimension_semantics<core_parallel>, #tpu.dimension_semantics<subcore_parallel>], iteration_bounds = array<i64: 2, 16>, scalar_prefetch = 0 : i64, scratch_operands = 4 : i64, tpu.core_type = #tpu.core_type<sc_vector_subcore>, window_params = [{transform_indices = #map}, {transform_indices = #map}, {transform_indices = #map}, {transform_indices = #map}, {transform_indices = #map}, {transform_indices = #map}]} {
    %mul3A = arith.constant 16 : i32
    %mul3A_0 = arith.muli %arg0, %mul3A : i32
    %add3A = arith.addi %mul3A_0, %arg1 : i32
    %jit3A = arith.constant 4 : i32
    %div3A = arith.divsi %add3A, %jit3A : i32
    %sign3A = arith.constant 0 : i32
    %sign3A_1 = arith.cmpi sgt, %add3A, %sign3A : i32
    %sign3A_2 = arith.extui %sign3A_1 : i1 to i32
    %sign3A_3 = arith.constant 0 : i32
    %sign3A_4 = arith.cmpi slt, %add3A, %sign3A_3 : i32
    %sign3A_5 = arith.extui %sign3A_4 : i1 to i32
    %sign3A_6 = arith.subi %sign3A_2, %sign3A_5 : i32
    %sign3A_7 = arith.constant 0 : i32
    %sign3A_8 = arith.cmpi sgt, %jit3A, %sign3A_7 : i32
    %sign3A_9 = arith.extui %sign3A_8 : i1 to i32
    %sign3A_10 = arith.constant 0 : i32
    %sign3A_11 = arith.cmpi slt, %jit3A, %sign3A_10 : i32
    %sign3A_12 = arith.extui %sign3A_11 : i1 to i32
    %sign3A_13 = arith.subi %sign3A_9, %sign3A_12 : i32
    %ne3A = arith.cmpi ne, %sign3A_6, %sign3A_13 : i32
    %rem3A = arith.remsi %add3A, %jit3A : i32
    %ne3A_14 = arith.constant 0 : i32
    %ne3A_15 = arith.cmpi ne, %rem3A, %ne3A_14 : i32
    %and3A = arith.andi %ne3A, %ne3A_15 : i1
    %sub3A = arith.constant 1 : i32
    %sub3A_16 = arith.subi %div3A, %sub3A : i32
    %select_n3A = arith.select %and3A, %sub3A_16, %div3A : i32
    %jit3A_17 = arith.constant 4 : i32
    %eq3A = arith.constant 0 : i32
    %eq3A_18 = arith.cmpi eq, %jit3A_17, %eq3A : i32
    %jit3A_19 = arith.constant 1 : i32
    %select_n3A_20 = arith.select %eq3A_18, %jit3A_19, %jit3A_17 : i32
    %rem3A_21 = arith.remsi %add3A, %select_n3A_20 : i32
    %ne3A_22 = arith.constant 0 : i32
    %ne3A_23 = arith.cmpi ne, %rem3A_21, %ne3A_22 : i32
    %lt3A = arith.constant 0 : i32
    %lt3A_24 = arith.cmpi slt, %rem3A_21, %lt3A : i32
    %lt3A_25 = arith.constant 0 : i32
    %lt3A_26 = arith.cmpi slt, %select_n3A_20, %lt3A_25 : i32
    %ne3A_27 = arith.xori %lt3A_24, %lt3A_26 : i1
    %and3A_28 = arith.andi %ne3A_27, %ne3A_23 : i1
    %add3A_29 = arith.addi %rem3A_21, %select_n3A_20 : i32
    %select_n3A_30 = arith.select %and3A_28, %add3A_29, %rem3A_21 : i32
    %lt3A_31 = arith.constant 4 : i32
    %lt3A_32 = arith.cmpi slt, %select_n3A, %lt3A_31 : i32
    %convert_element_type3A = arith.extui %lt3A_32 : i1 to i32
    %cond3A = arith.constant 0 : i32
    %cond3A_33 = arith.cmpi ne, %convert_element_type3A, %cond3A : i32
    scf.if %cond3A_33 {
      %mul3A_156 = arith.constant 36864 : i32
      %mul3A_157 = arith.muli %select_n3A_30, %mul3A_156 : i32
      "tpu.region"() ({
        %run_scoped3A = tpu.sem_alloc : memref<!tpu.dma_semaphore, #tpu.memory_space<semaphore_mem>>
        %dma_start3A = tpu.memref_slice %arg2[%select_n3A, %mul3A_157] : memref<4x147456xf32, #tpu.memory_space<hbm>> -> memref<1x36864xf32, #tpu.memory_space<hbm>>
        %dma_start3A_158 = tpu.memref_squeeze %dma_start3A : memref<1x36864xf32, #tpu.memory_space<hbm>> -> memref<36864xf32, #tpu.memory_space<hbm>>
        %dma_start3A_159 = tpu.memref_slice %arg2[%select_n3A, %mul3A_157] : memref<4x147456xf32, #tpu.memory_space<hbm>> -> memref<1x36864xf32, #tpu.memory_space<hbm>>
        %dma_start3A_160 = tpu.memref_squeeze %dma_start3A_159 : memref<1x36864xf32, #tpu.memory_space<hbm>> -> memref<36864xf32, #tpu.memory_space<hbm>>
        tpu.enqueue_dma source(%dma_start3A_160 : memref<36864xf32, #tpu.memory_space<hbm>>) target(%arg8 : memref<36864xf32, #tpu.memory_space<vmem>>) target_semaphore(%run_scoped3A : memref<!tpu.dma_semaphore, #tpu.memory_space<semaphore_mem>>)
        %dma_wait3A = tpu.memref_slice %arg2[%select_n3A, %mul3A_157] : memref<4x147456xf32, #tpu.memory_space<hbm>> -> memref<1x36864xf32, #tpu.memory_space<hbm>>
        %dma_wait3A_161 = tpu.memref_squeeze %dma_wait3A : memref<1x36864xf32, #tpu.memory_space<hbm>> -> memref<36864xf32, #tpu.memory_space<hbm>>
        %dma_wait3A_162 = tpu.memref_slice %arg2[%select_n3A, %mul3A_157] : memref<4x147456xf32, #tpu.memory_space<hbm>> -> memref<1x36864xf32, #tpu.memory_space<hbm>>
        %dma_wait3A_163 = tpu.memref_squeeze %dma_wait3A_162 : memref<1x36864xf32, #tpu.memory_space<hbm>> -> memref<36864xf32, #tpu.memory_space<hbm>>
        tpu.wait_dma2 semaphore(%run_scoped3A : memref<!tpu.dma_semaphore, #tpu.memory_space<semaphore_mem>>) src(%dma_wait3A_163 : memref<36864xf32, #tpu.memory_space<hbm>>) dst(%arg8 : memref<36864xf32, #tpu.memory_space<vmem>>)
        tpu.yield
      }) : () -> ()
    } else {
    }
    %ge3A = arith.constant 4 : i32
    %ge3A_34 = arith.cmpi sge, %select_n3A, %ge3A : i32
    %convert_element_type3A_35 = arith.extui %ge3A_34 : i1 to i32
    %cond3A_36 = arith.constant 0 : i32
    %cond3A_37 = arith.cmpi ne, %convert_element_type3A_35, %cond3A_36 : i32
    scf.if %cond3A_37 {
      %sub3A_156 = arith.constant 4 : i32
      %sub3A_157 = arith.subi %select_n3A, %sub3A_156 : i32
      %mul3A_158 = arith.constant 36864 : i32
      %mul3A_159 = arith.muli %select_n3A_30, %mul3A_158 : i32
      "tpu.region"() ({
        %run_scoped3A = tpu.sem_alloc : memref<!tpu.dma_semaphore, #tpu.memory_space<semaphore_mem>>
        %dma_start3A = tpu.memref_slice %arg3[%sub3A_157, %mul3A_159] : memref<4x147456xf32, #tpu.memory_space<hbm>> -> memref<1x36864xf32, #tpu.memory_space<hbm>>
        %dma_start3A_160 = tpu.memref_squeeze %dma_start3A : memref<1x36864xf32, #tpu.memory_space<hbm>> -> memref<36864xf32, #tpu.memory_space<hbm>>
        %dma_start3A_161 = tpu.memref_slice %arg3[%sub3A_157, %mul3A_159] : memref<4x147456xf32, #tpu.memory_space<hbm>> -> memref<1x36864xf32, #tpu.memory_space<hbm>>
        %dma_start3A_162 = tpu.memref_squeeze %dma_start3A_161 : memref<1x36864xf32, #tpu.memory_space<hbm>> -> memref<36864xf32, #tpu.memory_space<hbm>>
        tpu.enqueue_dma source(%dma_start3A_162 : memref<36864xf32, #tpu.memory_space<hbm>>) target(%arg8 : memref<36864xf32, #tpu.memory_space<vmem>>) target_semaphore(%run_scoped3A : memref<!tpu.dma_semaphore, #tpu.memory_space<semaphore_mem>>)
        %dma_wait3A = tpu.memref_slice %arg3[%sub3A_157, %mul3A_159] : memref<4x147456xf32, #tpu.memory_space<hbm>> -> memref<1x36864xf32, #tpu.memory_space<hbm>>
        %dma_wait3A_163 = tpu.memref_squeeze %dma_wait3A : memref<1x36864xf32, #tpu.memory_space<hbm>> -> memref<36864xf32, #tpu.memory_space<hbm>>
        %dma_wait3A_164 = tpu.memref_slice %arg3[%sub3A_157, %mul3A_159] : memref<4x147456xf32, #tpu.memory_space<hbm>> -> memref<1x36864xf32, #tpu.memory_space<hbm>>
        %dma_wait3A_165 = tpu.memref_squeeze %dma_wait3A_164 : memref<1x36864xf32, #tpu.memory_space<hbm>> -> memref<36864xf32, #tpu.memory_space<hbm>>
        tpu.wait_dma2 semaphore(%run_scoped3A : memref<!tpu.dma_semaphore, #tpu.memory_space<semaphore_mem>>) src(%dma_wait3A_165 : memref<36864xf32, #tpu.memory_space<hbm>>) dst(%arg8 : memref<36864xf32, #tpu.memory_space<vmem>>)
        tpu.yield
      }) : () -> ()
    } else {
    }
    %mul3A_38 = arith.constant 4 : i32
    %mul3A_39 = arith.muli %select_n3A, %mul3A_38 : i32
    "tpu.region"() ({
      %run_scoped3A = tpu.sem_alloc : memref<!tpu.dma_semaphore, #tpu.memory_space<semaphore_mem>>
      %dma_start3A = arith.constant 0 : i32
      %dma_start3A_156 = tpu.memref_slice %arg4[%mul3A_39, %dma_start3A] : memref<32x4096xi32, #tpu.memory_space<hbm>> -> memref<4x4096xi32, #tpu.memory_space<hbm>>
      %dma_start3A_157 = arith.constant 0 : i32
      %dma_start3A_158 = tpu.memref_slice %arg4[%mul3A_39, %dma_start3A_157] : memref<32x4096xi32, #tpu.memory_space<hbm>> -> memref<4x4096xi32, #tpu.memory_space<hbm>>
      tpu.enqueue_dma source(%dma_start3A_158 : memref<4x4096xi32, #tpu.memory_space<hbm>>) target(%arg9 : memref<4x4096xi32, #tpu.memory_space<vmem>>) target_semaphore(%run_scoped3A : memref<!tpu.dma_semaphore, #tpu.memory_space<semaphore_mem>>)
      %dma_wait3A = arith.constant 0 : i32
      %dma_wait3A_159 = tpu.memref_slice %arg4[%mul3A_39, %dma_wait3A] : memref<32x4096xi32, #tpu.memory_space<hbm>> -> memref<4x4096xi32, #tpu.memory_space<hbm>>
      %dma_wait3A_160 = arith.constant 0 : i32
      %dma_wait3A_161 = tpu.memref_slice %arg4[%mul3A_39, %dma_wait3A_160] : memref<32x4096xi32, #tpu.memory_space<hbm>> -> memref<4x4096xi32, #tpu.memory_space<hbm>>
      tpu.wait_dma2 semaphore(%run_scoped3A : memref<!tpu.dma_semaphore, #tpu.memory_space<semaphore_mem>>) src(%dma_wait3A_161 : memref<4x4096xi32, #tpu.memory_space<hbm>>) dst(%arg9 : memref<4x4096xi32, #tpu.memory_space<vmem>>)
      tpu.yield
    }) : () -> ()
    "tpu.region"() ({
      %run_scoped3A = tpu.sem_alloc : memref<!tpu.dma_semaphore, #tpu.memory_space<semaphore_mem>>
      %dma_start3A = arith.constant 0 : i32
      %dma_start3A_156 = tpu.memref_slice %arg5[%select_n3A, %dma_start3A] : memref<8x16xi32, #tpu.memory_space<hbm>> -> memref<1x16xi32, #tpu.memory_space<hbm>>
      %dma_start3A_157 = tpu.memref_squeeze %dma_start3A_156 : memref<1x16xi32, #tpu.memory_space<hbm>> -> memref<16xi32, #tpu.memory_space<hbm>>
      %dma_start3A_158 = arith.constant 0 : i32
      %dma_start3A_159 = tpu.memref_slice %arg5[%select_n3A, %dma_start3A_158] : memref<8x16xi32, #tpu.memory_space<hbm>> -> memref<1x16xi32, #tpu.memory_space<hbm>>
      %dma_start3A_160 = tpu.memref_squeeze %dma_start3A_159 : memref<1x16xi32, #tpu.memory_space<hbm>> -> memref<16xi32, #tpu.memory_space<hbm>>
      tpu.enqueue_dma source(%dma_start3A_160 : memref<16xi32, #tpu.memory_space<hbm>>) target(%arg11 : memref<16xi32, #tpu.memory_space<vmem>>) target_semaphore(%run_scoped3A : memref<!tpu.dma_semaphore, #tpu.memory_space<semaphore_mem>>)
      %dma_wait3A = arith.constant 0 : i32
      %dma_wait3A_161 = tpu.memref_slice %arg5[%select_n3A, %dma_wait3A] : memref<8x16xi32, #tpu.memory_space<hbm>> -> memref<1x16xi32, #tpu.memory_space<hbm>>
      %dma_wait3A_162 = tpu.memref_squeeze %dma_wait3A_161 : memref<1x16xi32, #tpu.memory_space<hbm>> -> memref<16xi32, #tpu.memory_space<hbm>>
      %dma_wait3A_163 = arith.constant 0 : i32
      %dma_wait3A_164 = tpu.memref_slice %arg5[%select_n3A, %dma_wait3A_163] : memref<8x16xi32, #tpu.memory_space<hbm>> -> memref<1x16xi32, #tpu.memory_space<hbm>>
      %dma_wait3A_165 = tpu.memref_squeeze %dma_wait3A_164 : memref<1x16xi32, #tpu.memory_space<hbm>> -> memref<16xi32, #tpu.memory_space<hbm>>
      tpu.wait_dma2 semaphore(%run_scoped3A : memref<!tpu.dma_semaphore, #tpu.memory_space<semaphore_mem>>) src(%dma_wait3A_165 : memref<16xi32, #tpu.memory_space<hbm>>) dst(%arg11 : memref<16xi32, #tpu.memory_space<vmem>>)
      tpu.yield
    }) : () -> ()
    %get3A = arith.constant 0 : index
    %get3A_40 = tpu.vector_load %arg11[%get3A] {strides = array<i32>} : memref<16xi32, #tpu.memory_space<vmem>>, vector<16xi32>,
    %iota3A = tpu.iota {dimensions = array<i32: 0>} : vector<16xi32>
    %eq3A_41 = arith.constant 0 : i32
    %eq3A_42 = vector.broadcast %eq3A_41 : i32 to vector<16xi32>
    %eq3A_43 = arith.cmpi eq, %iota3A, %eq3A_42 : vector<16xi32>
    %jit3A_44 = arith.constant 0 : i32
    %broadcast_in_dim3A = vector.broadcast %jit3A_44 : i32 to vector<16xi32>
    %select_n3A_45 = arith.select %eq3A_43, %get3A_40, %broadcast_in_dim3A : vector<16xi1>, vector<16xi32>
    %reduce_sum3A = arith.constant true
    %reduce_sum3A_46 = vector.broadcast %reduce_sum3A : i1 to vector<16xi1>
    %reduce_sum3A_47 = tpu.scan <sum>, %select_n3A_45 masked %reduce_sum3A_46 : vector<16xi32>, vector<16xi1> -> vector<16xi32>
    %reduce_sum3A_48 = vector.extract %reduce_sum3A_47[15] : i32 from vector<16xi32>
    %get3A_49 = arith.constant 0 : index
    %get3A_50 = tpu.vector_load %arg11[%get3A_49] {strides = array<i32>} : memref<16xi32, #tpu.memory_space<vmem>>, vector<16xi32>,
    %iota3A_51 = tpu.iota {dimensions = array<i32: 0>} : vector<16xi32>
    %eq3A_52 = arith.constant 1 : i32
    %eq3A_53 = vector.broadcast %eq3A_52 : i32 to vector<16xi32>
    %eq3A_54 = arith.cmpi eq, %iota3A_51, %eq3A_53 : vector<16xi32>
    %jit3A_55 = arith.constant 0 : i32
    %broadcast_in_dim3A_56 = vector.broadcast %jit3A_55 : i32 to vector<16xi32>
    %select_n3A_57 = arith.select %eq3A_54, %get3A_50, %broadcast_in_dim3A_56 : vector<16xi1>, vector<16xi32>
    %reduce_sum3A_58 = arith.constant true
    %reduce_sum3A_59 = vector.broadcast %reduce_sum3A_58 : i1 to vector<16xi1>
    %reduce_sum3A_60 = tpu.scan <sum>, %select_n3A_57 masked %reduce_sum3A_59 : vector<16xi32>, vector<16xi1> -> vector<16xi32>
    %reduce_sum3A_61 = vector.extract %reduce_sum3A_60[15] : i32 from vector<16xi32>
    %sub3A_62 = arith.constant 22118 : i32
    %sub3A_63 = arith.subi %sub3A_62, %reduce_sum3A_61 : i32
    %iota3A_64 = tpu.iota {dimensions = array<i32: 0>} : vector<16xi32>
    %scan3A = arith.constant 0 : i32
    %scan3A_65 = arith.constant 0 : i32
    %scan3A_66 = arith.constant 0 : i32
    %scan3A_67 = arith.constant 0 : i32
    %scan3A_68 = arith.constant 0 : i32
    %scan3A_69 = arith.constant 256 : i32
    %scan3A_70 = arith.addi %scan3A_68, %scan3A_69 : i32
    %scan3A_71 = arith.constant 1 : i32
    %scan3A_72:4 = scf.for %scan3A_156 = %scan3A_68 to %scan3A_70 step %scan3A_71 iter_args(%scan3A_157 = %scan3A, %scan3A_158 = %scan3A_65, %scan3A_159 = %scan3A_66, %scan3A_160 = %scan3A_67) -> (i32, i32, i32, i32)  : i32 {
      %sub3A_161 = arith.constant 255 : i32
      %sub3A_162 = arith.subi %sub3A_161, %scan3A_156 : i32
      %mul3A_163 = arith.constant 16 : i32
      %mul3A_164 = arith.muli %sub3A_162, %mul3A_163 : i32
      %get3A_165 = arith.constant 0 : i32
      %get3A_166 = arith.index_cast %get3A_165 : i32 to index
      %get3A_167 = arith.index_cast %mul3A_164 : i32 to index
      %get3A_168 = tpu.vector_load %arg9[%get3A_166, %get3A_167] {strides = array<i32>} : memref<4x4096xi32, #tpu.memory_space<vmem>>, vector<16xi32>,
      %get3A_169 = arith.constant 1 : i32
      %get3A_170 = arith.index_cast %get3A_169 : i32 to index
      %get3A_171 = arith.index_cast %mul3A_164 : i32 to index
      %get3A_172 = tpu.vector_load %arg9[%get3A_170, %get3A_171] {strides = array<i32>} : memref<4x4096xi32, #tpu.memory_space<vmem>>, vector<16xi32>,
      %add3A_173 = arith.addi %get3A_168, %get3A_172 : vector<16xi32>
      %get3A_174 = arith.constant 2 : i32
      %get3A_175 = arith.index_cast %get3A_174 : i32 to index
      %get3A_176 = arith.index_cast %mul3A_164 : i32 to index
      %get3A_177 = tpu.vector_load %arg9[%get3A_175, %get3A_176] {strides = array<i32>} : memref<4x4096xi32, #tpu.memory_space<vmem>>, vector<16xi32>,
      %add3A_178 = arith.addi %add3A_173, %get3A_177 : vector<16xi32>
      %get3A_179 = arith.constant 3 : i32
      %get3A_180 = arith.index_cast %get3A_179 : i32 to index
      %get3A_181 = arith.index_cast %mul3A_164 : i32 to index
      %get3A_182 = tpu.vector_load %arg9[%get3A_180, %get3A_181] {strides = array<i32>} : memref<4x4096xi32, #tpu.memory_space<vmem>>, vector<16xi32>,
      %add3A_183 = arith.addi %add3A_178, %get3A_182 : vector<16xi32>
      %reduce_sum3A_184 = arith.constant true
      %reduce_sum3A_185 = vector.broadcast %reduce_sum3A_184 : i1 to vector<16xi1>
      %reduce_sum3A_186 = tpu.scan <sum>, %add3A_183 masked %reduce_sum3A_185 : vector<16xi32>, vector<16xi1> -> vector<16xi32>
      %reduce_sum3A_187 = vector.extract %reduce_sum3A_186[15] : i32 from vector<16xi32>
      %eq3A_188 = arith.constant 0 : i32
      %eq3A_189 = arith.cmpi eq, %scan3A_158, %eq3A_188 : i32
      %add3A_190 = arith.addi %scan3A_157, %reduce_sum3A_187 : i32
      %ge3A_191 = arith.cmpi sge, %add3A_190, %sub3A_63 : i32
      %and3A_192 = arith.andi %eq3A_189, %ge3A_191 : i1
      %select_n3A_193 = arith.select %and3A_192, %sub3A_162, %scan3A_159 : i32
      %select_n3A_194 = arith.select %and3A_192, %scan3A_157, %scan3A_160 : i32
      %jit3A_195 = arith.constant 1 : i32
      %select_n3A_196 = arith.select %and3A_192, %jit3A_195, %scan3A_158 : i32
      %add3A_197 = arith.addi %scan3A_157, %reduce_sum3A_187 : i32
      scf.yield %add3A_197, %select_n3A_196, %select_n3A_193, %select_n3A_194 : i32, i32, i32, i32
    }
    %scan3A_73 = arith.constant 256 : i32
    %mul3A_74 = arith.constant 16 : i32
    %mul3A_75 = arith.muli %scan3A_72#2, %mul3A_74 : i32
    %get3A_76 = arith.constant 0 : i32
    %get3A_77 = arith.index_cast %get3A_76 : i32 to index
    %get3A_78 = arith.index_cast %mul3A_75 : i32 to index
    %get3A_79 = tpu.vector_load %arg9[%get3A_77, %get3A_78] {strides = array<i32>} : memref<4x4096xi32, #tpu.memory_space<vmem>>, vector<16xi32>,
    %get3A_80 = arith.constant 1 : i32
    %get3A_81 = arith.index_cast %get3A_80 : i32 to index
    %get3A_82 = arith.index_cast %mul3A_75 : i32 to index
    %get3A_83 = tpu.vector_load %arg9[%get3A_81, %get3A_82] {strides = array<i32>} : memref<4x4096xi32, #tpu.memory_space<vmem>>, vector<16xi32>,
    %add3A_84 = arith.addi %get3A_79, %get3A_83 : vector<16xi32>
    %get3A_85 = arith.constant 2 : i32
    %get3A_86 = arith.index_cast %get3A_85 : i32 to index
    %get3A_87 = arith.index_cast %mul3A_75 : i32 to index
    %get3A_88 = tpu.vector_load %arg9[%get3A_86, %get3A_87] {strides = array<i32>} : memref<4x4096xi32, #tpu.memory_space<vmem>>, vector<16xi32>,
    %add3A_89 = arith.addi %add3A_84, %get3A_88 : vector<16xi32>
    %get3A_90 = arith.constant 3 : i32
    %get3A_91 = arith.index_cast %get3A_90 : i32 to index
    %get3A_92 = arith.index_cast %mul3A_75 : i32 to index
    %get3A_93 = tpu.vector_load %arg9[%get3A_91, %get3A_92] {strides = array<i32>} : memref<4x4096xi32, #tpu.memory_space<vmem>>, vector<16xi32>,
    %add3A_94 = arith.addi %add3A_89, %get3A_93 : vector<16xi32>
    %rev3A = arith.constant 15 : i32
    %rev3A_95 = vector.broadcast %rev3A : i32 to vector<16xi32>
    %rev3A_96 = tpu.iota {dimensions = array<i32: 0>} : vector<16xi32>
    %rev3A_97 = arith.subi %rev3A_95, %rev3A_96 : vector<16xi32>
    %rev3A_98 = tpu.dynamic_gather %add3A_94[%rev3A_97] in [0] : vector<16xi32>, vector<16xi32> -> vector<16xi32>
    %broadcast_in_dim3A_99 = arith.constant true
    %broadcast_in_dim3A_100 = vector.broadcast %broadcast_in_dim3A_99 : i1 to vector<16xi1>
    %masked_cumsum3A = tpu.scan <sum>, %rev3A_98 masked %broadcast_in_dim3A_100 : vector<16xi32>, vector<16xi1> -> vector<16xi32>
    %add3A_101 = vector.broadcast %scan3A_72#3 : i32 to vector<16xi32>
    %add3A_102 = arith.addi %add3A_101, %masked_cumsum3A : vector<16xi32>
    %ge3A_103 = vector.broadcast %sub3A_63 : i32 to vector<16xi32>
    %ge3A_104 = arith.cmpi sge, %add3A_102, %ge3A_103 : vector<16xi32>
    %all_reduce_ffs3A = tpu.all_reduce %ge3A_104 {dim = 0 : i64, kind = #tpu.reduction_kind<find_first_set>} : vector<16xi1> -> vector<16xi32>
    %eq3A_105 = arith.constant 0 : i32
    %eq3A_106 = vector.broadcast %eq3A_105 : i32 to vector<16xi32>
    %eq3A_107 = arith.cmpi eq, %iota3A_64, %eq3A_106 : vector<16xi32>
    %jit3A_108 = arith.constant 0 : i32
    %broadcast_in_dim3A_109 = vector.broadcast %jit3A_108 : i32 to vector<16xi32>
    %select_n3A_110 = arith.select %eq3A_107, %all_reduce_ffs3A, %broadcast_in_dim3A_109 : vector<16xi1>, vector<16xi32>
    %reduce_sum3A_111 = arith.constant true
    %reduce_sum3A_112 = vector.broadcast %reduce_sum3A_111 : i1 to vector<16xi1>
    %reduce_sum3A_113 = tpu.scan <sum>, %select_n3A_110 masked %reduce_sum3A_112 : vector<16xi32>, vector<16xi1> -> vector<16xi32>
    %reduce_sum3A_114 = vector.extract %reduce_sum3A_113[15] : i32 from vector<16xi32>
    %eq3A_115 = vector.broadcast %reduce_sum3A_114 : i32 to vector<16xi32>
    %eq3A_116 = arith.cmpi eq, %iota3A_64, %eq3A_115 : vector<16xi32>
    %jit3A_117 = arith.constant 0 : i32
    %broadcast_in_dim3A_118 = vector.broadcast %jit3A_117 : i32 to vector<16xi32>
    %select_n3A_119 = arith.select %eq3A_116, %masked_cumsum3A, %broadcast_in_dim3A_118 : vector<16xi1>, vector<16xi32>
    %reduce_sum3A_120 = arith.constant true
    %reduce_sum3A_121 = vector.broadcast %reduce_sum3A_120 : i1 to vector<16xi1>
    %reduce_sum3A_122 = tpu.scan <sum>, %select_n3A_119 masked %reduce_sum3A_121 : vector<16xi32>, vector<16xi1> -> vector<16xi32>
    %reduce_sum3A_123 = vector.extract %reduce_sum3A_122[15] : i32 from vector<16xi32>
    %eq3A_124 = vector.broadcast %reduce_sum3A_114 : i32 to vector<16xi32>
    %eq3A_125 = arith.cmpi eq, %iota3A_64, %eq3A_124 : vector<16xi32>
    %jit3A_126 = arith.constant 0 : i32
    %broadcast_in_dim3A_127 = vector.broadcast %jit3A_126 : i32 to vector<16xi32>
    %select_n3A_128 = arith.select %eq3A_125, %rev3A_98, %broadcast_in_dim3A_127 : vector<16xi1>, vector<16xi32>
    %reduce_sum3A_129 = arith.constant true
    %reduce_sum3A_130 = vector.broadcast %reduce_sum3A_129 : i1 to vector<16xi1>
    %reduce_sum3A_131 = tpu.scan <sum>, %select_n3A_128 masked %reduce_sum3A_130 : vector<16xi32>, vector<16xi1> -> vector<16xi32>
    %reduce_sum3A_132 = vector.extract %reduce_sum3A_131[15] : i32 from vector<16xi32>
    %mul3A_133 = arith.constant 16 : i32
    %mul3A_134 = arith.muli %scan3A_72#2, %mul3A_133 : i32
    %add3A_135 = arith.constant 15 : i32
    %add3A_136 = arith.addi %mul3A_134, %add3A_135 : i32
    %sub3A_137 = arith.subi %add3A_136, %reduce_sum3A_114 : i32
    %add3A_138 = arith.addi %scan3A_72#3, %reduce_sum3A_123 : i32
    %sub3A_139 = arith.subi %add3A_138, %reduce_sum3A_132 : i32
    %shift_left3A = arith.constant 12 : i32
    %shift_left3A_140 = arith.shli %reduce_sum3A_48, %shift_left3A : i32
    %or3A = arith.ori %shift_left3A_140, %sub3A_137 : i32
    %add3A_141 = arith.addi %reduce_sum3A_61, %sub3A_139 : i32
    %broadcast_in_dim3A_142 = arith.constant 0 : i32
    %broadcast_in_dim3A_143 = vector.broadcast %broadcast_in_dim3A_142 : i32 to vector<16xi32>
    %parallel_loop3A = arith.constant 0 : i32
    %parallel_loop3A_144 = arith.constant 8 : i32
    %parallel_loop3A_145 = arith.constant 1 : i32
    scf.for %parallel_loop3A_156 = %parallel_loop3A to %parallel_loop3A_144 step %parallel_loop3A_145  : i32 {
      %parallel_loop3A_157 = arith.constant 16 : i32
      %parallel_loop3A_158 = arith.muli %parallel_loop3A_156, %parallel_loop3A_157 : i32
      %parallel_loop3A_159 = arith.index_cast %parallel_loop3A_158 : i32 to index
      %parallel_loop3A_160 = tpu.vector_load %arg10[%parallel_loop3A_159] {strides = array<i32>} : memref<128xi32, #tpu.memory_space<vmem>>, vector<16xi32>,
      tpu.vector_store %arg10[%parallel_loop3A_159], %broadcast_in_dim3A_143 {strides = array<i32>} : memref<128xi32, #tpu.memory_space<vmem>>, vector<16xi32>,
    } {sc.loop_unroll_factor = 8 : i64, sc.parallel_access}
    %broadcast_in_dim3A_146 = arith.constant 1 : i32
    %broadcast_in_dim3A_147 = vector.broadcast %broadcast_in_dim3A_146 : i32 to vector<16xi32>
    %parallel_loop3A_148 = arith.constant 0 : i32
    %parallel_loop3A_149 = arith.constant 2304 : i32
    %parallel_loop3A_150 = arith.constant 1 : i32
    scf.for %parallel_loop3A_156 = %parallel_loop3A_148 to %parallel_loop3A_149 step %parallel_loop3A_150  : i32 {
      %parallel_loop3A_157 = arith.constant 16 : i32
      %parallel_loop3A_158 = arith.muli %parallel_loop3A_156, %parallel_loop3A_157 : i32
      %parallel_loop3A_159 = arith.index_cast %parallel_loop3A_158 : i32 to index
      %parallel_loop3A_160 = tpu.vector_load %arg8[%parallel_loop3A_159] {strides = array<i32>} : memref<36864xf32, #tpu.memory_space<vmem>>, vector<16xf32>,
      %parallel_loop3A_161 = vector.bitcast %parallel_loop3A_160 : vector<16xf32> to vector<16xi32>
      %parallel_loop3A_162 = arith.constant 0 : i32
      %parallel_loop3A_163 = vector.broadcast %parallel_loop3A_162 : i32 to vector<16xi32>
      %parallel_loop3A_164 = arith.shrui %parallel_loop3A_161, %parallel_loop3A_163 : vector<16xi32>
      %parallel_loop3A_165 = arith.constant 127 : i32
      %parallel_loop3A_166 = vector.broadcast %parallel_loop3A_165 : i32 to vector<16xi32>
      %parallel_loop3A_167 = arith.andi %parallel_loop3A_164, %parallel_loop3A_166 : vector<16xi32>
      %parallel_loop3A_168 = arith.constant 7 : i32
      %parallel_loop3A_169 = vector.broadcast %parallel_loop3A_168 : i32 to vector<16xi32>
      %parallel_loop3A_170 = arith.shrui %parallel_loop3A_161, %parallel_loop3A_169 : vector<16xi32>
      %parallel_loop3A_171 = vector.broadcast %or3A : i32 to vector<16xi32>
      %parallel_loop3A_172 = arith.cmpi eq, %parallel_loop3A_170, %parallel_loop3A_171 : vector<16xi32>
      tpu.vector_store_idx %arg10[%parallel_loop3A_167], %broadcast_in_dim3A_147 masked %parallel_loop3A_172 {add = true} : memref<128xi32, #tpu.memory_space<vmem>>[vector<16xi32>], vector<16xi32>, vector<16xi1>
    } {sc.loop_unroll_factor = 16 : i64, sc.parallel_access}
    "tpu.region"() ({
      %run_scoped3A = tpu.sem_alloc : memref<!tpu.dma_semaphore, #tpu.memory_space<semaphore_mem>>
      %dma_start3A = arith.constant 0 : i32
      %dma_start3A_156 = tpu.memref_slice %arg6[%add3A, %dma_start3A] : memref<32x128xi32, #tpu.memory_space<hbm>> -> memref<1x128xi32, #tpu.memory_space<hbm>>
      %dma_start3A_157 = tpu.memref_squeeze %dma_start3A_156 : memref<1x128xi32, #tpu.memory_space<hbm>> -> memref<128xi32, #tpu.memory_space<hbm>>
      %dma_start3A_158 = arith.constant 0 : i32
      %dma_start3A_159 = tpu.memref_slice %arg6[%add3A, %dma_start3A_158] : memref<32x128xi32, #tpu.memory_space<hbm>> -> memref<1x128xi32, #tpu.memory_space<hbm>>
      %dma_start3A_160 = tpu.memref_squeeze %dma_start3A_159 : memref<1x128xi32, #tpu.memory_space<hbm>> -> memref<128xi32, #tpu.memory_space<hbm>>
      tpu.enqueue_dma source(%arg10 : memref<128xi32, #tpu.memory_space<vmem>>) target(%dma_start3A_160 : memref<128xi32, #tpu.memory_space<hbm>>) target_semaphore(%run_scoped3A : memref<!tpu.dma_semaphore, #tpu.memory_space<semaphore_mem>>)
      %dma_wait3A = arith.constant 0 : i32
      %dma_wait3A_161 = tpu.memref_slice %arg6[%add3A, %dma_wait3A] : memref<32x128xi32, #tpu.memory_space<hbm>> -> memref<1x128xi32, #tpu.memory_space<hbm>>
      %dma_wait3A_162 = tpu.memref_squeeze %dma_wait3A_161 : memref<1x128xi32, #tpu.memory_space<hbm>> -> memref<128xi32, #tpu.memory_space<hbm>>
      %dma_wait3A_163 = arith.constant 0 : i32
      %dma_wait3A_164 = tpu.memref_slice %arg6[%add3A, %dma_wait3A_163] : memref<32x128xi32, #tpu.memory_space<hbm>> -> memref<1x128xi32, #tpu.memory_space<hbm>>
      %dma_wait3A_165 = tpu.memref_squeeze %dma_wait3A_164 : memref<1x128xi32, #tpu.memory_space<hbm>> -> memref<128xi32, #tpu.memory_space<hbm>>
      tpu.wait_dma2 semaphore(%run_scoped3A : memref<!tpu.dma_semaphore, #tpu.memory_space<semaphore_mem>>) src(%arg10 : memref<128xi32, #tpu.memory_space<vmem>>) dst(%dma_wait3A_165 : memref<128xi32, #tpu.memory_space<hbm>>)
      tpu.yield
    }) : () -> ()
    %eq3A_151 = arith.constant 0 : i32
    %eq3A_152 = arith.cmpi eq, %select_n3A_30, %eq3A_151 : i32
    %convert_element_type3A_153 = arith.extui %eq3A_152 : i1 to i32
    %cond3A_154 = arith.constant 0 : i32
    %cond3A_155 = arith.cmpi ne, %convert_element_type3A_153, %cond3A_154 : i32
    scf.if %cond3A_155 {
      %iota3A_156 = tpu.iota {dimensions = array<i32: 0>} : vector<16xi32>
      %eq3A_157 = arith.constant 0 : i32
      %eq3A_158 = vector.broadcast %eq3A_157 : i32 to vector<16xi32>
      %eq3A_159 = arith.cmpi eq, %iota3A_156, %eq3A_158 : vector<16xi32>
      %eq3A_160 = arith.constant 1 : i32
      %eq3A_161 = vector.broadcast %eq3A_160 : i32 to vector<16xi32>
      %eq3A_162 = arith.cmpi eq, %iota3A_156, %eq3A_161 : vector<16xi32>
      %jit3A_163 = arith.constant 0 : i32
      %broadcast_in_dim3A_164 = vector.broadcast %add3A_141 : i32 to vector<16xi32>
      %broadcast_in_dim3A_165 = vector.broadcast %jit3A_163 : i32 to vector<16xi32>
      %select_n3A_166 = arith.select %eq3A_162, %broadcast_in_dim3A_164, %broadcast_in_dim3A_165 : vector<16xi1>, vector<16xi32>
      %broadcast_in_dim3A_167 = vector.broadcast %or3A : i32 to vector<16xi32>
      %select_n3A_168 = arith.select %eq3A_159, %broadcast_in_dim3A_167, %select_n3A_166 : vector<16xi1>, vector<16xi32>
      %swap3A = arith.constant 0 : index
      %swap3A_169 = tpu.vector_load %arg11[%swap3A] {strides = array<i32>} : memref<16xi32, #tpu.memory_space<vmem>>, vector<16xi32>,
      tpu.vector_store %arg11[%swap3A], %select_n3A_168 {strides = array<i32>} : memref<16xi32, #tpu.memory_space<vmem>>, vector<16xi32>,
      "tpu.region"() ({
        %run_scoped3A = tpu.sem_alloc : memref<!tpu.dma_semaphore, #tpu.memory_space<semaphore_mem>>
        %dma_start3A = arith.constant 0 : i32
        %dma_start3A_170 = tpu.memref_slice %arg7[%select_n3A, %dma_start3A] : memref<8x16xi32, #tpu.memory_space<hbm>> -> memref<1x16xi32, #tpu.memory_space<hbm>>
        %dma_start3A_171 = tpu.memref_squeeze %dma_start3A_170 : memref<1x16xi32, #tpu.memory_space<hbm>> -> memref<16xi32, #tpu.memory_space<hbm>>
        %dma_start3A_172 = arith.constant 0 : i32
        %dma_start3A_173 = tpu.memref_slice %arg7[%select_n3A, %dma_start3A_172] : memref<8x16xi32, #tpu.memory_space<hbm>> -> memref<1x16xi32, #tpu.memory_space<hbm>>
        %dma_start3A_174 = tpu.memref_squeeze %dma_start3A_173 : memref<1x16xi32, #tpu.memory_space<hbm>> -> memref<16xi32, #tpu.memory_space<hbm>>
        tpu.enqueue_dma source(%arg11 : memref<16xi32, #tpu.memory_space<vmem>>) target(%dma_start3A_174 : memref<16xi32, #tpu.memory_space<hbm>>) target_semaphore(%run_scoped3A : memref<!tpu.dma_semaphore, #tpu.memory_space<semaphore_mem>>)
        %dma_wait3A = arith.constant 0 : i32
        %dma_wait3A_175 = tpu.memref_slice %arg7[%select_n3A, %dma_wait3A] : memref<8x16xi32, #tpu.memory_space<hbm>> -> memref<1x16xi32, #tpu.memory_space<hbm>>
        %dma_wait3A_176 = tpu.memref_squeeze %dma_wait3A_175 : memref<1x16xi32, #tpu.memory_space<hbm>> -> memref<16xi32, #tpu.memory_space<hbm>>
        %dma_wait3A_177 = arith.constant 0 : i32
        %dma_wait3A_178 = tpu.memref_slice %arg7[%select_n3A, %dma_wait3A_177] : memref<8x16xi32, #tpu.memory_space<hbm>> -> memref<1x16xi32, #tpu.memory_space<hbm>>
        %dma_wait3A_179 = tpu.memref_squeeze %dma_wait3A_178 : memref<1x16xi32, #tpu.memory_space<hbm>> -> memref<16xi32, #tpu.memory_space<hbm>>
        tpu.wait_dma2 semaphore(%run_scoped3A : memref<!tpu.dma_semaphore, #tpu.memory_space<semaphore_mem>>) src(%arg11 : memref<16xi32, #tpu.memory_space<vmem>>) dst(%dma_wait3A_179 : memref<16xi32, #tpu.memory_space<hbm>>)
        tpu.yield
      }) : () -> ()
    } else {
    }
    return
  }
}

#map = affine_map<(d0, d1) -> (0, 0)>
module attributes {stable_mosaic.version = 14 : i64} {
  func.func @_h0_kernel(%arg0: i32, %arg1: i32, %arg2: memref<4x147456xf32, #tpu.memory_space<hbm>>, %arg3: memref<4x147456xf32, #tpu.memory_space<hbm>>, %arg4: memref<32x4096xi32, #tpu.memory_space<hbm>>, %arg5: memref<36864xf32, #tpu.memory_space<vmem>>, %arg6: memref<4096xi32, #tpu.memory_space<vmem>>) attributes {dimension_semantics = [#tpu.dimension_semantics<core_parallel>, #tpu.dimension_semantics<subcore_parallel>], iteration_bounds = array<i64: 2, 16>, scalar_prefetch = 0 : i64, scratch_operands = 2 : i64, tpu.core_type = #tpu.core_type<sc_vector_subcore>, window_params = [{transform_indices = #map}, {transform_indices = #map}, {transform_indices = #map}]} {
    %mul3A = arith.constant 16 : i32
    %mul3A_0 = arith.muli %arg0, %mul3A : i32
    %add3A = arith.addi %mul3A_0, %arg1 : i32
    %jit3A = arith.constant 4 : i32
    %div3A = arith.divsi %add3A, %jit3A : i32
    %sign3A = arith.constant 0 : i32
    %sign3A_1 = arith.cmpi sgt, %add3A, %sign3A : i32
    %sign3A_2 = arith.extui %sign3A_1 : i1 to i32
    %sign3A_3 = arith.constant 0 : i32
    %sign3A_4 = arith.cmpi slt, %add3A, %sign3A_3 : i32
    %sign3A_5 = arith.extui %sign3A_4 : i1 to i32
    %sign3A_6 = arith.subi %sign3A_2, %sign3A_5 : i32
    %sign3A_7 = arith.constant 0 : i32
    %sign3A_8 = arith.cmpi sgt, %jit3A, %sign3A_7 : i32
    %sign3A_9 = arith.extui %sign3A_8 : i1 to i32
    %sign3A_10 = arith.constant 0 : i32
    %sign3A_11 = arith.cmpi slt, %jit3A, %sign3A_10 : i32
    %sign3A_12 = arith.extui %sign3A_11 : i1 to i32
    %sign3A_13 = arith.subi %sign3A_9, %sign3A_12 : i32
    %ne3A = arith.cmpi ne, %sign3A_6, %sign3A_13 : i32
    %rem3A = arith.remsi %add3A, %jit3A : i32
    %ne3A_14 = arith.constant 0 : i32
    %ne3A_15 = arith.cmpi ne, %rem3A, %ne3A_14 : i32
    %and3A = arith.andi %ne3A, %ne3A_15 : i1
    %sub3A = arith.constant 1 : i32
    %sub3A_16 = arith.subi %div3A, %sub3A : i32
    %select_n3A = arith.select %and3A, %sub3A_16, %div3A : i32
    %jit3A_17 = arith.constant 4 : i32
    %eq3A = arith.constant 0 : i32
    %eq3A_18 = arith.cmpi eq, %jit3A_17, %eq3A : i32
    %jit3A_19 = arith.constant 1 : i32
    %select_n3A_20 = arith.select %eq3A_18, %jit3A_19, %jit3A_17 : i32
    %rem3A_21 = arith.remsi %add3A, %select_n3A_20 : i32
    %ne3A_22 = arith.constant 0 : i32
    %ne3A_23 = arith.cmpi ne, %rem3A_21, %ne3A_22 : i32
    %lt3A = arith.constant 0 : i32
    %lt3A_24 = arith.cmpi slt, %rem3A_21, %lt3A : i32
    %lt3A_25 = arith.constant 0 : i32
    %lt3A_26 = arith.cmpi slt, %select_n3A_20, %lt3A_25 : i32
    %ne3A_27 = arith.xori %lt3A_24, %lt3A_26 : i1
    %and3A_28 = arith.andi %ne3A_27, %ne3A_23 : i1
    %add3A_29 = arith.addi %rem3A_21, %select_n3A_20 : i32
    %select_n3A_30 = arith.select %and3A_28, %add3A_29, %rem3A_21 : i32
    %lt3A_31 = arith.constant 4 : i32
    %lt3A_32 = arith.cmpi slt, %select_n3A, %lt3A_31 : i32
    %convert_element_type3A = arith.extui %lt3A_32 : i1 to i32
    %cond3A = arith.constant 0 : i32
    %cond3A_33 = arith.cmpi ne, %convert_element_type3A, %cond3A : i32
    scf.if %cond3A_33 {
      %mul3A_46 = arith.constant 36864 : i32
      %mul3A_47 = arith.muli %select_n3A_30, %mul3A_46 : i32
      "tpu.region"() ({
        %run_scoped3A = tpu.sem_alloc : memref<!tpu.dma_semaphore, #tpu.memory_space<semaphore_mem>>
        %dma_start3A = tpu.memref_slice %arg2[%select_n3A, %mul3A_47] : memref<4x147456xf32, #tpu.memory_space<hbm>> -> memref<1x36864xf32, #tpu.memory_space<hbm>>
        %dma_start3A_48 = tpu.memref_squeeze %dma_start3A : memref<1x36864xf32, #tpu.memory_space<hbm>> -> memref<36864xf32, #tpu.memory_space<hbm>>
        %dma_start3A_49 = tpu.memref_slice %arg2[%select_n3A, %mul3A_47] : memref<4x147456xf32, #tpu.memory_space<hbm>> -> memref<1x36864xf32, #tpu.memory_space<hbm>>
        %dma_start3A_50 = tpu.memref_squeeze %dma_start3A_49 : memref<1x36864xf32, #tpu.memory_space<hbm>> -> memref<36864xf32, #tpu.memory_space<hbm>>
        tpu.enqueue_dma source(%dma_start3A_50 : memref<36864xf32, #tpu.memory_space<hbm>>) target(%arg5 : memref<36864xf32, #tpu.memory_space<vmem>>) target_semaphore(%run_scoped3A : memref<!tpu.dma_semaphore, #tpu.memory_space<semaphore_mem>>)
        %dma_wait3A = tpu.memref_slice %arg2[%select_n3A, %mul3A_47] : memref<4x147456xf32, #tpu.memory_space<hbm>> -> memref<1x36864xf32, #tpu.memory_space<hbm>>
        %dma_wait3A_51 = tpu.memref_squeeze %dma_wait3A : memref<1x36864xf32, #tpu.memory_space<hbm>> -> memref<36864xf32, #tpu.memory_space<hbm>>
        %dma_wait3A_52 = tpu.memref_slice %arg2[%select_n3A, %mul3A_47] : memref<4x147456xf32, #tpu.memory_space<hbm>> -> memref<1x36864xf32, #tpu.memory_space<hbm>>
        %dma_wait3A_53 = tpu.memref_squeeze %dma_wait3A_52 : memref<1x36864xf32, #tpu.memory_space<hbm>> -> memref<36864xf32, #tpu.memory_space<hbm>>
        tpu.wait_dma2 semaphore(%run_scoped3A : memref<!tpu.dma_semaphore, #tpu.memory_space<semaphore_mem>>) src(%dma_wait3A_53 : memref<36864xf32, #tpu.memory_space<hbm>>) dst(%arg5 : memref<36864xf32, #tpu.memory_space<vmem>>)
        tpu.yield
      }) : () -> ()
    } else {
    }
    %ge3A = arith.constant 4 : i32
    %ge3A_34 = arith.cmpi sge, %select_n3A, %ge3A : i32
    %convert_element_type3A_35 = arith.extui %ge3A_34 : i1 to i32
    %cond3A_36 = arith.constant 0 : i32
    %cond3A_37 = arith.cmpi ne, %convert_element_type3A_35, %cond3A_36 : i32
    scf.if %cond3A_37 {
      %sub3A_46 = arith.constant 4 : i32
      %sub3A_47 = arith.subi %select_n3A, %sub3A_46 : i32
      %mul3A_48 = arith.constant 36864 : i32
      %mul3A_49 = arith.muli %select_n3A_30, %mul3A_48 : i32
      "tpu.region"() ({
        %run_scoped3A = tpu.sem_alloc : memref<!tpu.dma_semaphore, #tpu.memory_space<semaphore_mem>>
        %dma_start3A = tpu.memref_slice %arg3[%sub3A_47, %mul3A_49] : memref<4x147456xf32, #tpu.memory_space<hbm>> -> memref<1x36864xf32, #tpu.memory_space<hbm>>
        %dma_start3A_50 = tpu.memref_squeeze %dma_start3A : memref<1x36864xf32, #tpu.memory_space<hbm>> -> memref<36864xf32, #tpu.memory_space<hbm>>
        %dma_start3A_51 = tpu.memref_slice %arg3[%sub3A_47, %mul3A_49] : memref<4x147456xf32, #tpu.memory_space<hbm>> -> memref<1x36864xf32, #tpu.memory_space<hbm>>
        %dma_start3A_52 = tpu.memref_squeeze %dma_start3A_51 : memref<1x36864xf32, #tpu.memory_space<hbm>> -> memref<36864xf32, #tpu.memory_space<hbm>>
        tpu.enqueue_dma source(%dma_start3A_52 : memref<36864xf32, #tpu.memory_space<hbm>>) target(%arg5 : memref<36864xf32, #tpu.memory_space<vmem>>) target_semaphore(%run_scoped3A : memref<!tpu.dma_semaphore, #tpu.memory_space<semaphore_mem>>)
        %dma_wait3A = tpu.memref_slice %arg3[%sub3A_47, %mul3A_49] : memref<4x147456xf32, #tpu.memory_space<hbm>> -> memref<1x36864xf32, #tpu.memory_space<hbm>>
        %dma_wait3A_53 = tpu.memref_squeeze %dma_wait3A : memref<1x36864xf32, #tpu.memory_space<hbm>> -> memref<36864xf32, #tpu.memory_space<hbm>>
        %dma_wait3A_54 = tpu.memref_slice %arg3[%sub3A_47, %mul3A_49] : memref<4x147456xf32, #tpu.memory_space<hbm>> -> memref<1x36864xf32, #tpu.memory_space<hbm>>
        %dma_wait3A_55 = tpu.memref_squeeze %dma_wait3A_54 : memref<1x36864xf32, #tpu.memory_space<hbm>> -> memref<36864xf32, #tpu.memory_space<hbm>>
        tpu.wait_dma2 semaphore(%run_scoped3A : memref<!tpu.dma_semaphore, #tpu.memory_space<semaphore_mem>>) src(%dma_wait3A_55 : memref<36864xf32, #tpu.memory_space<hbm>>) dst(%arg5 : memref<36864xf32, #tpu.memory_space<vmem>>)
        tpu.yield
      }) : () -> ()
    } else {
    }
    %broadcast_in_dim3A = arith.constant 0 : i32
    %broadcast_in_dim3A_38 = vector.broadcast %broadcast_in_dim3A : i32 to vector<16xi32>
    %parallel_loop3A = arith.constant 0 : i32
    %parallel_loop3A_39 = arith.constant 256 : i32
    %parallel_loop3A_40 = arith.constant 1 : i32
    scf.for %parallel_loop3A_46 = %parallel_loop3A to %parallel_loop3A_39 step %parallel_loop3A_40  : i32 {
      %parallel_loop3A_47 = arith.constant 16 : i32
      %parallel_loop3A_48 = arith.muli %parallel_loop3A_46, %parallel_loop3A_47 : i32
      %parallel_loop3A_49 = arith.index_cast %parallel_loop3A_48 : i32 to index
      %parallel_loop3A_50 = tpu.vector_load %arg6[%parallel_loop3A_49] {strides = array<i32>} : memref<4096xi32, #tpu.memory_space<vmem>>, vector<16xi32>,
      tpu.vector_store %arg6[%parallel_loop3A_49], %broadcast_in_dim3A_38 {strides = array<i32>} : memref<4096xi32, #tpu.memory_space<vmem>>, vector<16xi32>,
    } {sc.loop_unroll_factor = 8 : i64, sc.parallel_access}
    %broadcast_in_dim3A_41 = arith.constant 1 : i32
    %broadcast_in_dim3A_42 = vector.broadcast %broadcast_in_dim3A_41 : i32 to vector<16xi32>
    %parallel_loop3A_43 = arith.constant 0 : i32
    %parallel_loop3A_44 = arith.constant 2304 : i32
    %parallel_loop3A_45 = arith.constant 1 : i32
    scf.for %parallel_loop3A_46 = %parallel_loop3A_43 to %parallel_loop3A_44 step %parallel_loop3A_45  : i32 {
      %parallel_loop3A_47 = arith.constant 16 : i32
      %parallel_loop3A_48 = arith.muli %parallel_loop3A_46, %parallel_loop3A_47 : i32
      %parallel_loop3A_49 = arith.index_cast %parallel_loop3A_48 : i32 to index
      %parallel_loop3A_50 = tpu.vector_load %arg5[%parallel_loop3A_49] {strides = array<i32>} : memref<36864xf32, #tpu.memory_space<vmem>>, vector<16xf32>,
      %parallel_loop3A_51 = vector.bitcast %parallel_loop3A_50 : vector<16xf32> to vector<16xi32>
      %parallel_loop3A_52 = arith.constant 19 : i32
      %parallel_loop3A_53 = vector.broadcast %parallel_loop3A_52 : i32 to vector<16xi32>
      %parallel_loop3A_54 = arith.shrui %parallel_loop3A_51, %parallel_loop3A_53 : vector<16xi32>
      tpu.vector_store_idx %arg6[%parallel_loop3A_54], %broadcast_in_dim3A_42 {add = true} : memref<4096xi32, #tpu.memory_space<vmem>>[vector<16xi32>], vector<16xi32>,
    } {sc.loop_unroll_factor = 16 : i64, sc.parallel_access}
    "tpu.region"() ({
      %run_scoped3A = tpu.sem_alloc : memref<!tpu.dma_semaphore, #tpu.memory_space<semaphore_mem>>
      %dma_start3A = arith.constant 0 : i32
      %dma_start3A_46 = tpu.memref_slice %arg4[%add3A, %dma_start3A] : memref<32x4096xi32, #tpu.memory_space<hbm>> -> memref<1x4096xi32, #tpu.memory_space<hbm>>
      %dma_start3A_47 = tpu.memref_squeeze %dma_start3A_46 : memref<1x4096xi32, #tpu.memory_space<hbm>> -> memref<4096xi32, #tpu.memory_space<hbm>>
      %dma_start3A_48 = arith.constant 0 : i32
      %dma_start3A_49 = tpu.memref_slice %arg4[%add3A, %dma_start3A_48] : memref<32x4096xi32, #tpu.memory_space<hbm>> -> memref<1x4096xi32, #tpu.memory_space<hbm>>
      %dma_start3A_50 = tpu.memref_squeeze %dma_start3A_49 : memref<1x4096xi32, #tpu.memory_space<hbm>> -> memref<4096xi32, #tpu.memory_space<hbm>>
      tpu.enqueue_dma source(%arg6 : memref<4096xi32, #tpu.memory_space<vmem>>) target(%dma_start3A_50 : memref<4096xi32, #tpu.memory_space<hbm>>) target_semaphore(%run_scoped3A : memref<!tpu.dma_semaphore, #tpu.memory_space<semaphore_mem>>)
      %dma_wait3A = arith.constant 0 : i32
      %dma_wait3A_51 = tpu.memref_slice %arg4[%add3A, %dma_wait3A] : memref<32x4096xi32, #tpu.memory_space<hbm>> -> memref<1x4096xi32, #tpu.memory_space<hbm>>
      %dma_wait3A_52 = tpu.memref_squeeze %dma_wait3A_51 : memref<1x4096xi32, #tpu.memory_space<hbm>> -> memref<4096xi32, #tpu.memory_space<hbm>>
      %dma_wait3A_53 = arith.constant 0 : i32
      %dma_wait3A_54 = tpu.memref_slice %arg4[%add3A, %dma_wait3A_53] : memref<32x4096xi32, #tpu.memory_space<hbm>> -> memref<1x4096xi32, #tpu.memory_space<hbm>>
      %dma_wait3A_55 = tpu.memref_squeeze %dma_wait3A_54 : memref<1x4096xi32, #tpu.memory_space<hbm>> -> memref<4096xi32, #tpu.memory_space<hbm>>
      tpu.wait_dma2 semaphore(%run_scoped3A : memref<!tpu.dma_semaphore, #tpu.memory_space<semaphore_mem>>) src(%arg6 : memref<4096xi32, #tpu.memory_space<vmem>>) dst(%dma_wait3A_55 : memref<4096xi32, #tpu.memory_space<hbm>>)
      tpu.yield
    }) : () -> ()
    return
  }
}

#map = affine_map<(d0, d1) -> (0, 0)>
module attributes {stable_mosaic.version = 14 : i64} {
  func.func @_sum_kernel(%arg0: i32, %arg1: i32, %arg2: memref<4x147456xf32, #tpu.memory_space<hbm>>, %arg3: memref<4x147456xf32, #tpu.memory_space<hbm>>, %arg4: memref<32x128xi32, #tpu.memory_space<hbm>>, %arg5: memref<8x16xi32, #tpu.memory_space<hbm>>, %arg6: memref<32x16xf32, #tpu.memory_space<hbm>>, %arg7: memref<8x16xi32, #tpu.memory_space<hbm>>, %arg8: memref<36864xf32, #tpu.memory_space<vmem>>, %arg9: memref<4x128xi32, #tpu.memory_space<vmem>>, %arg10: memref<16xi32, #tpu.memory_space<vmem>>, %arg11: memref<16xf32, #tpu.memory_space<vmem>>) attributes {dimension_semantics = [#tpu.dimension_semantics<core_parallel>, #tpu.dimension_semantics<subcore_parallel>], iteration_bounds = array<i64: 2, 16>, scalar_prefetch = 0 : i64, scratch_operands = 4 : i64, tpu.core_type = #tpu.core_type<sc_vector_subcore>, window_params = [{transform_indices = #map}, {transform_indices = #map}, {transform_indices = #map}, {transform_indices = #map}, {transform_indices = #map}, {transform_indices = #map}]} {
    %mul3A = arith.constant 16 : i32
    %mul3A_0 = arith.muli %arg0, %mul3A : i32
    %add3A = arith.addi %mul3A_0, %arg1 : i32
    %jit3A = arith.constant 4 : i32
    %div3A = arith.divsi %add3A, %jit3A : i32
    %sign3A = arith.constant 0 : i32
    %sign3A_1 = arith.cmpi sgt, %add3A, %sign3A : i32
    %sign3A_2 = arith.extui %sign3A_1 : i1 to i32
    %sign3A_3 = arith.constant 0 : i32
    %sign3A_4 = arith.cmpi slt, %add3A, %sign3A_3 : i32
    %sign3A_5 = arith.extui %sign3A_4 : i1 to i32
    %sign3A_6 = arith.subi %sign3A_2, %sign3A_5 : i32
    %sign3A_7 = arith.constant 0 : i32
    %sign3A_8 = arith.cmpi sgt, %jit3A, %sign3A_7 : i32
    %sign3A_9 = arith.extui %sign3A_8 : i1 to i32
    %sign3A_10 = arith.constant 0 : i32
    %sign3A_11 = arith.cmpi slt, %jit3A, %sign3A_10 : i32
    %sign3A_12 = arith.extui %sign3A_11 : i1 to i32
    %sign3A_13 = arith.subi %sign3A_9, %sign3A_12 : i32
    %ne3A = arith.cmpi ne, %sign3A_6, %sign3A_13 : i32
    %rem3A = arith.remsi %add3A, %jit3A : i32
    %ne3A_14 = arith.constant 0 : i32
    %ne3A_15 = arith.cmpi ne, %rem3A, %ne3A_14 : i32
    %and3A = arith.andi %ne3A, %ne3A_15 : i1
    %sub3A = arith.constant 1 : i32
    %sub3A_16 = arith.subi %div3A, %sub3A : i32
    %select_n3A = arith.select %and3A, %sub3A_16, %div3A : i32
    %jit3A_17 = arith.constant 4 : i32
    %eq3A = arith.constant 0 : i32
    %eq3A_18 = arith.cmpi eq, %jit3A_17, %eq3A : i32
    %jit3A_19 = arith.constant 1 : i32
    %select_n3A_20 = arith.select %eq3A_18, %jit3A_19, %jit3A_17 : i32
    %rem3A_21 = arith.remsi %add3A, %select_n3A_20 : i32
    %ne3A_22 = arith.constant 0 : i32
    %ne3A_23 = arith.cmpi ne, %rem3A_21, %ne3A_22 : i32
    %lt3A = arith.constant 0 : i32
    %lt3A_24 = arith.cmpi slt, %rem3A_21, %lt3A : i32
    %lt3A_25 = arith.constant 0 : i32
    %lt3A_26 = arith.cmpi slt, %select_n3A_20, %lt3A_25 : i32
    %ne3A_27 = arith.xori %lt3A_24, %lt3A_26 : i1
    %and3A_28 = arith.andi %ne3A_27, %ne3A_23 : i1
    %add3A_29 = arith.addi %rem3A_21, %select_n3A_20 : i32
    %select_n3A_30 = arith.select %and3A_28, %add3A_29, %rem3A_21 : i32
    %lt3A_31 = arith.constant 4 : i32
    %lt3A_32 = arith.cmpi slt, %select_n3A, %lt3A_31 : i32
    %convert_element_type3A = arith.extui %lt3A_32 : i1 to i32
    %cond3A = arith.constant 0 : i32
    %cond3A_33 = arith.cmpi ne, %convert_element_type3A, %cond3A : i32
    scf.if %cond3A_33 {
      %mul3A_160 = arith.constant 36864 : i32
      %mul3A_161 = arith.muli %select_n3A_30, %mul3A_160 : i32
      "tpu.region"() ({
        %run_scoped3A = tpu.sem_alloc : memref<!tpu.dma_semaphore, #tpu.memory_space<semaphore_mem>>
        %dma_start3A = tpu.memref_slice %arg2[%select_n3A, %mul3A_161] : memref<4x147456xf32, #tpu.memory_space<hbm>> -> memref<1x36864xf32, #tpu.memory_space<hbm>>
        %dma_start3A_162 = tpu.memref_squeeze %dma_start3A : memref<1x36864xf32, #tpu.memory_space<hbm>> -> memref<36864xf32, #tpu.memory_space<hbm>>
        %dma_start3A_163 = tpu.memref_slice %arg2[%select_n3A, %mul3A_161] : memref<4x147456xf32, #tpu.memory_space<hbm>> -> memref<1x36864xf32, #tpu.memory_space<hbm>>
        %dma_start3A_164 = tpu.memref_squeeze %dma_start3A_163 : memref<1x36864xf32, #tpu.memory_space<hbm>> -> memref<36864xf32, #tpu.memory_space<hbm>>
        tpu.enqueue_dma source(%dma_start3A_164 : memref<36864xf32, #tpu.memory_space<hbm>>) target(%arg8 : memref<36864xf32, #tpu.memory_space<vmem>>) target_semaphore(%run_scoped3A : memref<!tpu.dma_semaphore, #tpu.memory_space<semaphore_mem>>)
        %dma_wait3A = tpu.memref_slice %arg2[%select_n3A, %mul3A_161] : memref<4x147456xf32, #tpu.memory_space<hbm>> -> memref<1x36864xf32, #tpu.memory_space<hbm>>
        %dma_wait3A_165 = tpu.memref_squeeze %dma_wait3A : memref<1x36864xf32, #tpu.memory_space<hbm>> -> memref<36864xf32, #tpu.memory_space<hbm>>
        %dma_wait3A_166 = tpu.memref_slice %arg2[%select_n3A, %mul3A_161] : memref<4x147456xf32, #tpu.memory_space<hbm>> -> memref<1x36864xf32, #tpu.memory_space<hbm>>
        %dma_wait3A_167 = tpu.memref_squeeze %dma_wait3A_166 : memref<1x36864xf32, #tpu.memory_space<hbm>> -> memref<36864xf32, #tpu.memory_space<hbm>>
        tpu.wait_dma2 semaphore(%run_scoped3A : memref<!tpu.dma_semaphore, #tpu.memory_space<semaphore_mem>>) src(%dma_wait3A_167 : memref<36864xf32, #tpu.memory_space<hbm>>) dst(%arg8 : memref<36864xf32, #tpu.memory_space<vmem>>)
        tpu.yield
      }) : () -> ()
    } else {
    }
    %ge3A = arith.constant 4 : i32
    %ge3A_34 = arith.cmpi sge, %select_n3A, %ge3A : i32
    %convert_element_type3A_35 = arith.extui %ge3A_34 : i1 to i32
    %cond3A_36 = arith.constant 0 : i32
    %cond3A_37 = arith.cmpi ne, %convert_element_type3A_35, %cond3A_36 : i32
    scf.if %cond3A_37 {
      %sub3A_160 = arith.constant 4 : i32
      %sub3A_161 = arith.subi %select_n3A, %sub3A_160 : i32
      %mul3A_162 = arith.constant 36864 : i32
      %mul3A_163 = arith.muli %select_n3A_30, %mul3A_162 : i32
      "tpu.region"() ({
        %run_scoped3A = tpu.sem_alloc : memref<!tpu.dma_semaphore, #tpu.memory_space<semaphore_mem>>
        %dma_start3A = tpu.memref_slice %arg3[%sub3A_161, %mul3A_163] : memref<4x147456xf32, #tpu.memory_space<hbm>> -> memref<1x36864xf32, #tpu.memory_space<hbm>>
        %dma_start3A_164 = tpu.memref_squeeze %dma_start3A : memref<1x36864xf32, #tpu.memory_space<hbm>> -> memref<36864xf32, #tpu.memory_space<hbm>>
        %dma_start3A_165 = tpu.memref_slice %arg3[%sub3A_161, %mul3A_163] : memref<4x147456xf32, #tpu.memory_space<hbm>> -> memref<1x36864xf32, #tpu.memory_space<hbm>>
        %dma_start3A_166 = tpu.memref_squeeze %dma_start3A_165 : memref<1x36864xf32, #tpu.memory_space<hbm>> -> memref<36864xf32, #tpu.memory_space<hbm>>
        tpu.enqueue_dma source(%dma_start3A_166 : memref<36864xf32, #tpu.memory_space<hbm>>) target(%arg8 : memref<36864xf32, #tpu.memory_space<vmem>>) target_semaphore(%run_scoped3A : memref<!tpu.dma_semaphore, #tpu.memory_space<semaphore_mem>>)
        %dma_wait3A = tpu.memref_slice %arg3[%sub3A_161, %mul3A_163] : memref<4x147456xf32, #tpu.memory_space<hbm>> -> memref<1x36864xf32, #tpu.memory_space<hbm>>
        %dma_wait3A_167 = tpu.memref_squeeze %dma_wait3A : memref<1x36864xf32, #tpu.memory_space<hbm>> -> memref<36864xf32, #tpu.memory_space<hbm>>
        %dma_wait3A_168 = tpu.memref_slice %arg3[%sub3A_161, %mul3A_163] : memref<4x147456xf32, #tpu.memory_space<hbm>> -> memref<1x36864xf32, #tpu.memory_space<hbm>>
        %dma_wait3A_169 = tpu.memref_squeeze %dma_wait3A_168 : memref<1x36864xf32, #tpu.memory_space<hbm>> -> memref<36864xf32, #tpu.memory_space<hbm>>
        tpu.wait_dma2 semaphore(%run_scoped3A : memref<!tpu.dma_semaphore, #tpu.memory_space<semaphore_mem>>) src(%dma_wait3A_169 : memref<36864xf32, #tpu.memory_space<hbm>>) dst(%arg8 : memref<36864xf32, #tpu.memory_space<vmem>>)
        tpu.yield
      }) : () -> ()
    } else {
    }
    %mul3A_38 = arith.constant 4 : i32
    %mul3A_39 = arith.muli %select_n3A, %mul3A_38 : i32
    "tpu.region"() ({
      %run_scoped3A = tpu.sem_alloc : memref<!tpu.dma_semaphore, #tpu.memory_space<semaphore_mem>>
      %dma_start3A = arith.constant 0 : i32
      %dma_start3A_160 = tpu.memref_slice %arg4[%mul3A_39, %dma_start3A] : memref<32x128xi32, #tpu.memory_space<hbm>> -> memref<4x128xi32, #tpu.memory_space<hbm>>
      %dma_start3A_161 = arith.constant 0 : i32
      %dma_start3A_162 = tpu.memref_slice %arg4[%mul3A_39, %dma_start3A_161] : memref<32x128xi32, #tpu.memory_space<hbm>> -> memref<4x128xi32, #tpu.memory_space<hbm>>
      tpu.enqueue_dma source(%dma_start3A_162 : memref<4x128xi32, #tpu.memory_space<hbm>>) target(%arg9 : memref<4x128xi32, #tpu.memory_space<vmem>>) target_semaphore(%run_scoped3A : memref<!tpu.dma_semaphore, #tpu.memory_space<semaphore_mem>>)
      %dma_wait3A = arith.constant 0 : i32
      %dma_wait3A_163 = tpu.memref_slice %arg4[%mul3A_39, %dma_wait3A] : memref<32x128xi32, #tpu.memory_space<hbm>> -> memref<4x128xi32, #tpu.memory_space<hbm>>
      %dma_wait3A_164 = arith.constant 0 : i32
      %dma_wait3A_165 = tpu.memref_slice %arg4[%mul3A_39, %dma_wait3A_164] : memref<32x128xi32, #tpu.memory_space<hbm>> -> memref<4x128xi32, #tpu.memory_space<hbm>>
      tpu.wait_dma2 semaphore(%run_scoped3A : memref<!tpu.dma_semaphore, #tpu.memory_space<semaphore_mem>>) src(%dma_wait3A_165 : memref<4x128xi32, #tpu.memory_space<hbm>>) dst(%arg9 : memref<4x128xi32, #tpu.memory_space<vmem>>)
      tpu.yield
    }) : () -> ()
    "tpu.region"() ({
      %run_scoped3A = tpu.sem_alloc : memref<!tpu.dma_semaphore, #tpu.memory_space<semaphore_mem>>
      %dma_start3A = arith.constant 0 : i32
      %dma_start3A_160 = tpu.memref_slice %arg5[%select_n3A, %dma_start3A] : memref<8x16xi32, #tpu.memory_space<hbm>> -> memref<1x16xi32, #tpu.memory_space<hbm>>
      %dma_start3A_161 = tpu.memref_squeeze %dma_start3A_160 : memref<1x16xi32, #tpu.memory_space<hbm>> -> memref<16xi32, #tpu.memory_space<hbm>>
      %dma_start3A_162 = arith.constant 0 : i32
      %dma_start3A_163 = tpu.memref_slice %arg5[%select_n3A, %dma_start3A_162] : memref<8x16xi32, #tpu.memory_space<hbm>> -> memref<1x16xi32, #tpu.memory_space<hbm>>
      %dma_start3A_164 = tpu.memref_squeeze %dma_start3A_163 : memref<1x16xi32, #tpu.memory_space<hbm>> -> memref<16xi32, #tpu.memory_space<hbm>>
      tpu.enqueue_dma source(%dma_start3A_164 : memref<16xi32, #tpu.memory_space<hbm>>) target(%arg10 : memref<16xi32, #tpu.memory_space<vmem>>) target_semaphore(%run_scoped3A : memref<!tpu.dma_semaphore, #tpu.memory_space<semaphore_mem>>)
      %dma_wait3A = arith.constant 0 : i32
      %dma_wait3A_165 = tpu.memref_slice %arg5[%select_n3A, %dma_wait3A] : memref<8x16xi32, #tpu.memory_space<hbm>> -> memref<1x16xi32, #tpu.memory_space<hbm>>
      %dma_wait3A_166 = tpu.memref_squeeze %dma_wait3A_165 : memref<1x16xi32, #tpu.memory_space<hbm>> -> memref<16xi32, #tpu.memory_space<hbm>>
      %dma_wait3A_167 = arith.constant 0 : i32
      %dma_wait3A_168 = tpu.memref_slice %arg5[%select_n3A, %dma_wait3A_167] : memref<8x16xi32, #tpu.memory_space<hbm>> -> memref<1x16xi32, #tpu.memory_space<hbm>>
      %dma_wait3A_169 = tpu.memref_squeeze %dma_wait3A_168 : memref<1x16xi32, #tpu.memory_space<hbm>> -> memref<16xi32, #tpu.memory_space<hbm>>
      tpu.wait_dma2 semaphore(%run_scoped3A : memref<!tpu.dma_semaphore, #tpu.memory_space<semaphore_mem>>) src(%dma_wait3A_169 : memref<16xi32, #tpu.memory_space<hbm>>) dst(%arg10 : memref<16xi32, #tpu.memory_space<vmem>>)
      tpu.yield
    }) : () -> ()
    %get3A = arith.constant 0 : index
    %get3A_40 = tpu.vector_load %arg10[%get3A] {strides = array<i32>} : memref<16xi32, #tpu.memory_space<vmem>>, vector<16xi32>,
    %iota3A = tpu.iota {dimensions = array<i32: 0>} : vector<16xi32>
    %eq3A_41 = arith.constant 0 : i32
    %eq3A_42 = vector.broadcast %eq3A_41 : i32 to vector<16xi32>
    %eq3A_43 = arith.cmpi eq, %iota3A, %eq3A_42 : vector<16xi32>
    %jit3A_44 = arith.constant 0 : i32
    %broadcast_in_dim3A = vector.broadcast %jit3A_44 : i32 to vector<16xi32>
    %select_n3A_45 = arith.select %eq3A_43, %get3A_40, %broadcast_in_dim3A : vector<16xi1>, vector<16xi32>
    %reduce_sum3A = arith.constant true
    %reduce_sum3A_46 = vector.broadcast %reduce_sum3A : i1 to vector<16xi1>
    %reduce_sum3A_47 = tpu.scan <sum>, %select_n3A_45 masked %reduce_sum3A_46 : vector<16xi32>, vector<16xi1> -> vector<16xi32>
    %reduce_sum3A_48 = vector.extract %reduce_sum3A_47[15] : i32 from vector<16xi32>
    %get3A_49 = arith.constant 0 : index
    %get3A_50 = tpu.vector_load %arg10[%get3A_49] {strides = array<i32>} : memref<16xi32, #tpu.memory_space<vmem>>, vector<16xi32>,
    %iota3A_51 = tpu.iota {dimensions = array<i32: 0>} : vector<16xi32>
    %eq3A_52 = arith.constant 1 : i32
    %eq3A_53 = vector.broadcast %eq3A_52 : i32 to vector<16xi32>
    %eq3A_54 = arith.cmpi eq, %iota3A_51, %eq3A_53 : vector<16xi32>
    %jit3A_55 = arith.constant 0 : i32
    %broadcast_in_dim3A_56 = vector.broadcast %jit3A_55 : i32 to vector<16xi32>
    %select_n3A_57 = arith.select %eq3A_54, %get3A_50, %broadcast_in_dim3A_56 : vector<16xi1>, vector<16xi32>
    %reduce_sum3A_58 = arith.constant true
    %reduce_sum3A_59 = vector.broadcast %reduce_sum3A_58 : i1 to vector<16xi1>
    %reduce_sum3A_60 = tpu.scan <sum>, %select_n3A_57 masked %reduce_sum3A_59 : vector<16xi32>, vector<16xi1> -> vector<16xi32>
    %reduce_sum3A_61 = vector.extract %reduce_sum3A_60[15] : i32 from vector<16xi32>
    %sub3A_62 = arith.constant 22118 : i32
    %sub3A_63 = arith.subi %sub3A_62, %reduce_sum3A_61 : i32
    %iota3A_64 = tpu.iota {dimensions = array<i32: 0>} : vector<16xi32>
    %scan3A = arith.constant 0 : i32
    %scan3A_65 = arith.constant 0 : i32
    %scan3A_66 = arith.constant 0 : i32
    %scan3A_67 = arith.constant 0 : i32
    %scan3A_68 = arith.constant 0 : i32
    %scan3A_69 = arith.constant 8 : i32
    %scan3A_70 = arith.addi %scan3A_68, %scan3A_69 : i32
    %scan3A_71 = arith.constant 1 : i32
    %scan3A_72:4 = scf.for %scan3A_160 = %scan3A_68 to %scan3A_70 step %scan3A_71 iter_args(%scan3A_161 = %scan3A, %scan3A_162 = %scan3A_65, %scan3A_163 = %scan3A_66, %scan3A_164 = %scan3A_67) -> (i32, i32, i32, i32)  : i32 {
      %sub3A_165 = arith.constant 7 : i32
      %sub3A_166 = arith.subi %sub3A_165, %scan3A_160 : i32
      %mul3A_167 = arith.constant 16 : i32
      %mul3A_168 = arith.muli %sub3A_166, %mul3A_167 : i32
      %get3A_169 = arith.constant 0 : i32
      %get3A_170 = arith.index_cast %get3A_169 : i32 to index
      %get3A_171 = arith.index_cast %mul3A_168 : i32 to index
      %get3A_172 = tpu.vector_load %arg9[%get3A_170, %get3A_171] {strides = array<i32>} : memref<4x128xi32, #tpu.memory_space<vmem>>, vector<16xi32>,
      %get3A_173 = arith.constant 1 : i32
      %get3A_174 = arith.index_cast %get3A_173 : i32 to index
      %get3A_175 = arith.index_cast %mul3A_168 : i32 to index
      %get3A_176 = tpu.vector_load %arg9[%get3A_174, %get3A_175] {strides = array<i32>} : memref<4x128xi32, #tpu.memory_space<vmem>>, vector<16xi32>,
      %add3A_177 = arith.addi %get3A_172, %get3A_176 : vector<16xi32>
      %get3A_178 = arith.constant 2 : i32
      %get3A_179 = arith.index_cast %get3A_178 : i32 to index
      %get3A_180 = arith.index_cast %mul3A_168 : i32 to index
      %get3A_181 = tpu.vector_load %arg9[%get3A_179, %get3A_180] {strides = array<i32>} : memref<4x128xi32, #tpu.memory_space<vmem>>, vector<16xi32>,
      %add3A_182 = arith.addi %add3A_177, %get3A_181 : vector<16xi32>
      %get3A_183 = arith.constant 3 : i32
      %get3A_184 = arith.index_cast %get3A_183 : i32 to index
      %get3A_185 = arith.index_cast %mul3A_168 : i32 to index
      %get3A_186 = tpu.vector_load %arg9[%get3A_184, %get3A_185] {strides = array<i32>} : memref<4x128xi32, #tpu.memory_space<vmem>>, vector<16xi32>,
      %add3A_187 = arith.addi %add3A_182, %get3A_186 : vector<16xi32>
      %reduce_sum3A_188 = arith.constant true
      %reduce_sum3A_189 = vector.broadcast %reduce_sum3A_188 : i1 to vector<16xi1>
      %reduce_sum3A_190 = tpu.scan <sum>, %add3A_187 masked %reduce_sum3A_189 : vector<16xi32>, vector<16xi1> -> vector<16xi32>
      %reduce_sum3A_191 = vector.extract %reduce_sum3A_190[15] : i32 from vector<16xi32>
      %eq3A_192 = arith.constant 0 : i32
      %eq3A_193 = arith.cmpi eq, %scan3A_162, %eq3A_192 : i32
      %add3A_194 = arith.addi %scan3A_161, %reduce_sum3A_191 : i32
      %ge3A_195 = arith.cmpi sge, %add3A_194, %sub3A_63 : i32
      %and3A_196 = arith.andi %eq3A_193, %ge3A_195 : i1
      %select_n3A_197 = arith.select %and3A_196, %sub3A_166, %scan3A_163 : i32
      %select_n3A_198 = arith.select %and3A_196, %scan3A_161, %scan3A_164 : i32
      %jit3A_199 = arith.constant 1 : i32
      %select_n3A_200 = arith.select %and3A_196, %jit3A_199, %scan3A_162 : i32
      %add3A_201 = arith.addi %scan3A_161, %reduce_sum3A_191 : i32
      scf.yield %add3A_201, %select_n3A_200, %select_n3A_197, %select_n3A_198 : i32, i32, i32, i32
    }
    %scan3A_73 = arith.constant 8 : i32
    %mul3A_74 = arith.constant 16 : i32
    %mul3A_75 = arith.muli %scan3A_72#2, %mul3A_74 : i32
    %get3A_76 = arith.constant 0 : i32
    %get3A_77 = arith.index_cast %get3A_76 : i32 to index
    %get3A_78 = arith.index_cast %mul3A_75 : i32 to index
    %get3A_79 = tpu.vector_load %arg9[%get3A_77, %get3A_78] {strides = array<i32>} : memref<4x128xi32, #tpu.memory_space<vmem>>, vector<16xi32>,
    %get3A_80 = arith.constant 1 : i32
    %get3A_81 = arith.index_cast %get3A_80 : i32 to index
    %get3A_82 = arith.index_cast %mul3A_75 : i32 to index
    %get3A_83 = tpu.vector_load %arg9[%get3A_81, %get3A_82] {strides = array<i32>} : memref<4x128xi32, #tpu.memory_space<vmem>>, vector<16xi32>,
    %add3A_84 = arith.addi %get3A_79, %get3A_83 : vector<16xi32>
    %get3A_85 = arith.constant 2 : i32
    %get3A_86 = arith.index_cast %get3A_85 : i32 to index
    %get3A_87 = arith.index_cast %mul3A_75 : i32 to index
    %get3A_88 = tpu.vector_load %arg9[%get3A_86, %get3A_87] {strides = array<i32>} : memref<4x128xi32, #tpu.memory_space<vmem>>, vector<16xi32>,
    %add3A_89 = arith.addi %add3A_84, %get3A_88 : vector<16xi32>
    %get3A_90 = arith.constant 3 : i32
    %get3A_91 = arith.index_cast %get3A_90 : i32 to index
    %get3A_92 = arith.index_cast %mul3A_75 : i32 to index
    %get3A_93 = tpu.vector_load %arg9[%get3A_91, %get3A_92] {strides = array<i32>} : memref<4x128xi32, #tpu.memory_space<vmem>>, vector<16xi32>,
    %add3A_94 = arith.addi %add3A_89, %get3A_93 : vector<16xi32>
    %rev3A = arith.constant 15 : i32
    %rev3A_95 = vector.broadcast %rev3A : i32 to vector<16xi32>
    %rev3A_96 = tpu.iota {dimensions = array<i32: 0>} : vector<16xi32>
    %rev3A_97 = arith.subi %rev3A_95, %rev3A_96 : vector<16xi32>
    %rev3A_98 = tpu.dynamic_gather %add3A_94[%rev3A_97] in [0] : vector<16xi32>, vector<16xi32> -> vector<16xi32>
    %broadcast_in_dim3A_99 = arith.constant true
    %broadcast_in_dim3A_100 = vector.broadcast %broadcast_in_dim3A_99 : i1 to vector<16xi1>
    %masked_cumsum3A = tpu.scan <sum>, %rev3A_98 masked %broadcast_in_dim3A_100 : vector<16xi32>, vector<16xi1> -> vector<16xi32>
    %add3A_101 = vector.broadcast %scan3A_72#3 : i32 to vector<16xi32>
    %add3A_102 = arith.addi %add3A_101, %masked_cumsum3A : vector<16xi32>
    %ge3A_103 = vector.broadcast %sub3A_63 : i32 to vector<16xi32>
    %ge3A_104 = arith.cmpi sge, %add3A_102, %ge3A_103 : vector<16xi32>
    %all_reduce_ffs3A = tpu.all_reduce %ge3A_104 {dim = 0 : i64, kind = #tpu.reduction_kind<find_first_set>} : vector<16xi1> -> vector<16xi32>
    %eq3A_105 = arith.constant 0 : i32
    %eq3A_106 = vector.broadcast %eq3A_105 : i32 to vector<16xi32>
    %eq3A_107 = arith.cmpi eq, %iota3A_64, %eq3A_106 : vector<16xi32>
    %jit3A_108 = arith.constant 0 : i32
    %broadcast_in_dim3A_109 = vector.broadcast %jit3A_108 : i32 to vector<16xi32>
    %select_n3A_110 = arith.select %eq3A_107, %all_reduce_ffs3A, %broadcast_in_dim3A_109 : vector<16xi1>, vector<16xi32>
    %reduce_sum3A_111 = arith.constant true
    %reduce_sum3A_112 = vector.broadcast %reduce_sum3A_111 : i1 to vector<16xi1>
    %reduce_sum3A_113 = tpu.scan <sum>, %select_n3A_110 masked %reduce_sum3A_112 : vector<16xi32>, vector<16xi1> -> vector<16xi32>
    %reduce_sum3A_114 = vector.extract %reduce_sum3A_113[15] : i32 from vector<16xi32>
    %eq3A_115 = vector.broadcast %reduce_sum3A_114 : i32 to vector<16xi32>
    %eq3A_116 = arith.cmpi eq, %iota3A_64, %eq3A_115 : vector<16xi32>
    %jit3A_117 = arith.constant 0 : i32
    %broadcast_in_dim3A_118 = vector.broadcast %jit3A_117 : i32 to vector<16xi32>
    %select_n3A_119 = arith.select %eq3A_116, %masked_cumsum3A, %broadcast_in_dim3A_118 : vector<16xi1>, vector<16xi32>
    %reduce_sum3A_120 = arith.constant true
    %reduce_sum3A_121 = vector.broadcast %reduce_sum3A_120 : i1 to vector<16xi1>
    %reduce_sum3A_122 = tpu.scan <sum>, %select_n3A_119 masked %reduce_sum3A_121 : vector<16xi32>, vector<16xi1> -> vector<16xi32>
    %reduce_sum3A_123 = vector.extract %reduce_sum3A_122[15] : i32 from vector<16xi32>
    %eq3A_124 = vector.broadcast %reduce_sum3A_114 : i32 to vector<16xi32>
    %eq3A_125 = arith.cmpi eq, %iota3A_64, %eq3A_124 : vector<16xi32>
    %jit3A_126 = arith.constant 0 : i32
    %broadcast_in_dim3A_127 = vector.broadcast %jit3A_126 : i32 to vector<16xi32>
    %select_n3A_128 = arith.select %eq3A_125, %rev3A_98, %broadcast_in_dim3A_127 : vector<16xi1>, vector<16xi32>
    %reduce_sum3A_129 = arith.constant true
    %reduce_sum3A_130 = vector.broadcast %reduce_sum3A_129 : i1 to vector<16xi1>
    %reduce_sum3A_131 = tpu.scan <sum>, %select_n3A_128 masked %reduce_sum3A_130 : vector<16xi32>, vector<16xi1> -> vector<16xi32>
    %reduce_sum3A_132 = vector.extract %reduce_sum3A_131[15] : i32 from vector<16xi32>
    %mul3A_133 = arith.constant 16 : i32
    %mul3A_134 = arith.muli %scan3A_72#2, %mul3A_133 : i32
    %add3A_135 = arith.constant 15 : i32
    %add3A_136 = arith.addi %mul3A_134, %add3A_135 : i32
    %sub3A_137 = arith.subi %add3A_136, %reduce_sum3A_114 : i32
    %add3A_138 = arith.addi %scan3A_72#3, %reduce_sum3A_123 : i32
    %sub3A_139 = arith.subi %add3A_138, %reduce_sum3A_132 : i32
    %shift_left3A = arith.constant 7 : i32
    %shift_left3A_140 = arith.shli %reduce_sum3A_48, %shift_left3A : i32
    %or3A = arith.ori %shift_left3A_140, %sub3A_137 : i32
    %add3A_141 = arith.addi %reduce_sum3A_61, %sub3A_139 : i32
    %broadcast_in_dim3A_142 = arith.constant 0 : i32
    %broadcast_in_dim3A_143 = vector.broadcast %broadcast_in_dim3A_142 : i32 to vector<16xi32>
    %add3A_144 = vector.broadcast %or3A : i32 to vector<16xi32>
    %add3A_145 = arith.addi %broadcast_in_dim3A_143, %add3A_144 : vector<16xi32>
    %bitcast3A = vector.bitcast %add3A_145 : vector<16xi32> to vector<16xf32>
    %broadcast_in_dim3A_146 = arith.constant 0.000000e+00 : f32
    %broadcast_in_dim3A_147 = vector.broadcast %broadcast_in_dim3A_146 : f32 to vector<16xf32>
    %parallel_loop3A = arith.constant 0 : i32
    %parallel_loop3A_148 = arith.constant 576 : i32
    %parallel_loop3A_149 = arith.constant 1 : i32
    %parallel_loop3A_150:4 = scf.for %parallel_loop3A_160 = %parallel_loop3A to %parallel_loop3A_148 step %parallel_loop3A_149 iter_args(%parallel_loop3A_161 = %broadcast_in_dim3A_147, %parallel_loop3A_162 = %broadcast_in_dim3A_147, %parallel_loop3A_163 = %broadcast_in_dim3A_147, %parallel_loop3A_164 = %broadcast_in_dim3A_147) -> (vector<16xf32>, vector<16xf32>, vector<16xf32>, vector<16xf32>)  : i32 {
      %parallel_loop3A_165 = arith.constant 64 : i32
      %parallel_loop3A_166 = arith.muli %parallel_loop3A_160, %parallel_loop3A_165 : i32
      %parallel_loop3A_167 = arith.index_cast %parallel_loop3A_166 : i32 to index
      %parallel_loop3A_168 = tpu.vector_load %arg8[%parallel_loop3A_167] {strides = array<i32>} : memref<36864xf32, #tpu.memory_space<vmem>>, vector<16xf32>,
      %parallel_loop3A_169 = arith.constant 16 : i32
      %parallel_loop3A_170 = arith.addi %parallel_loop3A_166, %parallel_loop3A_169 : i32
      %parallel_loop3A_171 = arith.index_cast %parallel_loop3A_170 : i32 to index
      %parallel_loop3A_172 = tpu.vector_load %arg8[%parallel_loop3A_171] {strides = array<i32>} : memref<36864xf32, #tpu.memory_space<vmem>>, vector<16xf32>,
      %parallel_loop3A_173 = arith.constant 32 : i32
      %parallel_loop3A_174 = arith.addi %parallel_loop3A_166, %parallel_loop3A_173 : i32
      %parallel_loop3A_175 = arith.index_cast %parallel_loop3A_174 : i32 to index
      %parallel_loop3A_176 = tpu.vector_load %arg8[%parallel_loop3A_175] {strides = array<i32>} : memref<36864xf32, #tpu.memory_space<vmem>>, vector<16xf32>,
      %parallel_loop3A_177 = arith.constant 48 : i32
      %parallel_loop3A_178 = arith.addi %parallel_loop3A_166, %parallel_loop3A_177 : i32
      %parallel_loop3A_179 = arith.index_cast %parallel_loop3A_178 : i32 to index
      %parallel_loop3A_180 = tpu.vector_load %arg8[%parallel_loop3A_179] {strides = array<i32>} : memref<36864xf32, #tpu.memory_space<vmem>>, vector<16xf32>,
      %parallel_loop3A_181 = arith.cmpf ogt, %parallel_loop3A_168, %bitcast3A : vector<16xf32>
      %parallel_loop3A_182 = arith.select %parallel_loop3A_181, %parallel_loop3A_168, %broadcast_in_dim3A_147 : vector<16xi1>, vector<16xf32>
      %parallel_loop3A_183 = arith.addf %parallel_loop3A_161, %parallel_loop3A_182 : vector<16xf32>
      %parallel_loop3A_184 = arith.cmpf ogt, %parallel_loop3A_172, %bitcast3A : vector<16xf32>
      %parallel_loop3A_185 = arith.select %parallel_loop3A_184, %parallel_loop3A_172, %broadcast_in_dim3A_147 : vector<16xi1>, vector<16xf32>
      %parallel_loop3A_186 = arith.addf %parallel_loop3A_162, %parallel_loop3A_185 : vector<16xf32>
      %parallel_loop3A_187 = arith.cmpf ogt, %parallel_loop3A_176, %bitcast3A : vector<16xf32>
      %parallel_loop3A_188 = arith.select %parallel_loop3A_187, %parallel_loop3A_176, %broadcast_in_dim3A_147 : vector<16xi1>, vector<16xf32>
      %parallel_loop3A_189 = arith.addf %parallel_loop3A_163, %parallel_loop3A_188 : vector<16xf32>
      %parallel_loop3A_190 = arith.cmpf ogt, %parallel_loop3A_180, %bitcast3A : vector<16xf32>
      %parallel_loop3A_191 = arith.select %parallel_loop3A_190, %parallel_loop3A_180, %broadcast_in_dim3A_147 : vector<16xi1>, vector<16xf32>
      %parallel_loop3A_192 = arith.addf %parallel_loop3A_164, %parallel_loop3A_191 : vector<16xf32>
      scf.yield %parallel_loop3A_183, %parallel_loop3A_186, %parallel_loop3A_189, %parallel_loop3A_192 : vector<16xf32>, vector<16xf32>, vector<16xf32>, vector<16xf32>
    } {sc.loop_unroll_factor = 4 : i64, sc.parallel_access}
    %add3A_151 = arith.addf %parallel_loop3A_150#0, %parallel_loop3A_150#1 : vector<16xf32>
    %add3A_152 = arith.addf %parallel_loop3A_150#2, %parallel_loop3A_150#3 : vector<16xf32>
    %add3A_153 = arith.addf %add3A_151, %add3A_152 : vector<16xf32>
    %swap3A = arith.constant 0 : index
    %swap3A_154 = tpu.vector_load %arg11[%swap3A] {strides = array<i32>} : memref<16xf32, #tpu.memory_space<vmem>>, vector<16xf32>,
    tpu.vector_store %arg11[%swap3A], %add3A_153 {strides = array<i32>} : memref<16xf32, #tpu.memory_space<vmem>>, vector<16xf32>,
    "tpu.region"() ({
      %run_scoped3A = tpu.sem_alloc : memref<!tpu.dma_semaphore, #tpu.memory_space<semaphore_mem>>
      %dma_start3A = arith.constant 0 : i32
      %dma_start3A_160 = tpu.memref_slice %arg6[%add3A, %dma_start3A] : memref<32x16xf32, #tpu.memory_space<hbm>> -> memref<1x16xf32, #tpu.memory_space<hbm>>
      %dma_start3A_161 = tpu.memref_squeeze %dma_start3A_160 : memref<1x16xf32, #tpu.memory_space<hbm>> -> memref<16xf32, #tpu.memory_space<hbm>>
      %dma_start3A_162 = arith.constant 0 : i32
      %dma_start3A_163 = tpu.memref_slice %arg6[%add3A, %dma_start3A_162] : memref<32x16xf32, #tpu.memory_space<hbm>> -> memref<1x16xf32, #tpu.memory_space<hbm>>
      %dma_start3A_164 = tpu.memref_squeeze %dma_start3A_163 : memref<1x16xf32, #tpu.memory_space<hbm>> -> memref<16xf32, #tpu.memory_space<hbm>>
      tpu.enqueue_dma source(%arg11 : memref<16xf32, #tpu.memory_space<vmem>>) target(%dma_start3A_164 : memref<16xf32, #tpu.memory_space<hbm>>) target_semaphore(%run_scoped3A : memref<!tpu.dma_semaphore, #tpu.memory_space<semaphore_mem>>)
      %dma_wait3A = arith.constant 0 : i32
      %dma_wait3A_165 = tpu.memref_slice %arg6[%add3A, %dma_wait3A] : memref<32x16xf32, #tpu.memory_space<hbm>> -> memref<1x16xf32, #tpu.memory_space<hbm>>
      %dma_wait3A_166 = tpu.memref_squeeze %dma_wait3A_165 : memref<1x16xf32, #tpu.memory_space<hbm>> -> memref<16xf32, #tpu.memory_space<hbm>>
      %dma_wait3A_167 = arith.constant 0 : i32
      %dma_wait3A_168 = tpu.memref_slice %arg6[%add3A, %dma_wait3A_167] : memref<32x16xf32, #tpu.memory_space<hbm>> -> memref<1x16xf32, #tpu.memory_space<hbm>>
      %dma_wait3A_169 = tpu.memref_squeeze %dma_wait3A_168 : memref<1x16xf32, #tpu.memory_space<hbm>> -> memref<16xf32, #tpu.memory_space<hbm>>
      tpu.wait_dma2 semaphore(%run_scoped3A : memref<!tpu.dma_semaphore, #tpu.memory_space<semaphore_mem>>) src(%arg11 : memref<16xf32, #tpu.memory_space<vmem>>) dst(%dma_wait3A_169 : memref<16xf32, #tpu.memory_space<hbm>>)
      tpu.yield
    }) : () -> ()
    %eq3A_155 = arith.constant 0 : i32
    %eq3A_156 = arith.cmpi eq, %select_n3A_30, %eq3A_155 : i32
    %convert_element_type3A_157 = arith.extui %eq3A_156 : i1 to i32
    %cond3A_158 = arith.constant 0 : i32
    %cond3A_159 = arith.cmpi ne, %convert_element_type3A_157, %cond3A_158 : i32
    scf.if %cond3A_159 {
      %iota3A_160 = tpu.iota {dimensions = array<i32: 0>} : vector<16xi32>
      %eq3A_161 = arith.constant 0 : i32
      %eq3A_162 = vector.broadcast %eq3A_161 : i32 to vector<16xi32>
      %eq3A_163 = arith.cmpi eq, %iota3A_160, %eq3A_162 : vector<16xi32>
      %eq3A_164 = arith.constant 1 : i32
      %eq3A_165 = vector.broadcast %eq3A_164 : i32 to vector<16xi32>
      %eq3A_166 = arith.cmpi eq, %iota3A_160, %eq3A_165 : vector<16xi32>
      %jit3A_167 = arith.constant 0 : i32
      %broadcast_in_dim3A_168 = vector.broadcast %add3A_141 : i32 to vector<16xi32>
      %broadcast_in_dim3A_169 = vector.broadcast %jit3A_167 : i32 to vector<16xi32>
      %select_n3A_170 = arith.select %eq3A_166, %broadcast_in_dim3A_168, %broadcast_in_dim3A_169 : vector<16xi1>, vector<16xi32>
      %broadcast_in_dim3A_171 = vector.broadcast %or3A : i32 to vector<16xi32>
      %select_n3A_172 = arith.select %eq3A_163, %broadcast_in_dim3A_171, %select_n3A_170 : vector<16xi1>, vector<16xi32>
      %swap3A_173 = arith.constant 0 : index
      %swap3A_174 = tpu.vector_load %arg10[%swap3A_173] {strides = array<i32>} : memref<16xi32, #tpu.memory_space<vmem>>, vector<16xi32>,
      tpu.vector_store %arg10[%swap3A_173], %select_n3A_172 {strides = array<i32>} : memref<16xi32, #tpu.memory_space<vmem>>, vector<16xi32>,
      "tpu.region"() ({
        %run_scoped3A = tpu.sem_alloc : memref<!tpu.dma_semaphore, #tpu.memory_space<semaphore_mem>>
        %dma_start3A = arith.constant 0 : i32
        %dma_start3A_175 = tpu.memref_slice %arg7[%select_n3A, %dma_start3A] : memref<8x16xi32, #tpu.memory_space<hbm>> -> memref<1x16xi32, #tpu.memory_space<hbm>>
        %dma_start3A_176 = tpu.memref_squeeze %dma_start3A_175 : memref<1x16xi32, #tpu.memory_space<hbm>> -> memref<16xi32, #tpu.memory_space<hbm>>
        %dma_start3A_177 = arith.constant 0 : i32
        %dma_start3A_178 = tpu.memref_slice %arg7[%select_n3A, %dma_start3A_177] : memref<8x16xi32, #tpu.memory_space<hbm>> -> memref<1x16xi32, #tpu.memory_space<hbm>>
        %dma_start3A_179 = tpu.memref_squeeze %dma_start3A_178 : memref<1x16xi32, #tpu.memory_space<hbm>> -> memref<16xi32, #tpu.memory_space<hbm>>
        tpu.enqueue_dma source(%arg10 : memref<16xi32, #tpu.memory_space<vmem>>) target(%dma_start3A_179 : memref<16xi32, #tpu.memory_space<hbm>>) target_semaphore(%run_scoped3A : memref<!tpu.dma_semaphore, #tpu.memory_space<semaphore_mem>>)
        %dma_wait3A = arith.constant 0 : i32
        %dma_wait3A_180 = tpu.memref_slice %arg7[%select_n3A, %dma_wait3A] : memref<8x16xi32, #tpu.memory_space<hbm>> -> memref<1x16xi32, #tpu.memory_space<hbm>>
        %dma_wait3A_181 = tpu.memref_squeeze %dma_wait3A_180 : memref<1x16xi32, #tpu.memory_space<hbm>> -> memref<16xi32, #tpu.memory_space<hbm>>
        %dma_wait3A_182 = arith.constant 0 : i32
        %dma_wait3A_183 = tpu.memref_slice %arg7[%select_n3A, %dma_wait3A_182] : memref<8x16xi32, #tpu.memory_space<hbm>> -> memref<1x16xi32, #tpu.memory_space<hbm>>
        %dma_wait3A_184 = tpu.memref_squeeze %dma_wait3A_183 : memref<1x16xi32, #tpu.memory_space<hbm>> -> memref<16xi32, #tpu.memory_space<hbm>>
        tpu.wait_dma2 semaphore(%run_scoped3A : memref<!tpu.dma_semaphore, #tpu.memory_space<semaphore_mem>>) src(%arg10 : memref<16xi32, #tpu.memory_space<vmem>>) dst(%dma_wait3A_184 : memref<16xi32, #tpu.memory_space<hbm>>)
        tpu.yield
      }) : () -> ()
    } else {
    }
    return
  }
}

#map = affine_map<(d0, d1) -> (0, 0)>
module attributes {stable_mosaic.version = 14 : i64} {
  func.func @hist_kernel(%arg0: i32, %arg1: i32, %arg2: memref<4x147456xf32, #tpu.memory_space<hbm>>, %arg3: memref<4x147456xf32, #tpu.memory_space<hbm>>, %arg4: memref<32x4096xi32, #tpu.memory_space<hbm>>, %arg5: memref<8x16xi32, #tpu.memory_space<hbm>>, %arg6: memref<32x4096xi32, #tpu.memory_space<hbm>>, %arg7: memref<8x16xi32, #tpu.memory_space<hbm>>, %arg8: memref<36864xf32, #tpu.memory_space<vmem>>, %arg9: memref<4x4096xi32, #tpu.memory_space<vmem>>, %arg10: memref<4096xi32, #tpu.memory_space<vmem>>, %arg11: memref<16xi32, #tpu.memory_space<vmem>>) attributes {dimension_semantics = [#tpu.dimension_semantics<core_parallel>, #tpu.dimension_semantics<subcore_parallel>], iteration_bounds = array<i64: 2, 16>, scalar_prefetch = 0 : i64, scratch_operands = 4 : i64, tpu.core_type = #tpu.core_type<sc_vector_subcore>, window_params = [{transform_indices = #map}, {transform_indices = #map}, {transform_indices = #map}, {transform_indices = #map}, {transform_indices = #map}, {transform_indices = #map}]} {
    %mul3A = arith.constant 16 : i32
    %mul3A_0 = arith.muli %arg0, %mul3A : i32
    %add3A = arith.addi %mul3A_0, %arg1 : i32
    %jit3A = arith.constant 4 : i32
    %div3A = arith.divsi %add3A, %jit3A : i32
    %sign3A = arith.constant 0 : i32
    %sign3A_1 = arith.cmpi sgt, %add3A, %sign3A : i32
    %sign3A_2 = arith.extui %sign3A_1 : i1 to i32
    %sign3A_3 = arith.constant 0 : i32
    %sign3A_4 = arith.cmpi slt, %add3A, %sign3A_3 : i32
    %sign3A_5 = arith.extui %sign3A_4 : i1 to i32
    %sign3A_6 = arith.subi %sign3A_2, %sign3A_5 : i32
    %sign3A_7 = arith.constant 0 : i32
    %sign3A_8 = arith.cmpi sgt, %jit3A, %sign3A_7 : i32
    %sign3A_9 = arith.extui %sign3A_8 : i1 to i32
    %sign3A_10 = arith.constant 0 : i32
    %sign3A_11 = arith.cmpi slt, %jit3A, %sign3A_10 : i32
    %sign3A_12 = arith.extui %sign3A_11 : i1 to i32
    %sign3A_13 = arith.subi %sign3A_9, %sign3A_12 : i32
    %ne3A = arith.cmpi ne, %sign3A_6, %sign3A_13 : i32
    %rem3A = arith.remsi %add3A, %jit3A : i32
    %ne3A_14 = arith.constant 0 : i32
    %ne3A_15 = arith.cmpi ne, %rem3A, %ne3A_14 : i32
    %and3A = arith.andi %ne3A, %ne3A_15 : i1
    %sub3A = arith.constant 1 : i32
    %sub3A_16 = arith.subi %div3A, %sub3A : i32
    %select_n3A = arith.select %and3A, %sub3A_16, %div3A : i32
    %jit3A_17 = arith.constant 4 : i32
    %eq3A = arith.constant 0 : i32
    %eq3A_18 = arith.cmpi eq, %jit3A_17, %eq3A : i32
    %jit3A_19 = arith.constant 1 : i32
    %select_n3A_20 = arith.select %eq3A_18, %jit3A_19, %jit3A_17 : i32
    %rem3A_21 = arith.remsi %add3A, %select_n3A_20 : i32
    %ne3A_22 = arith.constant 0 : i32
    %ne3A_23 = arith.cmpi ne, %rem3A_21, %ne3A_22 : i32
    %lt3A = arith.constant 0 : i32
    %lt3A_24 = arith.cmpi slt, %rem3A_21, %lt3A : i32
    %lt3A_25 = arith.constant 0 : i32
    %lt3A_26 = arith.cmpi slt, %select_n3A_20, %lt3A_25 : i32
    %ne3A_27 = arith.xori %lt3A_24, %lt3A_26 : i1
    %and3A_28 = arith.andi %ne3A_27, %ne3A_23 : i1
    %add3A_29 = arith.addi %rem3A_21, %select_n3A_20 : i32
    %select_n3A_30 = arith.select %and3A_28, %add3A_29, %rem3A_21 : i32
    %lt3A_31 = arith.constant 4 : i32
    %lt3A_32 = arith.cmpi slt, %select_n3A, %lt3A_31 : i32
    %convert_element_type3A = arith.extui %lt3A_32 : i1 to i32
    %cond3A = arith.constant 0 : i32
    %cond3A_33 = arith.cmpi ne, %convert_element_type3A, %cond3A : i32
    scf.if %cond3A_33 {
      %mul3A_133 = arith.constant 36864 : i32
      %mul3A_134 = arith.muli %select_n3A_30, %mul3A_133 : i32
      "tpu.region"() ({
        %run_scoped3A = tpu.sem_alloc : memref<!tpu.dma_semaphore, #tpu.memory_space<semaphore_mem>>
        %dma_start3A = tpu.memref_slice %arg2[%select_n3A, %mul3A_134] : memref<4x147456xf32, #tpu.memory_space<hbm>> -> memref<1x36864xf32, #tpu.memory_space<hbm>>
        %dma_start3A_135 = tpu.memref_squeeze %dma_start3A : memref<1x36864xf32, #tpu.memory_space<hbm>> -> memref<36864xf32, #tpu.memory_space<hbm>>
        %dma_start3A_136 = tpu.memref_slice %arg2[%select_n3A, %mul3A_134] : memref<4x147456xf32, #tpu.memory_space<hbm>> -> memref<1x36864xf32, #tpu.memory_space<hbm>>
        %dma_start3A_137 = tpu.memref_squeeze %dma_start3A_136 : memref<1x36864xf32, #tpu.memory_space<hbm>> -> memref<36864xf32, #tpu.memory_space<hbm>>
        tpu.enqueue_dma source(%dma_start3A_137 : memref<36864xf32, #tpu.memory_space<hbm>>) target(%arg8 : memref<36864xf32, #tpu.memory_space<vmem>>) target_semaphore(%run_scoped3A : memref<!tpu.dma_semaphore, #tpu.memory_space<semaphore_mem>>)
        %dma_wait3A = tpu.memref_slice %arg2[%select_n3A, %mul3A_134] : memref<4x147456xf32, #tpu.memory_space<hbm>> -> memref<1x36864xf32, #tpu.memory_space<hbm>>
        %dma_wait3A_138 = tpu.memref_squeeze %dma_wait3A : memref<1x36864xf32, #tpu.memory_space<hbm>> -> memref<36864xf32, #tpu.memory_space<hbm>>
        %dma_wait3A_139 = tpu.memref_slice %arg2[%select_n3A, %mul3A_134] : memref<4x147456xf32, #tpu.memory_space<hbm>> -> memref<1x36864xf32, #tpu.memory_space<hbm>>
        %dma_wait3A_140 = tpu.memref_squeeze %dma_wait3A_139 : memref<1x36864xf32, #tpu.memory_space<hbm>> -> memref<36864xf32, #tpu.memory_space<hbm>>
        tpu.wait_dma2 semaphore(%run_scoped3A : memref<!tpu.dma_semaphore, #tpu.memory_space<semaphore_mem>>) src(%dma_wait3A_140 : memref<36864xf32, #tpu.memory_space<hbm>>) dst(%arg8 : memref<36864xf32, #tpu.memory_space<vmem>>)
        tpu.yield
      }) : () -> ()
    } else {
    }
    %ge3A = arith.constant 4 : i32
    %ge3A_34 = arith.cmpi sge, %select_n3A, %ge3A : i32
    %convert_element_type3A_35 = arith.extui %ge3A_34 : i1 to i32
    %cond3A_36 = arith.constant 0 : i32
    %cond3A_37 = arith.cmpi ne, %convert_element_type3A_35, %cond3A_36 : i32
    scf.if %cond3A_37 {
      %sub3A_133 = arith.constant 4 : i32
      %sub3A_134 = arith.subi %select_n3A, %sub3A_133 : i32
      %mul3A_135 = arith.constant 36864 : i32
      %mul3A_136 = arith.muli %select_n3A_30, %mul3A_135 : i32
      "tpu.region"() ({
        %run_scoped3A = tpu.sem_alloc : memref<!tpu.dma_semaphore, #tpu.memory_space<semaphore_mem>>
        %dma_start3A = tpu.memref_slice %arg3[%sub3A_134, %mul3A_136] : memref<4x147456xf32, #tpu.memory_space<hbm>> -> memref<1x36864xf32, #tpu.memory_space<hbm>>
        %dma_start3A_137 = tpu.memref_squeeze %dma_start3A : memref<1x36864xf32, #tpu.memory_space<hbm>> -> memref<36864xf32, #tpu.memory_space<hbm>>
        %dma_start3A_138 = tpu.memref_slice %arg3[%sub3A_134, %mul3A_136] : memref<4x147456xf32, #tpu.memory_space<hbm>> -> memref<1x36864xf32, #tpu.memory_space<hbm>>
        %dma_start3A_139 = tpu.memref_squeeze %dma_start3A_138 : memref<1x36864xf32, #tpu.memory_space<hbm>> -> memref<36864xf32, #tpu.memory_space<hbm>>
        tpu.enqueue_dma source(%dma_start3A_139 : memref<36864xf32, #tpu.memory_space<hbm>>) target(%arg8 : memref<36864xf32, #tpu.memory_space<vmem>>) target_semaphore(%run_scoped3A : memref<!tpu.dma_semaphore, #tpu.memory_space<semaphore_mem>>)
        %dma_wait3A = tpu.memref_slice %arg3[%sub3A_134, %mul3A_136] : memref<4x147456xf32, #tpu.memory_space<hbm>> -> memref<1x36864xf32, #tpu.memory_space<hbm>>
        %dma_wait3A_140 = tpu.memref_squeeze %dma_wait3A : memref<1x36864xf32, #tpu.memory_space<hbm>> -> memref<36864xf32, #tpu.memory_space<hbm>>
        %dma_wait3A_141 = tpu.memref_slice %arg3[%sub3A_134, %mul3A_136] : memref<4x147456xf32, #tpu.memory_space<hbm>> -> memref<1x36864xf32, #tpu.memory_space<hbm>>
        %dma_wait3A_142 = tpu.memref_squeeze %dma_wait3A_141 : memref<1x36864xf32, #tpu.memory_space<hbm>> -> memref<36864xf32, #tpu.memory_space<hbm>>
        tpu.wait_dma2 semaphore(%run_scoped3A : memref<!tpu.dma_semaphore, #tpu.memory_space<semaphore_mem>>) src(%dma_wait3A_142 : memref<36864xf32, #tpu.memory_space<hbm>>) dst(%arg8 : memref<36864xf32, #tpu.memory_space<vmem>>)
        tpu.yield
      }) : () -> ()
    } else {
    }
    %mul3A_38 = arith.constant 4 : i32
    %mul3A_39 = arith.muli %select_n3A, %mul3A_38 : i32
    "tpu.region"() ({
      %run_scoped3A = tpu.sem_alloc : memref<!tpu.dma_semaphore, #tpu.memory_space<semaphore_mem>>
      %dma_start3A = arith.constant 0 : i32
      %dma_start3A_133 = tpu.memref_slice %arg4[%mul3A_39, %dma_start3A] : memref<32x4096xi32, #tpu.memory_space<hbm>> -> memref<4x4096xi32, #tpu.memory_space<hbm>>
      %dma_start3A_134 = arith.constant 0 : i32
      %dma_start3A_135 = tpu.memref_slice %arg4[%mul3A_39, %dma_start3A_134] : memref<32x4096xi32, #tpu.memory_space<hbm>> -> memref<4x4096xi32, #tpu.memory_space<hbm>>
      tpu.enqueue_dma source(%dma_start3A_135 : memref<4x4096xi32, #tpu.memory_space<hbm>>) target(%arg9 : memref<4x4096xi32, #tpu.memory_space<vmem>>) target_semaphore(%run_scoped3A : memref<!tpu.dma_semaphore, #tpu.memory_space<semaphore_mem>>)
      %dma_wait3A = arith.constant 0 : i32
      %dma_wait3A_136 = tpu.memref_slice %arg4[%mul3A_39, %dma_wait3A] : memref<32x4096xi32, #tpu.memory_space<hbm>> -> memref<4x4096xi32, #tpu.memory_space<hbm>>
      %dma_wait3A_137 = arith.constant 0 : i32
      %dma_wait3A_138 = tpu.memref_slice %arg4[%mul3A_39, %dma_wait3A_137] : memref<32x4096xi32, #tpu.memory_space<hbm>> -> memref<4x4096xi32, #tpu.memory_space<hbm>>
      tpu.wait_dma2 semaphore(%run_scoped3A : memref<!tpu.dma_semaphore, #tpu.memory_space<semaphore_mem>>) src(%dma_wait3A_138 : memref<4x4096xi32, #tpu.memory_space<hbm>>) dst(%arg9 : memref<4x4096xi32, #tpu.memory_space<vmem>>)
      tpu.yield
    }) : () -> ()
    %sub3A_40 = arith.constant 22118 : i32
    %sub3A_41 = arith.constant 0 : i32
    %sub3A_42 = arith.subi %sub3A_40, %sub3A_41 : i32
    %iota3A = tpu.iota {dimensions = array<i32: 0>} : vector<16xi32>
    %scan3A = arith.constant 0 : i32
    %scan3A_43 = arith.constant 0 : i32
    %scan3A_44 = arith.constant 0 : i32
    %scan3A_45 = arith.constant 0 : i32
    %scan3A_46 = arith.constant 0 : i32
    %scan3A_47 = arith.constant 256 : i32
    %scan3A_48 = arith.addi %scan3A_46, %scan3A_47 : i32
    %scan3A_49 = arith.constant 1 : i32
    %scan3A_50:4 = scf.for %scan3A_133 = %scan3A_46 to %scan3A_48 step %scan3A_49 iter_args(%scan3A_134 = %scan3A, %scan3A_135 = %scan3A_43, %scan3A_136 = %scan3A_44, %scan3A_137 = %scan3A_45) -> (i32, i32, i32, i32)  : i32 {
      %sub3A_138 = arith.constant 255 : i32
      %sub3A_139 = arith.subi %sub3A_138, %scan3A_133 : i32
      %mul3A_140 = arith.constant 16 : i32
      %mul3A_141 = arith.muli %sub3A_139, %mul3A_140 : i32
      %get3A_142 = arith.constant 0 : i32
      %get3A_143 = arith.index_cast %get3A_142 : i32 to index
      %get3A_144 = arith.index_cast %mul3A_141 : i32 to index
      %get3A_145 = tpu.vector_load %arg9[%get3A_143, %get3A_144] {strides = array<i32>} : memref<4x4096xi32, #tpu.memory_space<vmem>>, vector<16xi32>,
      %get3A_146 = arith.constant 1 : i32
      %get3A_147 = arith.index_cast %get3A_146 : i32 to index
      %get3A_148 = arith.index_cast %mul3A_141 : i32 to index
      %get3A_149 = tpu.vector_load %arg9[%get3A_147, %get3A_148] {strides = array<i32>} : memref<4x4096xi32, #tpu.memory_space<vmem>>, vector<16xi32>,
      %add3A_150 = arith.addi %get3A_145, %get3A_149 : vector<16xi32>
      %get3A_151 = arith.constant 2 : i32
      %get3A_152 = arith.index_cast %get3A_151 : i32 to index
      %get3A_153 = arith.index_cast %mul3A_141 : i32 to index
      %get3A_154 = tpu.vector_load %arg9[%get3A_152, %get3A_153] {strides = array<i32>} : memref<4x4096xi32, #tpu.memory_space<vmem>>, vector<16xi32>,
      %add3A_155 = arith.addi %add3A_150, %get3A_154 : vector<16xi32>
      %get3A_156 = arith.constant 3 : i32
      %get3A_157 = arith.index_cast %get3A_156 : i32 to index
      %get3A_158 = arith.index_cast %mul3A_141 : i32 to index
      %get3A_159 = tpu.vector_load %arg9[%get3A_157, %get3A_158] {strides = array<i32>} : memref<4x4096xi32, #tpu.memory_space<vmem>>, vector<16xi32>,
      %add3A_160 = arith.addi %add3A_155, %get3A_159 : vector<16xi32>
      %reduce_sum3A_161 = arith.constant true
      %reduce_sum3A_162 = vector.broadcast %reduce_sum3A_161 : i1 to vector<16xi1>
      %reduce_sum3A_163 = tpu.scan <sum>, %add3A_160 masked %reduce_sum3A_162 : vector<16xi32>, vector<16xi1> -> vector<16xi32>
      %reduce_sum3A_164 = vector.extract %reduce_sum3A_163[15] : i32 from vector<16xi32>
      %eq3A_165 = arith.constant 0 : i32
      %eq3A_166 = arith.cmpi eq, %scan3A_135, %eq3A_165 : i32
      %add3A_167 = arith.addi %scan3A_134, %reduce_sum3A_164 : i32
      %ge3A_168 = arith.cmpi sge, %add3A_167, %sub3A_42 : i32
      %and3A_169 = arith.andi %eq3A_166, %ge3A_168 : i1
      %select_n3A_170 = arith.select %and3A_169, %sub3A_139, %scan3A_136 : i32
      %select_n3A_171 = arith.select %and3A_169, %scan3A_134, %scan3A_137 : i32
      %jit3A_172 = arith.constant 1 : i32
      %select_n3A_173 = arith.select %and3A_169, %jit3A_172, %scan3A_135 : i32
      %add3A_174 = arith.addi %scan3A_134, %reduce_sum3A_164 : i32
      scf.yield %add3A_174, %select_n3A_173, %select_n3A_170, %select_n3A_171 : i32, i32, i32, i32
    }
    %scan3A_51 = arith.constant 256 : i32
    %mul3A_52 = arith.constant 16 : i32
    %mul3A_53 = arith.muli %scan3A_50#2, %mul3A_52 : i32
    %get3A = arith.constant 0 : i32
    %get3A_54 = arith.index_cast %get3A : i32 to index
    %get3A_55 = arith.index_cast %mul3A_53 : i32 to index
    %get3A_56 = tpu.vector_load %arg9[%get3A_54, %get3A_55] {strides = array<i32>} : memref<4x4096xi32, #tpu.memory_space<vmem>>, vector<16xi32>,
    %get3A_57 = arith.constant 1 : i32
    %get3A_58 = arith.index_cast %get3A_57 : i32 to index
    %get3A_59 = arith.index_cast %mul3A_53 : i32 to index
    %get3A_60 = tpu.vector_load %arg9[%get3A_58, %get3A_59] {strides = array<i32>} : memref<4x4096xi32, #tpu.memory_space<vmem>>, vector<16xi32>,
    %add3A_61 = arith.addi %get3A_56, %get3A_60 : vector<16xi32>
    %get3A_62 = arith.constant 2 : i32
    %get3A_63 = arith.index_cast %get3A_62 : i32 to index
    %get3A_64 = arith.index_cast %mul3A_53 : i32 to index
    %get3A_65 = tpu.vector_load %arg9[%get3A_63, %get3A_64] {strides = array<i32>} : memref<4x4096xi32, #tpu.memory_space<vmem>>, vector<16xi32>,
    %add3A_66 = arith.addi %add3A_61, %get3A_65 : vector<16xi32>
    %get3A_67 = arith.constant 3 : i32
    %get3A_68 = arith.index_cast %get3A_67 : i32 to index
    %get3A_69 = arith.index_cast %mul3A_53 : i32 to index
    %get3A_70 = tpu.vector_load %arg9[%get3A_68, %get3A_69] {strides = array<i32>} : memref<4x4096xi32, #tpu.memory_space<vmem>>, vector<16xi32>,
    %add3A_71 = arith.addi %add3A_66, %get3A_70 : vector<16xi32>
    %rev3A = arith.constant 15 : i32
    %rev3A_72 = vector.broadcast %rev3A : i32 to vector<16xi32>
    %rev3A_73 = tpu.iota {dimensions = array<i32: 0>} : vector<16xi32>
    %rev3A_74 = arith.subi %rev3A_72, %rev3A_73 : vector<16xi32>
    %rev3A_75 = tpu.dynamic_gather %add3A_71[%rev3A_74] in [0] : vector<16xi32>, vector<16xi32> -> vector<16xi32>
    %broadcast_in_dim3A = arith.constant true
    %broadcast_in_dim3A_76 = vector.broadcast %broadcast_in_dim3A : i1 to vector<16xi1>
    %masked_cumsum3A = tpu.scan <sum>, %rev3A_75 masked %broadcast_in_dim3A_76 : vector<16xi32>, vector<16xi1> -> vector<16xi32>
    %add3A_77 = vector.broadcast %scan3A_50#3 : i32 to vector<16xi32>
    %add3A_78 = arith.addi %add3A_77, %masked_cumsum3A : vector<16xi32>
    %ge3A_79 = vector.broadcast %sub3A_42 : i32 to vector<16xi32>
    %ge3A_80 = arith.cmpi sge, %add3A_78, %ge3A_79 : vector<16xi32>
    %all_reduce_ffs3A = tpu.all_reduce %ge3A_80 {dim = 0 : i64, kind = #tpu.reduction_kind<find_first_set>} : vector<16xi1> -> vector<16xi32>
    %eq3A_81 = arith.constant 0 : i32
    %eq3A_82 = vector.broadcast %eq3A_81 : i32 to vector<16xi32>
    %eq3A_83 = arith.cmpi eq, %iota3A, %eq3A_82 : vector<16xi32>
    %jit3A_84 = arith.constant 0 : i32
    %broadcast_in_dim3A_85 = vector.broadcast %jit3A_84 : i32 to vector<16xi32>
    %select_n3A_86 = arith.select %eq3A_83, %all_reduce_ffs3A, %broadcast_in_dim3A_85 : vector<16xi1>, vector<16xi32>
    %reduce_sum3A = arith.constant true
    %reduce_sum3A_87 = vector.broadcast %reduce_sum3A : i1 to vector<16xi1>
    %reduce_sum3A_88 = tpu.scan <sum>, %select_n3A_86 masked %reduce_sum3A_87 : vector<16xi32>, vector<16xi1> -> vector<16xi32>
    %reduce_sum3A_89 = vector.extract %reduce_sum3A_88[15] : i32 from vector<16xi32>
    %eq3A_90 = vector.broadcast %reduce_sum3A_89 : i32 to vector<16xi32>
    %eq3A_91 = arith.cmpi eq, %iota3A, %eq3A_90 : vector<16xi32>
    %jit3A_92 = arith.constant 0 : i32
    %broadcast_in_dim3A_93 = vector.broadcast %jit3A_92 : i32 to vector<16xi32>
    %select_n3A_94 = arith.select %eq3A_91, %masked_cumsum3A, %broadcast_in_dim3A_93 : vector<16xi1>, vector<16xi32>
    %reduce_sum3A_95 = arith.constant true
    %reduce_sum3A_96 = vector.broadcast %reduce_sum3A_95 : i1 to vector<16xi1>
    %reduce_sum3A_97 = tpu.scan <sum>, %select_n3A_94 masked %reduce_sum3A_96 : vector<16xi32>, vector<16xi1> -> vector<16xi32>
    %reduce_sum3A_98 = vector.extract %reduce_sum3A_97[15] : i32 from vector<16xi32>
    %eq3A_99 = vector.broadcast %reduce_sum3A_89 : i32 to vector<16xi32>
    %eq3A_100 = arith.cmpi eq, %iota3A, %eq3A_99 : vector<16xi32>
    %jit3A_101 = arith.constant 0 : i32
    %broadcast_in_dim3A_102 = vector.broadcast %jit3A_101 : i32 to vector<16xi32>
    %select_n3A_103 = arith.select %eq3A_100, %rev3A_75, %broadcast_in_dim3A_102 : vector<16xi1>, vector<16xi32>
    %reduce_sum3A_104 = arith.constant true
    %reduce_sum3A_105 = vector.broadcast %reduce_sum3A_104 : i1 to vector<16xi1>
    %reduce_sum3A_106 = tpu.scan <sum>, %select_n3A_103 masked %reduce_sum3A_105 : vector<16xi32>, vector<16xi1> -> vector<16xi32>
    %reduce_sum3A_107 = vector.extract %reduce_sum3A_106[15] : i32 from vector<16xi32>
    %mul3A_108 = arith.constant 16 : i32
    %mul3A_109 = arith.muli %scan3A_50#2, %mul3A_108 : i32
    %add3A_110 = arith.constant 15 : i32
    %add3A_111 = arith.addi %mul3A_109, %add3A_110 : i32
    %sub3A_112 = arith.subi %add3A_111, %reduce_sum3A_89 : i32
    %add3A_113 = arith.addi %scan3A_50#3, %reduce_sum3A_98 : i32
    %sub3A_114 = arith.subi %add3A_113, %reduce_sum3A_107 : i32
    %shift_left3A = arith.constant 0 : i32
    %shift_left3A_115 = arith.constant 12 : i32
    %shift_left3A_116 = arith.shli %shift_left3A, %shift_left3A_115 : i32
    %or3A = arith.ori %shift_left3A_116, %sub3A_112 : i32
    %add3A_117 = arith.constant 0 : i32
    %add3A_118 = arith.addi %add3A_117, %sub3A_114 : i32
    %broadcast_in_dim3A_119 = arith.constant 0 : i32
    %broadcast_in_dim3A_120 = vector.broadcast %broadcast_in_dim3A_119 : i32 to vector<16xi32>
    %parallel_loop3A = arith.constant 0 : i32
    %parallel_loop3A_121 = arith.constant 256 : i32
    %parallel_loop3A_122 = arith.constant 1 : i32
    scf.for %parallel_loop3A_133 = %parallel_loop3A to %parallel_loop3A_121 step %parallel_loop3A_122  : i32 {
      %parallel_loop3A_134 = arith.constant 16 : i32
      %parallel_loop3A_135 = arith.muli %parallel_loop3A_133, %parallel_loop3A_134 : i32
      %parallel_loop3A_136 = arith.index_cast %parallel_loop3A_135 : i32 to index
      %parallel_loop3A_137 = tpu.vector_load %arg10[%parallel_loop3A_136] {strides = array<i32>} : memref<4096xi32, #tpu.memory_space<vmem>>, vector<16xi32>,
      tpu.vector_store %arg10[%parallel_loop3A_136], %broadcast_in_dim3A_120 {strides = array<i32>} : memref<4096xi32, #tpu.memory_space<vmem>>, vector<16xi32>,
    } {sc.loop_unroll_factor = 8 : i64, sc.parallel_access}
    %broadcast_in_dim3A_123 = arith.constant 1 : i32
    %broadcast_in_dim3A_124 = vector.broadcast %broadcast_in_dim3A_123 : i32 to vector<16xi32>
    %parallel_loop3A_125 = arith.constant 0 : i32
    %parallel_loop3A_126 = arith.constant 2304 : i32
    %parallel_loop3A_127 = arith.constant 1 : i32
    scf.for %parallel_loop3A_133 = %parallel_loop3A_125 to %parallel_loop3A_126 step %parallel_loop3A_127  : i32 {
      %parallel_loop3A_134 = arith.constant 16 : i32
      %parallel_loop3A_135 = arith.muli %parallel_loop3A_133, %parallel_loop3A_134 : i32
      %parallel_loop3A_136 = arith.index_cast %parallel_loop3A_135 : i32 to index
      %parallel_loop3A_137 = tpu.vector_load %arg8[%parallel_loop3A_136] {strides = array<i32>} : memref<36864xf32, #tpu.memory_space<vmem>>, vector<16xf32>,
      %parallel_loop3A_138 = vector.bitcast %parallel_loop3A_137 : vector<16xf32> to vector<16xi32>
      %parallel_loop3A_139 = arith.constant 7 : i32
      %parallel_loop3A_140 = vector.broadcast %parallel_loop3A_139 : i32 to vector<16xi32>
      %parallel_loop3A_141 = arith.shrui %parallel_loop3A_138, %parallel_loop3A_140 : vector<16xi32>
      %parallel_loop3A_142 = arith.constant 4095 : i32
      %parallel_loop3A_143 = vector.broadcast %parallel_loop3A_142 : i32 to vector<16xi32>
      %parallel_loop3A_144 = arith.andi %parallel_loop3A_141, %parallel_loop3A_143 : vector<16xi32>
      %parallel_loop3A_145 = arith.constant 19 : i32
      %parallel_loop3A_146 = vector.broadcast %parallel_loop3A_145 : i32 to vector<16xi32>
      %parallel_loop3A_147 = arith.shrui %parallel_loop3A_138, %parallel_loop3A_146 : vector<16xi32>
      %parallel_loop3A_148 = vector.broadcast %or3A : i32 to vector<16xi32>
      %parallel_loop3A_149 = arith.cmpi eq, %parallel_loop3A_147, %parallel_loop3A_148 : vector<16xi32>
      tpu.vector_store_idx %arg10[%parallel_loop3A_144], %broadcast_in_dim3A_124 masked %parallel_loop3A_149 {add = true} : memref<4096xi32, #tpu.memory_space<vmem>>[vector<16xi32>], vector<16xi32>, vector<16xi1>
    } {sc.loop_unroll_factor = 16 : i64, sc.parallel_access}
    "tpu.region"() ({
      %run_scoped3A = tpu.sem_alloc : memref<!tpu.dma_semaphore, #tpu.memory_space<semaphore_mem>>
      %dma_start3A = arith.constant 0 : i32
      %dma_start3A_133 = tpu.memref_slice %arg6[%add3A, %dma_start3A] : memref<32x4096xi32, #tpu.memory_space<hbm>> -> memref<1x4096xi32, #tpu.memory_space<hbm>>
      %dma_start3A_134 = tpu.memref_squeeze %dma_start3A_133 : memref<1x4096xi32, #tpu.memory_space<hbm>> -> memref<4096xi32, #tpu.memory_space<hbm>>
      %dma_start3A_135 = arith.constant 0 : i32
      %dma_start3A_136 = tpu.memref_slice %arg6[%add3A, %dma_start3A_135] : memref<32x4096xi32, #tpu.memory_space<hbm>> -> memref<1x4096xi32, #tpu.memory_space<hbm>>
      %dma_start3A_137 = tpu.memref_squeeze %dma_start3A_136 : memref<1x4096xi32, #tpu.memory_space<hbm>> -> memref<4096xi32, #tpu.memory_space<hbm>>
      tpu.enqueue_dma source(%arg10 : memref<4096xi32, #tpu.memory_space<vmem>>) target(%dma_start3A_137 : memref<4096xi32, #tpu.memory_space<hbm>>) target_semaphore(%run_scoped3A : memref<!tpu.dma_semaphore, #tpu.memory_space<semaphore_mem>>)
      %dma_wait3A = arith.constant 0 : i32
      %dma_wait3A_138 = tpu.memref_slice %arg6[%add3A, %dma_wait3A] : memref<32x4096xi32, #tpu.memory_space<hbm>> -> memref<1x4096xi32, #tpu.memory_space<hbm>>
      %dma_wait3A_139 = tpu.memref_squeeze %dma_wait3A_138 : memref<1x4096xi32, #tpu.memory_space<hbm>> -> memref<4096xi32, #tpu.memory_space<hbm>>
      %dma_wait3A_140 = arith.constant 0 : i32
      %dma_wait3A_141 = tpu.memref_slice %arg6[%add3A, %dma_wait3A_140] : memref<32x4096xi32, #tpu.memory_space<hbm>> -> memref<1x4096xi32, #tpu.memory_space<hbm>>
      %dma_wait3A_142 = tpu.memref_squeeze %dma_wait3A_141 : memref<1x4096xi32, #tpu.memory_space<hbm>> -> memref<4096xi32, #tpu.memory_space<hbm>>
      tpu.wait_dma2 semaphore(%run_scoped3A : memref<!tpu.dma_semaphore, #tpu.memory_space<semaphore_mem>>) src(%arg10 : memref<4096xi32, #tpu.memory_space<vmem>>) dst(%dma_wait3A_142 : memref<4096xi32, #tpu.memory_space<hbm>>)
      tpu.yield
    }) : () -> ()
    %eq3A_128 = arith.constant 0 : i32
    %eq3A_129 = arith.cmpi eq, %select_n3A_30, %eq3A_128 : i32
    %convert_element_type3A_130 = arith.extui %eq3A_129 : i1 to i32
    %cond3A_131 = arith.constant 0 : i32
    %cond3A_132 = arith.cmpi ne, %convert_element_type3A_130, %cond3A_131 : i32
    scf.if %cond3A_132 {
      %iota3A_133 = tpu.iota {dimensions = array<i32: 0>} : vector<16xi32>
      %eq3A_134 = arith.constant 0 : i32
      %eq3A_135 = vector.broadcast %eq3A_134 : i32 to vector<16xi32>
      %eq3A_136 = arith.cmpi eq, %iota3A_133, %eq3A_135 : vector<16xi32>
      %eq3A_137 = arith.constant 1 : i32
      %eq3A_138 = vector.broadcast %eq3A_137 : i32 to vector<16xi32>
      %eq3A_139 = arith.cmpi eq, %iota3A_133, %eq3A_138 : vector<16xi32>
      %jit3A_140 = arith.constant 0 : i32
      %broadcast_in_dim3A_141 = vector.broadcast %add3A_118 : i32 to vector<16xi32>
      %broadcast_in_dim3A_142 = vector.broadcast %jit3A_140 : i32 to vector<16xi32>
      %select_n3A_143 = arith.select %eq3A_139, %broadcast_in_dim3A_141, %broadcast_in_dim3A_142 : vector<16xi1>, vector<16xi32>
      %broadcast_in_dim3A_144 = vector.broadcast %or3A : i32 to vector<16xi32>
      %select_n3A_145 = arith.select %eq3A_136, %broadcast_in_dim3A_144, %select_n3A_143 : vector<16xi1>, vector<16xi32>
      %swap3A = arith.constant 0 : index
      %swap3A_146 = tpu.vector_load %arg11[%swap3A] {strides = array<i32>} : memref<16xi32, #tpu.memory_space<vmem>>, vector<16xi32>,
      tpu.vector_store %arg11[%swap3A], %select_n3A_145 {strides = array<i32>} : memref<16xi32, #tpu.memory_space<vmem>>, vector<16xi32>,
      "tpu.region"() ({
        %run_scoped3A = tpu.sem_alloc : memref<!tpu.dma_semaphore, #tpu.memory_space<semaphore_mem>>
        %dma_start3A = arith.constant 0 : i32
        %dma_start3A_147 = tpu.memref_slice %arg7[%select_n3A, %dma_start3A] : memref<8x16xi32, #tpu.memory_space<hbm>> -> memref<1x16xi32, #tpu.memory_space<hbm>>
        %dma_start3A_148 = tpu.memref_squeeze %dma_start3A_147 : memref<1x16xi32, #tpu.memory_space<hbm>> -> memref<16xi32, #tpu.memory_space<hbm>>
        %dma_start3A_149 = arith.constant 0 : i32
        %dma_start3A_150 = tpu.memref_slice %arg7[%select_n3A, %dma_start3A_149] : memref<8x16xi32, #tpu.memory_space<hbm>> -> memref<1x16xi32, #tpu.memory_space<hbm>>
        %dma_start3A_151 = tpu.memref_squeeze %dma_start3A_150 : memref<1x16xi32, #tpu.memory_space<hbm>> -> memref<16xi32, #tpu.memory_space<hbm>>
        tpu.enqueue_dma source(%arg11 : memref<16xi32, #tpu.memory_space<vmem>>) target(%dma_start3A_151 : memref<16xi32, #tpu.memory_space<hbm>>) target_semaphore(%run_scoped3A : memref<!tpu.dma_semaphore, #tpu.memory_space<semaphore_mem>>)
        %dma_wait3A = arith.constant 0 : i32
        %dma_wait3A_152 = tpu.memref_slice %arg7[%select_n3A, %dma_wait3A] : memref<8x16xi32, #tpu.memory_space<hbm>> -> memref<1x16xi32, #tpu.memory_space<hbm>>
        %dma_wait3A_153 = tpu.memref_squeeze %dma_wait3A_152 : memref<1x16xi32, #tpu.memory_space<hbm>> -> memref<16xi32, #tpu.memory_space<hbm>>
        %dma_wait3A_154 = arith.constant 0 : i32
        %dma_wait3A_155 = tpu.memref_slice %arg7[%select_n3A, %dma_wait3A_154] : memref<8x16xi32, #tpu.memory_space<hbm>> -> memref<1x16xi32, #tpu.memory_space<hbm>>
        %dma_wait3A_156 = tpu.memref_squeeze %dma_wait3A_155 : memref<1x16xi32, #tpu.memory_space<hbm>> -> memref<16xi32, #tpu.memory_space<hbm>>
        tpu.wait_dma2 semaphore(%run_scoped3A : memref<!tpu.dma_semaphore, #tpu.memory_space<semaphore_mem>>) src(%arg11 : memref<16xi32, #tpu.memory_space<vmem>>) dst(%dma_wait3A_156 : memref<16xi32, #tpu.memory_space<hbm>>)
        tpu.yield
      }) : () -> ()
    } else {
    }
    return
  }
}

module attributes {stable_mosaic.version = 14 : i64} {
  func.func @_ce_kernel(%arg0: i32, %arg1: memref<4x2xf32, #tpu.memory_space<smem>>, %arg2: memref<1x3x384x384xi32, #tpu.memory_space<vmem>>, %arg3: memref<1x3x384x384xf32, #tpu.memory_space<vmem>>, %arg4: memref<1x3x384x384xf32, #tpu.memory_space<vmem>>, %arg5: memref<1x384x384xf32, #tpu.memory_space<vmem>>, %arg6: memref<1x384x384xf32, #tpu.memory_space<vmem>>, %arg7: memref<8x128xf32, #tpu.memory_space<vmem>>) attributes {dimension_semantics = [#tpu.dimension_semantics<arbitrary>], iteration_bounds = array<i64: 4>, scalar_prefetch = 0 : i64, scratch_operands = 0 : i64, tpu.core_type = #tpu.core_type<tc>, window_params = [{transform_indices = @transform_0, window_bounds = array<i64: 4, 2>}, {transform_indices = @transform_1, window_bounds = array<i64: 1, 3, 384, 384>}, {transform_indices = @transform_2, window_bounds = array<i64: 1, 3, 384, 384>}, {transform_indices = @transform_3, window_bounds = array<i64: 1, 3, 384, 384>}, {transform_indices = @transform_4, window_bounds = array<i64: 1, 384, 384>}, {transform_indices = @transform_5, window_bounds = array<i64: 1, 384, 384>}, {pipeline_mode = #tpu.pipeline_mode<synchronous>, transform_indices = @transform_6, window_bounds = array<i64: 8, 128>}]} {
    %get3A = arith.index_cast %arg0 : i32 to index
    %get3A_0 = arith.constant 1 : index
    %get3A_1 = memref.load %arg1[%get3A, %get3A_0] : memref<4x2xf32, #tpu.memory_space<smem>>
    %gt3A = arith.constant 5.000000e-01 : f32
    %gt3A_2 = arith.cmpf ogt, %get3A_1, %gt3A : f32
    %get3A_3 = arith.constant 0 : index
    %get3A_4 = arith.constant 0 : index
    %get3A_5 = arith.constant 0 : index
    %get3A_6 = arith.constant 0 : index
    %get3A_7 = vector.load %arg3[%get3A_3, %get3A_4, %get3A_5, %get3A_6] : memref<1x3x384x384xf32, #tpu.memory_space<vmem>>, vector<1x3x384x384xf32>
    %get3A_8 = vector.shape_cast %get3A_7 : vector<1x3x384x384xf32> to vector<3x384x384xf32>
    %get3A_9 = arith.constant 0 : index
    %get3A_10 = arith.constant 1 : index
    %get3A_11 = arith.constant 0 : index
    %get3A_12 = arith.constant 0 : index
    %get3A_13 = vector.load %arg2[%get3A_9, %get3A_10, %get3A_11, %get3A_12] : memref<1x3x384x384xi32, #tpu.memory_space<vmem>>, vector<1x1x384x384xi32>
    %get3A_14 = vector.shape_cast %get3A_13 : vector<1x1x384x384xi32> to vector<384x384xi32>
    %convert_element_type3A = arith.extui %gt3A_2 : i1 to i32
    %cond3A = arith.constant 0 : i32
    %cond3A_15 = arith.cmpi ne, %convert_element_type3A, %cond3A : i32
    %cond3A_16 = scf.if %cond3A_15 -> (vector<384x384xf32>) {
      %slice3A = vector.extract_strided_slice %get3A_8 {offsets = [0, 0, 0], sizes = [1, 384, 384], strides = [1, 1, 1]} : vector<3x384x384xf32> to vector<1x384x384xf32>
      %squeeze3A = vector.shape_cast %slice3A : vector<1x384x384xf32> to vector<384x384xf32>
      %slice3A_66 = vector.extract_strided_slice %get3A_8 {offsets = [1, 0, 0], sizes = [1, 384, 384], strides = [1, 1, 1]} : vector<3x384x384xf32> to vector<1x384x384xf32>
      %squeeze3A_67 = vector.shape_cast %slice3A_66 : vector<1x384x384xf32> to vector<384x384xf32>
      %slice3A_68 = vector.extract_strided_slice %get3A_8 {offsets = [2, 0, 0], sizes = [1, 384, 384], strides = [1, 1, 1]} : vector<3x384x384xf32> to vector<1x384x384xf32>
      %squeeze3A_69 = vector.shape_cast %slice3A_68 : vector<1x384x384xf32> to vector<384x384xf32>
      %max3A = arith.maximumf %squeeze3A, %squeeze3A_67 : vector<384x384xf32>
      %max3A_70 = arith.maximumf %max3A, %squeeze3A_69 : vector<384x384xf32>
      %sub3A = arith.subf %squeeze3A, %max3A_70 : vector<384x384xf32>
      %exp3A = math.exp %sub3A : vector<384x384xf32>
      %sub3A_71 = arith.subf %squeeze3A_67, %max3A_70 : vector<384x384xf32>
      %exp3A_72 = math.exp %sub3A_71 : vector<384x384xf32>
      %add3A_73 = arith.addf %exp3A, %exp3A_72 : vector<384x384xf32>
      %sub3A_74 = arith.subf %squeeze3A_69, %max3A_70 : vector<384x384xf32>
      %exp3A_75 = math.exp %sub3A_74 : vector<384x384xf32>
      %add3A_76 = arith.addf %add3A_73, %exp3A_75 : vector<384x384xf32>
      %log3A = math.log %add3A_76 : vector<384x384xf32>
      %add3A_77 = arith.addf %log3A, %max3A_70 : vector<384x384xf32>
      %eq3A = arith.constant 0 : i32
      %eq3A_78 = vector.broadcast %eq3A : i32 to vector<384x384xi32>
      %eq3A_79 = arith.cmpi eq, %get3A_14, %eq3A_78 : vector<384x384xi32>
      %eq3A_80 = arith.constant 1 : i32
      %eq3A_81 = vector.broadcast %eq3A_80 : i32 to vector<384x384xi32>
      %eq3A_82 = arith.cmpi eq, %get3A_14, %eq3A_81 : vector<384x384xi32>
      %select_n3A = arith.select %eq3A_82, %squeeze3A_67, %squeeze3A_69 : vector<384x384xi1>, vector<384x384xf32>
      %select_n3A_83 = arith.select %eq3A_79, %squeeze3A, %select_n3A : vector<384x384xi1>, vector<384x384xf32>
      %sub3A_84 = arith.subf %add3A_77, %select_n3A_83 : vector<384x384xf32>
      %max3A_85 = arith.constant 0.000000e+00 : f32
      %max3A_86 = vector.broadcast %max3A_85 : f32 to vector<384x384xf32>
      %max3A_87 = arith.maximumf %sub3A_84, %max3A_86 : vector<384x384xf32>
      scf.yield %max3A_87 : vector<384x384xf32>
    } else {
      %slice3A = vector.extract_strided_slice %get3A_8 {offsets = [0, 0, 0], sizes = [1, 384, 384], strides = [1, 1, 1]} : vector<3x384x384xf32> to vector<1x384x384xf32>
      %squeeze3A = vector.shape_cast %slice3A : vector<1x384x384xf32> to vector<384x384xf32>
      %slice3A_66 = vector.extract_strided_slice %get3A_8 {offsets = [1, 0, 0], sizes = [1, 384, 384], strides = [1, 1, 1]} : vector<3x384x384xf32> to vector<1x384x384xf32>
      %squeeze3A_67 = vector.shape_cast %slice3A_66 : vector<1x384x384xf32> to vector<384x384xf32>
      %max3A = arith.maximumf %squeeze3A, %squeeze3A_67 : vector<384x384xf32>
      %sub3A = arith.subf %squeeze3A, %max3A : vector<384x384xf32>
      %exp3A = math.exp %sub3A : vector<384x384xf32>
      %sub3A_68 = arith.subf %squeeze3A_67, %max3A : vector<384x384xf32>
      %exp3A_69 = math.exp %sub3A_68 : vector<384x384xf32>
      %add3A_70 = arith.addf %exp3A, %exp3A_69 : vector<384x384xf32>
      %log3A = math.log %add3A_70 : vector<384x384xf32>
      %add3A_71 = arith.addf %log3A, %max3A : vector<384x384xf32>
      %ge3A = arith.constant 1 : i32
      %ge3A_72 = vector.broadcast %ge3A : i32 to vector<384x384xi32>
      %ge3A_73 = arith.cmpi sge, %get3A_14, %ge3A_72 : vector<384x384xi32>
      %select_n3A = arith.select %ge3A_73, %squeeze3A_67, %squeeze3A : vector<384x384xi1>, vector<384x384xf32>
      %sub3A_74 = arith.subf %add3A_71, %select_n3A : vector<384x384xf32>
      %max3A_75 = arith.constant 0.000000e+00 : f32
      %max3A_76 = vector.broadcast %max3A_75 : f32 to vector<384x384xf32>
      %max3A_77 = arith.maximumf %sub3A_74, %max3A_76 : vector<384x384xf32>
      scf.yield %max3A_77 : vector<384x384xf32>
    }
    %swap3A = arith.constant 0 : index
    %swap3A_17 = arith.constant 0 : index
    %swap3A_18 = arith.constant 0 : index
    %swap3A_19 = vector.load %arg5[%swap3A, %swap3A_17, %swap3A_18] : memref<1x384x384xf32, #tpu.memory_space<vmem>>, vector<1x384x384xf32>
    %swap3A_20 = vector.shape_cast %swap3A_19 : vector<1x384x384xf32> to vector<384x384xf32>
    %swap3A_21 = vector.shape_cast %cond3A_16 : vector<384x384xf32> to vector<1x384x384xf32>
    tpu.vector_store %arg5[%swap3A, %swap3A_17, %swap3A_18], %swap3A_21 {strides = array<i32>} : memref<1x384x384xf32, #tpu.memory_space<vmem>>, vector<1x384x384xf32>,
    %reduce_sum3A = vector.shape_cast %cond3A_16 : vector<384x384xf32> to vector<1x384x384xf32>
    %reduce_sum3A_22 = arith.constant dense<0.000000e+00> : vector<1xf32>
    %reduce_sum3A_23 = vector.multi_reduction <add>, %reduce_sum3A, %reduce_sum3A_22 [1, 2] : vector<1x384x384xf32> to vector<1xf32>
    %reduce_sum3A_24 = vector.shape_cast %reduce_sum3A_23 : vector<1xf32> to vector<1x1x1xf32>
    %reduce_sum3A_25 = vector.extract %reduce_sum3A_24[0, 0, 0] : f32 from vector<1x1x1xf32>
    %reshape3A = vector.broadcast %reduce_sum3A_25 : f32 to vector<1x1xf32>
    %broadcast_in_dim3A = vector.shape_cast %reshape3A : vector<1x1xf32> to vector<1x1xf32>
    %broadcast_in_dim3A_26 = vector.broadcast %broadcast_in_dim3A : vector<1x1xf32> to vector<1x128xf32>
    %add3A = arith.constant 0 : i32
    %add3A_27 = arith.addi %add3A, %arg0 : i32
    %swap3A_28 = arith.index_cast %add3A_27 : i32 to index
    %swap3A_29 = arith.constant 0 : index
    %swap3A_30 = vector.load %arg7[%swap3A_28, %swap3A_29] : memref<8x128xf32, #tpu.memory_space<vmem>>, vector<1x128xf32>
    tpu.vector_store %arg7[%swap3A_28, %swap3A_29], %broadcast_in_dim3A_26 {strides = array<i32>} : memref<8x128xf32, #tpu.memory_space<vmem>>, vector<1x128xf32>,
    %get3A_31 = arith.constant 0 : index
    %get3A_32 = arith.constant 0 : index
    %get3A_33 = arith.constant 0 : index
    %get3A_34 = arith.constant 0 : index
    %get3A_35 = vector.load %arg4[%get3A_31, %get3A_32, %get3A_33, %get3A_34] : memref<1x3x384x384xf32, #tpu.memory_space<vmem>>, vector<1x3x384x384xf32>
    %get3A_36 = vector.shape_cast %get3A_35 : vector<1x3x384x384xf32> to vector<3x384x384xf32>
    %get3A_37 = arith.constant 0 : index
    %get3A_38 = arith.constant 2 : index
    %get3A_39 = arith.constant 0 : index
    %get3A_40 = arith.constant 0 : index
    %get3A_41 = vector.load %arg2[%get3A_37, %get3A_38, %get3A_39, %get3A_40] : memref<1x3x384x384xi32, #tpu.memory_space<vmem>>, vector<1x1x384x384xi32>
    %get3A_42 = vector.shape_cast %get3A_41 : vector<1x1x384x384xi32> to vector<384x384xi32>
    %convert_element_type3A_43 = arith.extui %gt3A_2 : i1 to i32
    %cond3A_44 = arith.constant 0 : i32
    %cond3A_45 = arith.cmpi ne, %convert_element_type3A_43, %cond3A_44 : i32
    %cond3A_46 = scf.if %cond3A_45 -> (vector<384x384xf32>) {
      %slice3A = vector.extract_strided_slice %get3A_36 {offsets = [0, 0, 0], sizes = [1, 384, 384], strides = [1, 1, 1]} : vector<3x384x384xf32> to vector<1x384x384xf32>
      %squeeze3A = vector.shape_cast %slice3A : vector<1x384x384xf32> to vector<384x384xf32>
      %slice3A_66 = vector.extract_strided_slice %get3A_36 {offsets = [1, 0, 0], sizes = [1, 384, 384], strides = [1, 1, 1]} : vector<3x384x384xf32> to vector<1x384x384xf32>
      %squeeze3A_67 = vector.shape_cast %slice3A_66 : vector<1x384x384xf32> to vector<384x384xf32>
      %slice3A_68 = vector.extract_strided_slice %get3A_36 {offsets = [2, 0, 0], sizes = [1, 384, 384], strides = [1, 1, 1]} : vector<3x384x384xf32> to vector<1x384x384xf32>
      %squeeze3A_69 = vector.shape_cast %slice3A_68 : vector<1x384x384xf32> to vector<384x384xf32>
      %max3A = arith.maximumf %squeeze3A, %squeeze3A_67 : vector<384x384xf32>
      %max3A_70 = arith.maximumf %max3A, %squeeze3A_69 : vector<384x384xf32>
      %sub3A = arith.subf %squeeze3A, %max3A_70 : vector<384x384xf32>
      %exp3A = math.exp %sub3A : vector<384x384xf32>
      %sub3A_71 = arith.subf %squeeze3A_67, %max3A_70 : vector<384x384xf32>
      %exp3A_72 = math.exp %sub3A_71 : vector<384x384xf32>
      %add3A_73 = arith.addf %exp3A, %exp3A_72 : vector<384x384xf32>
      %sub3A_74 = arith.subf %squeeze3A_69, %max3A_70 : vector<384x384xf32>
      %exp3A_75 = math.exp %sub3A_74 : vector<384x384xf32>
      %add3A_76 = arith.addf %add3A_73, %exp3A_75 : vector<384x384xf32>
      %log3A = math.log %add3A_76 : vector<384x384xf32>
      %add3A_77 = arith.addf %log3A, %max3A_70 : vector<384x384xf32>
      %eq3A = arith.constant 0 : i32
      %eq3A_78 = vector.broadcast %eq3A : i32 to vector<384x384xi32>
      %eq3A_79 = arith.cmpi eq, %get3A_42, %eq3A_78 : vector<384x384xi32>
      %eq3A_80 = arith.constant 1 : i32
      %eq3A_81 = vector.broadcast %eq3A_80 : i32 to vector<384x384xi32>
      %eq3A_82 = arith.cmpi eq, %get3A_42, %eq3A_81 : vector<384x384xi32>
      %select_n3A = arith.select %eq3A_82, %squeeze3A_67, %squeeze3A_69 : vector<384x384xi1>, vector<384x384xf32>
      %select_n3A_83 = arith.select %eq3A_79, %squeeze3A, %select_n3A : vector<384x384xi1>, vector<384x384xf32>
      %sub3A_84 = arith.subf %add3A_77, %select_n3A_83 : vector<384x384xf32>
      %max3A_85 = arith.constant 0.000000e+00 : f32
      %max3A_86 = vector.broadcast %max3A_85 : f32 to vector<384x384xf32>
      %max3A_87 = arith.maximumf %sub3A_84, %max3A_86 : vector<384x384xf32>
      scf.yield %max3A_87 : vector<384x384xf32>
    } else {
      %slice3A = vector.extract_strided_slice %get3A_36 {offsets = [0, 0, 0], sizes = [1, 384, 384], strides = [1, 1, 1]} : vector<3x384x384xf32> to vector<1x384x384xf32>
      %squeeze3A = vector.shape_cast %slice3A : vector<1x384x384xf32> to vector<384x384xf32>
      %slice3A_66 = vector.extract_strided_slice %get3A_36 {offsets = [1, 0, 0], sizes = [1, 384, 384], strides = [1, 1, 1]} : vector<3x384x384xf32> to vector<1x384x384xf32>
      %squeeze3A_67 = vector.shape_cast %slice3A_66 : vector<1x384x384xf32> to vector<384x384xf32>
      %max3A = arith.maximumf %squeeze3A, %squeeze3A_67 : vector<384x384xf32>
      %sub3A = arith.subf %squeeze3A, %max3A : vector<384x384xf32>
      %exp3A = math.exp %sub3A : vector<384x384xf32>
      %sub3A_68 = arith.subf %squeeze3A_67, %max3A : vector<384x384xf32>
      %exp3A_69 = math.exp %sub3A_68 : vector<384x384xf32>
      %add3A_70 = arith.addf %exp3A, %exp3A_69 : vector<384x384xf32>
      %log3A = math.log %add3A_70 : vector<384x384xf32>
      %add3A_71 = arith.addf %log3A, %max3A : vector<384x384xf32>
      %ge3A = arith.constant 1 : i32
      %ge3A_72 = vector.broadcast %ge3A : i32 to vector<384x384xi32>
      %ge3A_73 = arith.cmpi sge, %get3A_42, %ge3A_72 : vector<384x384xi32>
      %select_n3A = arith.select %ge3A_73, %squeeze3A_67, %squeeze3A : vector<384x384xi1>, vector<384x384xf32>
      %sub3A_74 = arith.subf %add3A_71, %select_n3A : vector<384x384xf32>
      %max3A_75 = arith.constant 0.000000e+00 : f32
      %max3A_76 = vector.broadcast %max3A_75 : f32 to vector<384x384xf32>
      %max3A_77 = arith.maximumf %sub3A_74, %max3A_76 : vector<384x384xf32>
      scf.yield %max3A_77 : vector<384x384xf32>
    }
    %swap3A_47 = arith.constant 0 : index
    %swap3A_48 = arith.constant 0 : index
    %swap3A_49 = arith.constant 0 : index
    %swap3A_50 = vector.load %arg6[%swap3A_47, %swap3A_48, %swap3A_49] : memref<1x384x384xf32, #tpu.memory_space<vmem>>, vector<1x384x384xf32>
    %swap3A_51 = vector.shape_cast %swap3A_50 : vector<1x384x384xf32> to vector<384x384xf32>
    %swap3A_52 = vector.shape_cast %cond3A_46 : vector<384x384xf32> to vector<1x384x384xf32>
    tpu.vector_store %arg6[%swap3A_47, %swap3A_48, %swap3A_49], %swap3A_52 {strides = array<i32>} : memref<1x384x384xf32, #tpu.memory_space<vmem>>, vector<1x384x384xf32>,
    %reduce_sum3A_53 = vector.shape_cast %cond3A_46 : vector<384x384xf32> to vector<1x384x384xf32>
    %reduce_sum3A_54 = arith.constant dense<0.000000e+00> : vector<1xf32>
    %reduce_sum3A_55 = vector.multi_reduction <add>, %reduce_sum3A_53, %reduce_sum3A_54 [1, 2] : vector<1x384x384xf32> to vector<1xf32>
    %reduce_sum3A_56 = vector.shape_cast %reduce_sum3A_55 : vector<1xf32> to vector<1x1x1xf32>
    %reduce_sum3A_57 = vector.extract %reduce_sum3A_56[0, 0, 0] : f32 from vector<1x1x1xf32>
    %reshape3A_58 = vector.broadcast %reduce_sum3A_57 : f32 to vector<1x1xf32>
    %broadcast_in_dim3A_59 = vector.shape_cast %reshape3A_58 : vector<1x1xf32> to vector<1x1xf32>
    %broadcast_in_dim3A_60 = vector.broadcast %broadcast_in_dim3A_59 : vector<1x1xf32> to vector<1x128xf32>
    %add3A_61 = arith.constant 4 : i32
    %add3A_62 = arith.addi %add3A_61, %arg0 : i32
    %swap3A_63 = arith.index_cast %add3A_62 : i32 to index
    %swap3A_64 = arith.constant 0 : index
    %swap3A_65 = vector.load %arg7[%swap3A_63, %swap3A_64] : memref<8x128xf32, #tpu.memory_space<vmem>>, vector<1x128xf32>
    tpu.vector_store %arg7[%swap3A_63, %swap3A_64], %broadcast_in_dim3A_60 {strides = array<i32>} : memref<8x128xf32, #tpu.memory_space<vmem>>, vector<1x128xf32>,
    return
  }
  func.func @transform_0(%arg0: i32) -> (i32, i32) {
    %c0_i32 = arith.constant 0 : i32
    %c0_i32_0 = arith.constant 0 : i32
    %c0_i32_1 = arith.constant 0 : i32
    return %c0_i32, %c0_i32_0 : i32, i32
  }
  func.func @transform_1(%arg0: i32) -> (i32, i32, i32, i32) {
    %c0_i32 = arith.constant 0 : i32
    %c0_i32_0 = arith.constant 0 : i32
    %c0_i32_1 = arith.constant 0 : i32
    %c0_i32_2 = arith.constant 0 : i32
    return %arg0, %c0_i32, %c0_i32_0, %c0_i32_1 : i32, i32, i32, i32
  }
  func.func @transform_2(%arg0: i32) -> (i32, i32, i32, i32) {
    %c0_i32 = arith.constant 0 : i32
    %c0_i32_0 = arith.constant 0 : i32
    %c0_i32_1 = arith.constant 0 : i32
    %c0_i32_2 = arith.constant 0 : i32
    return %arg0, %c0_i32, %c0_i32_0, %c0_i32_1 : i32, i32, i32, i32
  }
  func.func @transform_3(%arg0: i32) -> (i32, i32, i32, i32) {
    %c0_i32 = arith.constant 0 : i32
    %c0_i32_0 = arith.constant 0 : i32
    %c0_i32_1 = arith.constant 0 : i32
    %c0_i32_2 = arith.constant 0 : i32
    return %arg0, %c0_i32, %c0_i32_0, %c0_i32_1 : i32, i32, i32, i32
  }
  func.func @transform_4(%arg0: i32) -> (i32, i32, i32) {
    %c0_i32 = arith.constant 0 : i32
    %c0_i32_0 = arith.constant 0 : i32
    %c0_i32_1 = arith.constant 0 : i32
    return %arg0, %c0_i32, %c0_i32_0 : i32, i32, i32
  }
  func.func @transform_5(%arg0: i32) -> (i32, i32, i32) {
    %c0_i32 = arith.constant 0 : i32
    %c0_i32_0 = arith.constant 0 : i32
    %c0_i32_1 = arith.constant 0 : i32
    return %arg0, %c0_i32, %c0_i32_0 : i32, i32, i32
  }
  func.func @transform_6(%arg0: i32) -> (i32, i32) {
    %c0_i32 = arith.constant 0 : i32
    %c0_i32_0 = arith.constant 0 : i32
    %c0_i32_1 = arith.constant 0 : i32
    return %c0_i32, %c0_i32_0 : i32, i32
  }
}

</mosaic_0001>

<sc_bundles>
// kernel: kernel.10.cloned.1.call-start
scs
__scs_entry_jumppad:
0x0: {  	(pc) =	sbr.rel $0x88, $3  }
0x1: {  	(tag) =	ssettag $0x0;
	lr =	simm.s32 $0x1  }
0x2: {  	[smem:$0x3F9C] =	sst lr;
	_ =	strace $0xD0000000  }
0x3: {  	_ = 	snop  }
0x4: {  	_ = 	snop  }
0x5: {  	_ = 	snop  }
0x6: {  	_ = 	snop  }
0x7: {  	_ = 	snop  }
__scs_overlays_trampoline_lowered:
0x8: {  	[smem:$0x3FAB] =	sst s0  }
0x9: {  	[smem:$0x3FAC] =	sst s1  }
0xa: {  	[smem:$0x3FAD] =	sst s2  }
0xb: {  	[smem:$0x3FAE] =	sst s3  }
0xc: {  	[smem:$0x3FAF] =	sst s4  }
0xd: {  	[smem:$0x3FB0] =	sst s5  }
0xe: {  	[smem:$0x3FB1] =	sst s6  }
0xf: {  	[smem:$0x3FB2] =	sst s7  }
0x10: {  	[smem:$0x3FB3] =	sst s8  }
0x11: {  	[smem:$0x3FB4] =	sst s9;
	s0 =	simm.s32 @!p0 $0x0  }
0x12: {  	s1 =	sld [smem:$0x3F9A];
	s0 =	simm.s32 @p0 $0x1  }
0x13: {  	[smem:$0x3FB5] =	sst s0;
	s0 =	simm.s32 @!p1 $0x0  }
0x14: {  	s2 =	sld [smem:$0x3F99];
	s0 =	simm.s32 @p1 $0x1  }
0x15: {  	[smem:$0x3FB6] =	sst s0;
	s0 =	simm.s32 @!p2 $0x0  }
0x16: {  	s3 =	sld [smem:$0x3FDB];
	s0 =	simm.s32 @p2 $0x1  }
0x17: {  	s4 =	simm.s32 $0x1BF5;
	[smem:$0x3FB8] =	sst s0  }
0x18: {  	s0 =	sld [smem:$0x3F9B];
	_ =	swait.ge [sflag:s4], $0x0  }
0x19: {  	s7 =	sld [smem:$0x3F9C]  }
0x1a: {  	s8 =	sadd.s32 $0xFFFFE003, lr  }
0x1b: {  	s9 =	sadd.s32 $0xFFFFFEF7, lr;
	s5 =	simm.s32 $0xFFFFFFFF;
	p2 =	slt.u32 s8, $0xFFFFF086  }
0x1c: {  	p1 =	slt.u32 s9, $0xF7A;
	s5 =	simm.s32 @!p2 $0x0  }
0x1d: {  	s5 =	simm.s32 @p1 $0x1;
	p0 =	seq.s32 s7, s2  }
0x1e: {  	s7 =	smul.u32 @!p0 $0xF7A, s2;
	p2 =	seq.s32 @!p0 s5, $0x0  }
0x1f: {  	s9 =	smul.u32 $0xF7A, s1;
	s8 =	simm.s32 @!p0 $0x1BF5;
	p2 =	por !p2, p0  }
0x20: {  	[sflag:s8] =	ssyncset.s32 @!p0 $0xFFFFF086;
	s6 =	sadd.s32 @!p0 s3, s7;
	s7 =	simm.s32 @!p0 $0x108  }
0x21: {  	s3 =	sadd.s32 s3, s9;
	s6 =	sadd.s32 @!p0 $0x88, s6;
	s7 =	simm.s32 @p2 $0x1082  }
0x22: {  	[simem:s7], [sflag:s8] =	dma.local @!p0 [hbm:s6], $0xF7A  }
0x23: {  	s9 =	sor.u32 $0xD0000000, s2;
	s6 =	simm.s32 $0x108;
	_ =	swait.ge @!p0 [sflag:s8], $0x0  }
0x24: {  	s3 =	sadd.s32 $0x88, s3;
	s6 =	simm.s32 @!p1 $0x1082;
	[sflag:s4] =	ssyncset.s32 $0xFFFFF086  }
0x25: {  	[simem:s6], [sflag:s4] =	dma.local [hbm:s3], $0xF7A  }
0x26: {  	[smem:$0x3F9C] =	sst s1;
	(tag) =	ssettag s2;
	_ =	strace s9  }
0x27: {  	s1 =	sld [smem:$0x3FAC]  }
0x28: {  	s2 =	sld [smem:$0x3FAD]  }
0x29: {  	s4 =	sld [smem:$0x3FAF]  }
0x2a: {  	p0 =	seq.s32 s5, $0x0;
	s5 =	sld [smem:$0x3FB0]  }
0x2b: {  	s6 =	sld [smem:$0x3FB1]  }
0x2c: {  	s7 =	sld [smem:$0x3FB2]  }
0x2d: {  	s3 =	simm.s32 $0x108;
	s8 =	sld [smem:$0x3FB3]  }
0x2e: {  	s3 =	simm.s32 @!p0 $0x1082;
	s9 =	sld [smem:$0x3FB4]  }
0x2f: {  	lr =	sadd.s32 s0, s3;
	s0 =	sld [smem:$0x3FAB]  }
0x30: {  	s3 =	sld [smem:$0x3FAE]  }
0x31: {  	[smem:$0x3FB7] =	sst s10  }
0x32: {  	s10 =	sld [smem:$0x3FB5];
	_ =	sdelay $0x3  }
0x33: {  	p0 =	seq.s32 s10, $0x1;
	s10 =	sld [smem:$0x3FB7];
	_ =	sdelay $0x3  }
0x34: {  	[smem:$0x3FB7] =	sst s10  }
0x35: {  	s10 =	sld [smem:$0x3FB6];
	_ =	sdelay $0x3  }
0x36: {  	p1 =	seq.s32 s10, $0x1;
	s10 =	sld [smem:$0x3FB7];
	_ =	sdelay $0x3  }
0x37: {  	[smem:$0x3FB7] =	sst s10  }
0x38: {  	s10 =	sld [smem:$0x3FB8]  }
0x39: {  	_ = 	snop;
	(pc) =	sbr.ind lr, $3  }
0x3a: {  	_ = 	snop  }
0x3b: {  	_ = 	snop  }
0x3c: {  	p2 =	seq.s32 s10, $0x1;
	s10 =	sld [smem:$0x3FB7]  }
0x3d: {  	_ =	shalt  }
0x3e: {  	_ =	shalt  }
0x3f: {  	_ =	shalt  }
0x40: {  	_ =	shalt  }
0x41: {  	_ =	shalt  }
0x42: {  	_ =	shalt  }
0x43: {  	_ =	shalt  }
0x44: {  	_ =	shalt  }
0x45: {  	_ =	shalt  }
0x46: {  	_ =	shalt  }
0x47: {  	_ =	shalt  }
0x48: {  	_ =	shalt  }
0x49: {  	_ =	shalt  }
0x4a: {  	_ =	shalt  }
0x4b: {  	_ =	shalt  }
0x4c: {  	_ =	shalt  }
0x4d: {  	_ =	shalt  }
0x4e: {  	_ =	shalt  }
0x4f: {  	_ =	shalt  }
0x50: {  	_ =	shalt  }
0x51: {  	_ =	shalt  }
0x52: {  	_ =	shalt  }
0x53: {  	_ =	shalt  }
0x54: {  	_ =	shalt  }
0x55: {  	_ =	shalt  }
0x56: {  	_ =	shalt  }
0x57: {  	_ =	shalt  }
0x58: {  	_ =	shalt  }
0x59: {  	_ =	shalt  }
0x5a: {  	_ =	shalt  }
0x5b: {  	_ =	shalt  }
0x5c: {  	_ =	shalt  }
0x5d: {  	_ =	shalt  }
0x5e: {  	_ =	shalt  }
0x5f: {  	_ =	shalt  }
0x60: {  	_ =	shalt  }
0x61: {  	_ =	shalt  }
0x62: {  	_ =	shalt  }
0x63: {  	_ =	shalt  }
0x64: {  	_ =	shalt  }
0x65: {  	_ =	shalt  }
0x66: {  	_ =	shalt  }
0x67: {  	_ =	shalt  }
0x68: {  	_ =	shalt  }
0x69: {  	_ =	shalt  }
0x6a: {  	_ =	shalt  }
0x6b: {  	_ =	shalt  }
0x6c: {  	_ =	shalt  }
0x6d: {  	_ =	shalt  }
0x6e: {  	_ =	shalt  }
0x6f: {  	_ =	shalt  }
0x70: {  	_ =	shalt  }
0x71: {  	_ =	shalt  }
0x72: {  	_ =	shalt  }
0x73: {  	_ =	shalt  }
0x74: {  	_ =	shalt  }
0x75: {  	_ =	shalt  }
0x76: {  	_ =	shalt  }
0x77: {  	_ =	shalt  }
0x78: {  	_ =	shalt  }
0x79: {  	_ =	shalt  }
0x7a: {  	_ =	shalt  }
0x7b: {  	_ =	shalt  }
0x7c: {  	_ =	shalt  }
0x7d: {  	_ =	shalt  }
0x7e: {  	_ =	shalt  }
0x7f: {  	_ =	shalt  }
0x80: {  	_ =	shalt  }
0x81: {  	_ =	shalt  }
0x82: {  	_ =	shalt  }
0x83: {  	_ =	shalt  }
0x84: {  	_ =	shalt  }
0x85: {  	_ =	shalt  }
0x86: {  	_ =	shalt  }
0x87: {  	_ =	shalt  }
.Lfunc_end0:
.L_simem_size_0:
called_computation.1_lowered:
.L_overlay_start_0:
0x88: {  	s2 =	sld [smem:$0x3FD9]  }
0x89: {  	s3 =	sld [smem:$0x3FFE];
	_ =	sdelay $0x1  }
0x8a: {  	s1 =	srdreg.scid  }
0x8b: {  	s0 =	sand.u32 $0x1, s1  }
0x8c: {  	s16 =	sshll.u32 s0, $0xA;
	s2 =	sadd.s32 s3, s2  }
0x8d: {  	s2 =	sadd.s32 s2, s16  }
0x8e: {  	[smem:$0x3FC3] =	sst s2  }
0x8f: {  	_ = 	snop  }
0x90: {  	(tm) =	ssettm $0x1  }
0x91: {  	s17 =	sld [smem:$0x3FFB];
	_ =	sdelay $0x3  }
0x92: {  	_ =	strace s17  }
0x93: {  	s2 =	sld [smem:$0x3FFC];
	_ =	sdelay $0x3  }
0x94: {  	_ =	strace s2  }
0x95: {  	s2 =	sld [smem:$0x3FFD];
	_ =	sdelay $0x3  }
0x96: {  	_ =	strace s2  }
0x97: {  	_ =	strace $0x8FFFFFFF  }
0x98: {  	s18 =	sld [smem:$0x3FDB];
	_ =	sdelay $0x1  }
0x99: {  	s19 =	simm.s32 $_scs_section_size  }
0x9a: {  	s4 =	simm.s32 $_size__tile_overlayer_lowered;
	s5 =	simm.s32 $_tile_overlayer_lowered  }
0x9b: {  	s22 =	simm.s32 $0x1BFF;
	s21 =	sshll.u32 s5, $0x1;
	s2 =	sadd.s32 s19, s18  }
0x9c: {  	s6 =	simm.s32 $0x0;
	s20 =	sshll.u32 s4, $0x1;
	s4 =	sadd.s32 s21, s2  }
0x9d: {  	[timem:s6], [sflag:s22] =	dma.local [hbm:s4], s20  }
0x9e: {  	_ =	swait.ge [sflag:s22], s20  }
0x9f: {  	s3 =	ssub.s32 $0x0, s20;
	[sflag:s22] =	ssyncset.done $0x0  }
0xa0: {  	[sflag:s22] =	ssyncadd.s32 s3;
	_ =	sdelay $0x1  }
0xa1: {  	s23 =	simm.s32 $0x1B8B  }
0xa2: {  	_ =	swait.ge [sflag:s23], $0x1  }
0xa3: {  	[sflag:s23] =	ssyncset.done $0x0  }
0xa4: {  	s25 =	simm.s32 $0x1B8E;
	s24 =	sld [smem:$0x3FFE];
	[sflag:s23] =	ssyncadd.s32 $0xFFFFFFFF  }
0xa5: {  	s26 =	simm.s32 $execute0_lowered;
	[smem:$0x3FD2] =	sst s25  }
0xa6: {  	s4 =	sshll.u32 s26, $0x1;
	_ =	strace $0x80000049;
	[dreg:$0x1] =	wrdreg $0xFFFFFFFF  }
0xa7: {  	s28 =	simm.s32 $_size_execute0_lowered;
	s2 =	sadd.s32 s2, s4;
	[dreg:$0x0] =	wrdreg $0x0  }
0xa8: {  	s4 =	sshll.u32 s28, $0x1;
	[dreg:$0x2] =	wrdreg s2  }
0xa9: {  	[dreg:$0x3] =	wrdreg s4  }
0xaa: {  	[dreg:$0x4] =	wrdreg $0xC0  }
0xab: {  	_ =	task [dreg:s6], $0x5FFFF  }
0xac: {  	[dreg:$0x1] =	wrdreg $0xFFFFFFFF  }
0xad: {  	[dreg:$0x0] =	wrdreg $0x60  }
0xae: {  	[dreg:$0x2] =	wrdreg s24  }
0xaf: {  	[dreg:$0x3] =	wrdreg $0x9  }
0xb0: {  	_ =	task.clear_ibuf [dreg:s6], $0x4FFFF;
	_ =	strace $0x90000049  }
0xb1: {  	s29 =	simm.s32 $0x9;
	_ =	strace $0x8000004B  }
0xb2: {  	_ =	swait.ge [sflag:s29], $0x1  }
0xb3: {  	[sflag:s29] =	ssyncadd.s32 $0xFFFFFFFF  }
0xb4: {  	_ =	strace $0x9000004B  }
0xb5: {  	_ =	sfence  }
0xb6: {  	s30 =	sld [smem:$0x0];
	_ =	sdelay $0x2  }
0xb7: {  	s31 =	sshll.u32 s1, $0xD;
	s1 =	sshrl.u32 s1, $0x2  }
0xb8: {  	s3 =	sand.u32 $0x4000, s31;
	s1 =	sadd.s32 s1, s30  }
0xb9: {  	s0 =	sor.u32 s3, s0;
	s1 =	sshll.u32 s1, $0x11  }
0xba: {  	s0 =	sor.u32 s1, s0  }
0xbb: {  	s0 =	sadd.s32 $0x8F2B, s0  }
0xbc: {  	[sflag:s0] =	ssyncadd.remote.s32 $0x1  }
0xbd: {  	_ =	sfence.sel $0xFFFF  }
0xbe: {  	[dreg:$0x0] =	wrdreg $0xFFFFFFFF;
	(pc) =	sbr.abs _section_cstart, $3  }
0xbf: {  	[dreg:$0x1] =	wrdreg $0xFFFFFFFF  }
0xc0: {  	_ =	task.clear_ibuf [dreg:s6], $0x2FFFF;
	_ =	strace $0x9FFFFFFF  }
0xc1: {  	(tm) =	ssettm $0x7FFFFFFF  }
tec
execute0_lowered:
.L_overlay_start_1:
0x0: {  	(tag) =	ssettag $0x1  }
0x1: {  	s0 =	srdreg.scid;
	s2 =	simm.s32 $0x1  }
0x2: {  	s6 =	rddreg [dreg:$0x0];
	s4 =	sand.u32 $0x1, s0;
	s0 =	stileid.u32  }
0x3: {  	s1 =	sshll.u32 s4, $0x4;
	s3 =	sand.u32 $0x3, s0;
	s29 =	sshll.u32 s0, $0x4  }
0x4: {  	s4 =	ssub.s32 $0x2, s4;
	s5 =	sor.u32 s0, s1;
	p0 =	sne.s32 s3, $0x0  }
0x5: {  	s1 =	rddreg [dreg:$0x1];
	s8 =	smul.u32 $0x24000, s3;
	p1 =	seq.s32 s5, $0x0  }
0x6: {  	s3 =	simm.s32 $0x1;
	s13 =	sshrl.u32 s4, $0x1;
	p1 =	por !p0, !p1  }
0x7: {  	s7 =	sshrl.u32 s5, $0x2;
	s5 =	sshll.u32 s5, $0x9;
	p1 =	por !p1, !p1  }
0x8: {  	s13 =	ssub.s32 s4, s13;
	s14 =	simm.s32 @!p0 $0x0;
	s2 =	simm.s32 @!p1 $0x0  }
0x9: {  	s5 =	sand.u32 $0x3000, s5;
	s7 =	ssub.s32 s7, s2;
	s2 =	simm.s32 $0x0  }
0xa: {  	s14 =	simm.s32 @p0 $0x1;
	s26 =	sshrl.u32 s7, $0x2;
	[smem:$0x7FF] =	sst s2  }
0xb: {  	s10 =	sshll.u32 s7, $0x7;
	s11 =	sshll.u32 s7, $0xE;
	s12 =	sshll.u32 s7, $0x9  }
0xc: {  	s30 =	sshll.u32 s7, $0x4;
	p1 =	slt.s32 s7, $0x4;
	s9 =	smul.u32 $0x90000, s26  }
0xd: {  	_ =	strace $0x8000004A;
	s10 =	sand.u32 $0x180, s10;
	s11 =	sand.u32 $0xFFFF8000, s11  }
0xe: {  	s12 =	sand.u32 $0x200, s12;
	[smem:$0x7FD] =	sst s14;
	s14 =	simm.s32 $0x0  }
0xf: {  	s28 =	sor.u32 s12, s11;
	s11 =	sand.u32 $0x70, s29;
	s12 =	sand.u32 $0x1FFFFFF0, s30  }
0x10: {  	s9 =	sadd.s32 s8, s9;
	s8 =	sor.u32 s8, s10;
	s11 =	sadd.s32 s11, s6  }
0x11: {  	s12 =	sadd.s32 s12, s6;
	s9 =	sor.u32 s10, s9;
	s8 =	sshrl.u32 s8, $0x3  }
0x12: {  	s10 =	sshrl.u32 s28, $0x3;
	s31 =	sadd.s32 s5, s11;
	s7 =	sadd.s32 $0x2CA00, s12  }
0x13: {  	s11 =	simm.s32 $0x400;
	s12 =	simm.s32 $0x9000;
	s9 =	sshrl.u32 s9, $0x3  }
0x14: {  	v0 =	vlaneseq.u32;
	s8 =	sadd.s32 s8, s6;
	s10 =	sadd.s32 s10, s6;
	s9 =	sadd.s32 s9, s6  }
0x15: {  	v0 =	vmul.u32 $0xFFFFFFFF, v0;
	s4 =	sadd.s32 $0x12800, s8;
	s5 =	sadd.s32 $0x24800, s10;
	s6 =	sadd.s32 $0x28A00, s31  }
0x16: {  	v1 =	vimm.s32 $0x0;
	vm0 =	vmmov $0x1;
	v2 =	vimm.s32 $0x1;
	s8 =	smax.u32 s13, $0x1;
	s10 =	simm.s32 $0x200;
	s9 =	sadd.s32 $0x800, s9  }
0x17: {  	v0 =	vadd.s32 $0xF, v0;
	vm1 =	vcmask @!p0 $0x300;
	vm2 =	vcmask @!p0 $0x704;
	s13 =	simm.s32 $0xD000;
	s4 =	smov.u32 @p1 s9;
	s9 =	simm.s32 $0x80  }
.LBB2_1:
0x18: {  	[tilespmem:s2], [sflag:$0x1] =	stream.strided.gather [hbm4b:s4+s9], $0x9000, s10, s9, $0x38;
	[tilespmem:$0xE080] =	vst v63  }
0x19: {  	_ =	swait.ge [sflag:s3], $0x9000  }
0x1a: {  	[sflag:s3] =	ssyncset.done $0x0  }
0x1b: {  	[sflag:s3] =	ssyncadd.s32 $0xFFFF7000  }
0x1c: {  	[tilespmem:s12], [sflag:$0x1] =	stream.strided.gather [hbm4b:s5+s10], $0x4000, s11, s10, $0x38;
	[tilespmem:$0xE080] =	vst v63  }
0x1d: {  	s15 =	simm.s32 $0xFF0;
	s16 =	simm.s32 $0x3FC0;
	_ =	swait.ge [sflag:s3], $0x4000  }
0x1e: {  	s15 =	sand.u32 $0x70, s15;
	s16 =	sand.u32 $0x3E00, s16;
	[sflag:s3] =	ssyncset.done $0x0  }
0x1f: {  	s15 =	sor.u32 s15, s16;
	[sflag:s3] =	ssyncadd.s32 $0xFFFFC000  }
0x20: {  	v3 =	vld [tilespmem:s15+$0x9000]  }
0x21: {  	v4 =	vld [tilespmem:s15+$0x9080]  }
0x22: {  	s29 =	simm.s32 $0xFE0;
	s17 =	simm.s32 $0x3F80;
	v5 =	vld [tilespmem:s15+$0x9100]  }
0x23: {  	s30 =	sand.u32 $0x70, s29;
	s31 =	sand.u32 $0x3E00, s17;
	v6 =	vld [tilespmem:s15+$0x9180]  }
0x24: {  	s15 =	sor.u32 s30, s31  }
0x25: {  	v7 =	vld [tilespmem:s15+$0x9000]  }
0x26: {  	v3 =	vadd.s32 v3, v4;
	v4 =	vld [tilespmem:s15+$0x9080]  }
0x27: {  	v3 =	vadd.s32 v5, v3;
	v5 =	vld [tilespmem:s15+$0x9100]  }
0x28: {  	v3 =	vadd.s32 v6, v3;
	v6 =	vld [tilespmem:s15+$0x9180];
	_ =	sdelay $0x2  }
0x29: {  	(xrf0) =	vadd.scan.msk.s32 $0xffff, v3;
	v3 =	vadd.s32 v7, v4  }
0x2a: {  	s18 =	simm.s32 $0x3F40;
	s19 =	simm.s32 $0xFC0;
	s17 =	simm.s32 $0xFD0;
	v3 =	vadd.s32 v5, v3  }
0x2b: {  	s20 =	simm.s32 $0x3F00;
	s16 =	sand.u32 $0x3E00, s18;
	s15 =	sand.u32 $0x70, s17;
	v3 =	vadd.s32 v6, v3  }
0x2c: {  	s17 =	sand.u32 $0x3E00, s20;
	s15 =	sor.u32 s15, s16;
	s16 =	sand.u32 $0x70, s19;
	(xrf0) =	vadd.scan.msk.s32 $0xffff, v3  }
0x2d: {  	s21 =	sor.u32 s16, s17;
	v4 =	vld [tilespmem:s15+$0x9080]  }
0x2e: {  	v7 =	vld [tilespmem:s21+$0x9000]  }
0x2f: {  	v9 =	vld [tilespmem:s21+$0x9080]  }
0x30: {  	v5 =	vld [tilespmem:s15+$0x9100];
	v3, _, _ =	vpop (xrf0)  }
0x31: {  	(v2sf) =	vpush v3, $0xF;
	v3 =	vld [tilespmem:s15+$0x9000]  }
0x32: {  	v6 =	vld [tilespmem:s15+$0x9180];
	v8, _, _ =	vpop (xrf0)  }
0x33: {  	s22 =	simm.s32 $0xFB0;
	s23 =	simm.s32 $0x3EC0;
	(v2sf) =	vpush v8, $0xF;
	v8 =	vld [tilespmem:s21+$0x9100]  }
0x34: {  	s16 =	sand.u32 $0x70, s22;
	s17 =	sand.u32 $0x3E00, s23;
	v10 =	vld [tilespmem:s21+$0x9180]  }
0x35: {  	s24 =	sor.u32 s16, s17  }
0x36: {  	v3 =	vadd.s32 v3, v4;
	v4 =	vld [tilespmem:s24+$0x9000]  }
0x37: {  	v3 =	vadd.s32 v5, v3;
	v5 =	vadd.s32 v7, v9;
	v7 =	vld [tilespmem:s24+$0x9080]  }
0x38: {  	v3 =	vadd.s32 v6, v3;
	v6 =	vld [tilespmem:s24+$0x9100];
	v5 =	vadd.s32 v8, v5  }
0x39: {  	(xrf0) =	vadd.scan.msk.s32 $0xffff, v3;
	v3 =	vadd.s32 v10, v5  }
0x3a: {  	(xrf0) =	vadd.scan.msk.s32 $0xffff, v3  }
0x3b: {  	v5 =	vld [tilespmem:s24+$0x9180]  }
0x3c: {  	v3 =	vadd.s32 v4, v7  }
0x3d: {  	v6 =	vadd.s32 v6, v3  }
0x3e: {  	s25 =	simm.s32 $0xFA0;
	s26 =	simm.s32 $0x3E80  }
0x3f: {  	s16 =	sand.u32 $0x70, s25;
	s17 =	sand.u32 $0x3E00, s26;
	v4, _, _ =	vpop (xrf0)  }
0x40: {  	s28 =	sor.u32 s16, s17;
	s30 =	spop (v2sf);
	(v2sf) =	vpush v4, $0xF;
	v5 =	vadd.s32 v5, v6;
	v6, _, _ =	vpop (xrf0)  }
0x41: {  	v62 =	vld [tilespmem:s28+$0x9080];
	(v2sf) =	vpush v6, $0xF  }
0x42: {  	p1 =	por $0x1, $0x1;
	s29 =	simm.s32 $0xF90;
	v8 =	vld [tilespmem:s28+$0x9000]  }
0x43: {  	s18 =	simm.s32 $0xFF;
	s19 =	simm.s32 $0x0;
	s23 =	simm.s32 $0xF80;
	v63 =	vld [tilespmem:s28+$0x9100]  }
0x44: {  	s16 =	sand.u32 $0x70, s29;
	s21 =	simm.s32 $0x3E40;
	s20 =	sadd.s32 $0x0, s30  }
0x45: {  	s15 =	simm.s32 $0x0;
	s31 =	sand.u32 $0x3E00, s21;
	p2 =	sgt.s32 s20, $0x5665  }
0x46: {  	s22 =	sor.u32 s16, s31;
	s16 =	simm.s32 $0x0;
	v3 =	vld [tilespmem:s28+$0x9180];
	(xrf0) =	vadd.scan.msk.s32 $0xffff, v5;
	p1 =	por !p1, !p2  }
0x47: {  	v7 =	vadd.s32 v8, v62;
	v4 =	vld [tilespmem:s22+$0x9000];
	s17 =	smov.u32 s20;
	p1 =	por !p1, !p1;
	s24 =	spop (v2sf)  }
0x48: {  	v5 =	vld [tilespmem:s22+$0x9080];
	v6 =	vadd.s32 v63, v7;
	s16 =	smov.u32 @p1 s18;
	s19 =	simm.s32 @p1 $0x1;
	s15 =	smov.u32 @p1 s15  }
.LBB2_2:
0x49: {  	s20 =	sadd.s32 s20, s24  }
0x4a: {  	s25 =	sand.u32 $0x70, s23;
	p1 =	seq.s32 s19, $0x0;
	p2 =	sgt.s32 s20, $0x5665  }
0x4b: {  	v7 =	vld [tilespmem:s22+$0x9100];
	s21 =	sadd.s32 $0xFFFFFFC0, s21;
	v8 =	vadd.s32 v3, v6;
	p1 =	por !p1, !p2;
	p2 =	sne.s32 s23, $0x0  }
.Ltmp0:
0x4c: {  	s24 =	sand.u32 $0x3E00, s21;
	v3 =	vld [tilespmem:s22+$0x9180];
	(xrf0) =	vadd.scan.msk.s32 $0xffff, v8;
	v6, _, _ =	vpop (xrf0);
	(pc) =	sbr.rel @p2 .LBB2_2-.Ltmp0, $4  }
0x4d: {  	s18 =	sadd.s32 $0xFFFFFFFF, s18;
	s22 =	sor.u32 s25, s24;
	(v2sf) =	vpush v6, $0xF  }
0x4e: {  	s23 =	sadd.s32 $0xFFFFFFF0, s23;
	p1 =	por !p1, !p1  }
0x4f: {  	v6 =	vadd.s32 v4, v5;
	v4 =	vld [tilespmem:s22+$0x9000];
	s16 =	smov.u32 @p1 s18;
	s19 =	simm.s32 @p1 $0x1  }
0x50: {  	s15 =	smov.u32 @p1 s17;
	s17 =	smov.u32 s20;
	v5 =	vld [tilespmem:s22+$0x9080];
	v6 =	vadd.s32 v7, v6;
	s24 =	spop (v2sf)  }
0x51: {  	v7 =	vld [tilespmem:s22+$0x9100];
	v3 =	vadd.s32 v3, v6  }
0x52: {  	v6 =	vld [tilespmem:s22+$0x9180];
	_ =	sdelay $0x1  }
0x53: {  	(xrf0) =	vadd.scan.msk.s32 $0xffff, v3;
	v3, _, _ =	vpop (xrf0)  }
0x54: {  	(v2sf) =	vpush v3, $0xF;
	v3 =	vadd.s32 v4, v5  }
0x55: {  	v3 =	vadd.s32 v7, v3  }
0x56: {  	v3 =	vadd.s32 v6, v3;
	_ =	sdelay $0x1  }
0x57: {  	(xrf0) =	vadd.scan.msk.s32 $0xffff, v3  }
0x58: {  	v3, _, _ =	vpop (xrf0)  }
0x59: {  	s20 =	sadd.s32 s20, s24;
	(v2sf) =	vpush v3, $0xF  }
0x5a: {  	p1 =	seq.s32 s19, $0x0;
	p2 =	sgt.s32 s20, $0x5665  }
0x5b: {  	p1 =	por !p1, !p2  }
0x5c: {  	s21 =	spop (v2sf);
	p1 =	por !p1, !p1  }
0x5d: {  	s21 =	sadd.s32 s20, s21;
	s19 =	simm.s32 @p1 $0x1;
	v3, _, _ =	vpop (xrf0)  }
0x5e: {  	p3 =	sgt.s32 s21, $0x5665;
	p4 =	seq.s32 s19, $0x0;
	(v2sf) =	vpush v3, $0xF  }
0x5f: {  	p2 =	por !p4, !p3  }
0x60: {  	p2 =	por !p2, !p2;
	s28 =	spop (v2sf)  }
0x61: {  	s19 =	simm.s32 @p2 $0x1;
	s22 =	sadd.s32 s21, s28  }
0x62: {  	p5 =	seq.s32 s19, $0x0;
	p4 =	sgt.s32 s22, $0x5665  }
0x63: {  	p3 =	por !p5, !p4  }
0x64: {  	p3 =	por !p3, !p3;
	s23 =	spop (v2sf)  }
0x65: {  	s19 =	simm.s32 @p3 $0x1;
	s23 =	sadd.s32 s22, s23  }
0x66: {  	p6 =	seq.s32 s19, $0x0;
	p5 =	sgt.s32 s23, $0x5665  }
0x67: {  	p4 =	por !p6, !p5  }
0x68: {  	p4 =	por !p4, !p4;
	s29 =	spop (v2sf)  }
0x69: {  	s19 =	simm.s32 @p4 $0x1;
	s24 =	sadd.s32 s23, s29  }
0x6a: {  	p0 =	seq.s32 s19, $0x0;
	p6 =	sgt.s32 s24, $0x5665  }
0x6b: {  	s18 =	sadd.s32 $0xFFFFFFFF, s18;
	p5 =	por !p0, !p6  }
0x6c: {  	s16 =	smov.u32 @p1 s18;
	s18 =	sadd.s32 $0xFFFFFFFF, s18;
	p5 =	por !p5, !p5  }
0x6d: {  	s16 =	smov.u32 @p2 s18;
	s30 =	spop (v2sf);
	s19 =	simm.s32 @p5 $0x1  }
0x6e: {  	s18 =	sadd.s32 $0xFFFFFFFF, s18;
	p6 =	seq.s32 s19, $0x0;
	s19 =	sadd.s32 s24, s30  }
0x6f: {  	s16 =	smov.u32 @p3 s18;
	s18 =	sadd.s32 $0xFFFFFFFF, s18;
	p0 =	sgt.s32 s19, $0x5665  }
0x70: {  	s16 =	smov.u32 @p4 s18;
	s18 =	sadd.s32 $0xFFFFFFFF, s18;
	p0 =	por !p6, !p0  }
0x71: {  	s16 =	smov.u32 @p5 s18;
	s18 =	sadd.s32 $0xFFFFFFFF, s18;
	p6 =	por !p0, !p0  }
0x72: {  	s16 =	smov.u32 @p6 s18  }
0x73: {  	s18 =	sshll.u32 s16, $0x4;
	s16 =	sshll.u32 s16, $0x6  }
0x74: {  	s31 =	sand.u32 $0x70, s18;
	s16 =	sand.u32 $0x3E00, s16  }
0x75: {  	s16 =	sor.u32 s31, s16  }
0x76: {  	v3 =	vld [tilespmem:s16+$0x9000]  }
0x77: {  	v4 =	vld [tilespmem:s16+$0x9080]  }
0x78: {  	v5 =	vld [tilespmem:s16+$0x9100]  }
0x79: {  	v6 =	vld [tilespmem:s16+$0x9180];
	_ =	sdelay $0x2  }
0x7a: {  	v3 =	vadd.s32 v3, v4  }
0x7b: {  	v3 =	vadd.s32 v5, v3  }
0x7c: {  	v3 =	vadd.s32 v6, v3  }
0x7d: {  	v3 =	vperm.xlane v3, v0;
	_ =	sdelay $0x1  }
0x7e: {  	(xrf0) =	vadd.scan.msk.s32 $0xffff, v3  }
0x7f: {  	s15 =	smov.u32 @p1 s17  }
0x80: {  	s15 =	smov.u32 @p2 s20;
	s16 =	simm.s32 $0xD040  }
0x81: {  	s15 =	smov.u32 @p3 s21;
	[tilespmem:s16+$0xFFFFFFC0] =	vst v1  }
0x82: {  	s15 =	smov.u32 @p4 s22;
	[tilespmem:s16+$0x30] =	vst v1  }
0x83: {  	s15 =	smov.u32 @p5 s23;
	[tilespmem:s16+$0x20] =	vst v1  }
0x84: {  	s15 =	smov.u32 @p6 s24;
	[tilespmem:s16+$0x10] =	vst v1;
	v4, _, _ =	vpop (xrf0)  }
0x85: {  	[tilespmem:s16+$0x0] =	vst v1;
	v5 =	vadd.s32 s15, v4  }
0x86: {  	[tilespmem:s16+$0xFFFFFFF0] =	vst v1;
	vm3 =	vgt.s32 v5, $0x5665  }
0x87: {  	s17 =	simm.s32 $0x0;
	[tilespmem:s16+$0xFFFFFFE0] =	vst v1;
	v5 =	vmctz.xlane vm3  }
.LBB2_4:
0x88: {  	s17 =	sadd.s32 $0x8, s17;
	[tilespmem:s16+$0xFFFFFFD0] =	vst v1;
	s16 =	sadd.s32 $0x80, s16  }
0x89: {  	[tilespmem:s16+$0xFFFFFFC0] =	vst v1;
	p0 =	slt.u32 s17, $0xF8  }
0x8a: {  	[tilespmem:s16+$0x30] =	vst v1  }
.Ltmp1:
0x8b: {  	[tilespmem:s16+$0x20] =	vst v1;
	(pc) =	sbr.rel @p0 .LBB2_4-.Ltmp1, $4  }
0x8c: {  	[tilespmem:s16+$0x10] =	vst v1  }
0x8d: {  	[tilespmem:s16+$0x0] =	vst v1  }
0x8e: {  	[tilespmem:s16+$0xFFFFFFF0] =	vst v1  }
0x8f: {  	[tilespmem:s16+$0xFFFFFFE0] =	vst v1  }
0x90: {  	v5 =	vnsel vm0, $0x0, v5  }
0x91: {  	(xrf0) =	vadd.scan.msk.s32 $0xffff, v5;
	_ =	sdelay $0x5  }
0x92: {  	v5, _, _ =	vpop (xrf0)  }
0x93: {  	(v2sf) =	vpush v5, $0xF;
	_ =	sdelay $0x4  }
0x94: {  	[tilespmem:s16+$0xFFFFFFD0] =	vst v1;
	s31 =	simm.s32 $0x80  }
0x95: {  	v8 =	vld [tilespmem:s31+$0xFFFFFF90]  }
0x96: {  	v7 =	vld [tilespmem:s31+$0xFFFFFF80]  }
0x97: {  	v10 =	vld [tilespmem:s31+$0x20]  }
0x98: {  	v12 =	vld [tilespmem:s31+$0xFFFFFFB0]  }
0x99: {  	v13 =	vld [tilespmem:s31+$0xFFFFFFC0]  }
0x9a: {  	v14 =	vld [tilespmem:s31+$0x30];
	_ =	sdelay $0x1  }
0x9b: {  	v26 =	vld [tilespmem:s31+$0xFFFFFFE0]  }
0x9c: {  	v9 =	vshrl.u32 v7, $0x13;
	v7 =	vshrl.u32 v7, $0x7  }
0x9d: {  	s17 =	sor.u32 $0xF, s18;
	v11 =	vld [tilespmem:s31+$0x0];
	v25 =	vshrl.u32 v10, $0x7;
	v20 =	vshrl.u32 v13, $0x7;
	v18 =	vshrl.u32 v12, $0x7;
	s30 =	spop (v2sf)  }
0x9e: {  	v19 =	vshrl.u32 v14, $0x13;
	v21 =	vshrl.u32 v12, $0x13;
	v12 =	vshrl.u32 v8, $0x13;
	s16 =	ssub.s32 s17, s30  }
0x9f: {  	v15 =	vld [tilespmem:s31+$0x40];
	v8 =	vshrl.u32 v8, $0x7;
	v24 =	vshrl.u32 v14, $0x7;
	v6 =	vmov s16  }
0xa0: {  	v16 =	vld [tilespmem:s31+$0xFFFFFFA0];
	v14 =	vshrl.u32 v26, $0x13;
	v17 =	vand.u32 $0xFFF, v7;
	vm3 =	veq.s32 v9, v6  }
0xa1: {  	v7 =	vshrl.u32 v13, $0x13;
	v13 =	vshrl.u32 v10, $0x13;
	v10 =	vld [tilespmem:s31+$0xFFFFFFD0];
	v8 =	vand.u32 $0xFFF, v8  }
0xa2: {  	v20 =	vand.u32 $0xFFF, v20;
	v9 =	vshrl.u32 v11, $0x13;
	v11 =	vshrl.u32 v11, $0x7  }
0xa3: {  	v22 =	vld [tilespmem:s31+$0xFFFFFFF0];
	vm7 =	veq.s32 v7, v6;
	v7 =	vand.u32 $0xFFF, v18;
	vm6 =	veq.s32 v19, v6  }
0xa4: {  	v23 =	vld [tilespmem:s31+$0x60];
	v18 =	vshrl.u32 v15, $0x7;
	v15 =	vshrl.u32 v15, $0x13;
	vm5 =	veq.s32 v21, v6  }
0xa5: {  	v19 =	vld [tilespmem:s31+$0x70];
	vm8 =	veq.s32 v13, v6;
	v13 =	vshrl.u32 v26, $0x7;
	v18 =	vand.u32 $0xFFF, v18  }
0xa6: {  	vm9 =	veq.s32 v15, v6;
	v15 =	vshrl.u32 v10, $0x13;
	[tilespmem:v17+s13+$0x0] =	vst.idx.add.s32.msk vm3, v2;
	v17 =	vshrl.u32 v16, $0x13  }
0xa7: {  	v21 =	vld [tilespmem:s31+$0x10];
	vm3 =	veq.s32 v12, v6;
	vm4 =	veq.s32 v17, v6;
	v17 =	vshrl.u32 v16, $0x7  }
0xa8: {  	s18 =	simm.s32 $0x180;
	s17 =	simm.s32 $0x0;
	v12 =	vshrl.u32 v10, $0x7;
	v16 =	vld [tilespmem:s31+$0x50];
	v10 =	vand.u32 $0xFFF, v17;
	v17 =	vand.u32 $0xFFF, v25  }
.LBB2_6:
0xa9: {  	v25 =	vld [tilespmem:s18+$0xFFFFFF90];
	s17 =	sadd.s32 $0x10, s17;
	v26 =	vshrl.u32 v22, $0x13  }
0xaa: {  	v22 =	vshrl.u32 v22, $0x7;
	v24 =	vand.u32 $0xFFF, v24;
	v27 =	vld [tilespmem:s18+$0xFFFFFFD0];
	p1 =	slt.u32 s17, $0x8F0;
	vm10 =	veq.s32 v26, v6  }
0xab: {  	v11 =	vand.u32 $0xFFF, v11;
	v22 =	vand.u32 $0xFFF, v22;
	v26 =	vld [tilespmem:s18+$0x20]  }
0xac: {  	v28 =	vshrl.u32 v19, $0x7;
	v19 =	vshrl.u32 v19, $0x13;
	[tilespmem:v18+s13+$0x0] =	vst.idx.add.s32.msk vm9, v2;
	v18 =	vshrl.u32 v23, $0x7  }
0xad: {  	v30 =	vshrl.u32 v16, $0x7;
	v16 =	vshrl.u32 v16, $0x13;
	v29 =	vld [tilespmem:s18+$0x40];
	v18 =	vand.u32 $0xFFF, v18  }
0xae: {  	vm9 =	veq.s32 v16, v6;
	[tilespmem:v20+s13+$0x0] =	vst.idx.add.s32.msk vm7, v2;
	vm7 =	veq.s32 v15, v6;
	v15 =	vshrl.u32 v23, $0x13  }
0xaf: {  	v12 =	vand.u32 $0xFFF, v12;
	v16 =	vand.u32 $0xFFF, v30;
	[tilespmem:v24+s13+$0x0] =	vst.idx.add.s32.msk vm6, v2;
	vm6 =	veq.s32 v15, v6  }
0xb0: {  	vm11 =	veq.s32 v19, v6;
	v20 =	vshrl.u32 v21, $0x7;
	v21 =	vshrl.u32 v21, $0x13;
	v15 =	vld [tilespmem:s18+$0xFFFFFFA0]  }
0xb1: {  	v19 =	vand.u32 $0xFFF, v28;
	[tilespmem:v22+s13+$0x0] =	vst.idx.add.s32.msk vm10, v2;
	vm10 =	veq.s32 v21, v6  }
0xb2: {  	vm12 =	veq.s32 v9, v6;
	v9 =	vand.u32 $0xFFF, v20;
	[tilespmem:v17+s13+$0x0] =	vst.idx.add.s32.msk vm8, v2  }
0xb3: {  	v17 =	vld [tilespmem:s18+$0xFFFFFFB0]  }
0xb4: {  	v20 =	vld [tilespmem:s18+$0xFFFFFFC0]  }
0xb5: {  	v21 =	vld [tilespmem:s18+$0xFFFFFF80]  }
0xb6: {  	vm8 =	veq.s32 v14, v6;
	[tilespmem:v18+s13+$0x0] =	vst.idx.add.s32.msk vm6, v2  }
0xb7: {  	v13 =	vand.u32 $0xFFF, v13;
	v14 =	vld [tilespmem:s18+$0x0]  }
0xb8: {  	[tilespmem:v9+s13+$0x0] =	vst.idx.add.s32.msk vm10, v2  }
0xb9: {  	[tilespmem:v11+s13+$0x0] =	vst.idx.add.s32.msk vm12, v2  }
0xba: {  	v9 =	vshrl.u32 v21, $0x13;
	[tilespmem:v19+s13+$0x0] =	vst.idx.add.s32.msk vm11, v2  }
0xbb: {  	v11 =	vshrl.u32 v21, $0x7;
	vm10 =	veq.s32 v9, v6;
	v19 =	vld [tilespmem:s18+$0x30]  }
0xbc: {  	v18 =	vand.u32 $0xFFF, v11;
	v9 =	vshrl.u32 v14, $0x13;
	[tilespmem:v13+s13+$0x0] =	vst.idx.add.s32.msk vm8, v2  }
0xbd: {  	v11 =	vshrl.u32 v14, $0x7;
	[tilespmem:v16+s13+$0x0] =	vst.idx.add.s32.msk vm9, v2  }
0xbe: {  	v28 =	vshrl.u32 v26, $0x7;
	[tilespmem:v12+s13+$0x0] =	vst.idx.add.s32.msk vm7, v2  }
0xbf: {  	v13 =	vshrl.u32 v20, $0x7;
	v14 =	vshrl.u32 v26, $0x13;
	v12 =	vshrl.u32 v20, $0x13;
	[tilespmem:v8+s13+$0x0] =	vst.idx.add.s32.msk vm3, v2  }
0xc0: {  	v8 =	vshrl.u32 v17, $0x7;
	vm7 =	veq.s32 v12, v6;
	v12 =	vshrl.u32 v19, $0x13;
	[tilespmem:v10+s13+$0x0] =	vst.idx.add.s32.msk vm4, v2  }
0xc1: {  	v10 =	vshrl.u32 v17, $0x13;
	vm6 =	veq.s32 v12, v6;
	[tilespmem:v7+s13+$0x0] =	vst.idx.add.s32.msk vm5, v2;
	v7 =	vand.u32 $0xFFF, v8  }
0xc2: {  	v16 =	vshrl.u32 v29, $0x7;
	v8 =	vshrl.u32 v25, $0x13;
	v12 =	vshrl.u32 v15, $0x13;
	[tilespmem:v18+s13+$0x0] =	vst.idx.add.s32.msk vm10, v2  }
0xc3: {  	v17 =	vshrl.u32 v25, $0x7;
	vm3 =	veq.s32 v8, v6;
	v18 =	vand.u32 $0xFFF, v16;
	v21 =	vld [tilespmem:s18+$0xFFFFFFE0]  }
.Ltmp2:
0xc4: {  	v8 =	vand.u32 $0xFFF, v17;
	vm4 =	veq.s32 v12, v6;
	v16 =	vshrl.u32 v29, $0x13;
	v22 =	vld [tilespmem:s18+$0xFFFFFFF0];
	(pc) =	sbr.rel @p1 .LBB2_6-.Ltmp2, $4  }
0xc5: {  	v17 =	vshrl.u32 v15, $0x7;
	v12 =	vshrl.u32 v27, $0x7;
	vm9 =	veq.s32 v16, v6;
	v16 =	vld [tilespmem:s18+$0x50]  }
0xc6: {  	v24 =	vshrl.u32 v19, $0x7;
	vm5 =	veq.s32 v10, v6;
	v15 =	vshrl.u32 v27, $0x13;
	v19 =	vld [tilespmem:s18+$0x70]  }
0xc7: {  	vm8 =	veq.s32 v14, v6;
	v20 =	vand.u32 $0xFFF, v13;
	v10 =	vand.u32 $0xFFF, v17;
	v23 =	vld [tilespmem:s18+$0x60]  }
0xc8: {  	v17 =	vand.u32 $0xFFF, v28;
	v13 =	vshrl.u32 v21, $0x7;
	v14 =	vshrl.u32 v21, $0x13;
	v21 =	vld [tilespmem:s18+$0x10];
	s18 =	sadd.s32 $0x100, s18  }
0xc9: {  	_ =	sdelay $0x3  }
0xca: {  	v25 =	vshrl.u32 v22, $0x13;
	v52 =	vshrl.u32 v22, $0x7;
	v24 =	vand.u32 $0xFFF, v24  }
0xcb: {  	[tilespmem:v20+s13+$0x0] =	vst.idx.add.s32.msk vm7, v2;
	vm7 =	veq.s32 v9, v6;
	v11 =	vand.u32 $0xFFF, v11;
	vm15 =	veq.s32 v15, v6  }
0xcc: {  	[tilespmem:v18+s13+$0x0] =	vst.idx.add.s32.msk vm9, v2;
	v12 =	vand.u32 $0xFFF, v12;
	vm10 =	veq.s32 v25, v6;
	v22 =	vand.u32 $0xFFF, v52  }
0xcd: {  	[tilespmem:v17+s13+$0x0] =	vst.idx.add.s32.msk vm8, v2;
	v61 =	vshrl.u32 v16, $0x13;
	v62 =	vshrl.u32 v16, $0x7;
	v58 =	vshrl.u32 v19, $0x13  }
0xce: {  	[tilespmem:v8+s13+$0x0] =	vst.idx.add.s32.msk vm3, v2;
	vm12 =	veq.s32 v61, v6;
	v63 =	vand.u32 $0xFFF, v62;
	v53 =	vshrl.u32 v23, $0x13  }
0xcf: {  	[tilespmem:v10+s13+$0x0] =	vst.idx.add.s32.msk vm4, v2;
	v54 =	vshrl.u32 v23, $0x7;
	vm11 =	veq.s32 v53, v6;
	v55 =	vshrl.u32 v21, $0x13  }
0xd0: {  	v56 =	vand.u32 $0xFFF, v54;
	v57 =	vshrl.u32 v21, $0x7;
	vm9 =	veq.s32 v55, v6;
	[tilespmem:v24+s13+$0x0] =	vst.idx.add.s32.msk vm6, v2  }
0xd1: {  	v60 =	vshrl.u32 v19, $0x7;
	v59 =	vand.u32 $0xFFF, v57;
	vm6 =	veq.s32 v58, v6;
	[tilespmem:v11+s13+$0x0] =	vst.idx.add.s32.msk vm7, v2  }
0xd2: {  	v19 =	vand.u32 $0xFFF, v60;
	[tilespmem:v22+s13+$0x0] =	vst.idx.add.s32.msk vm10, v2;
	vm10 =	veq.s32 v14, v6  }
0xd3: {  	v13 =	vand.u32 $0xFFF, v13;
	[tilespmem:v12+s13+$0x0] =	vst.idx.add.s32.msk vm15, v2  }
0xd4: {  	[tilespmem:v63+s13+$0x0] =	vst.idx.add.s32.msk vm12, v2  }
0xd5: {  	[tilespmem:v56+s13+$0x0] =	vst.idx.add.s32.msk vm11, v2  }
0xd6: {  	[tilespmem:v59+s13+$0x0] =	vst.idx.add.s32.msk vm9, v2  }
0xd7: {  	[tilespmem:v19+s13+$0x0] =	vst.idx.add.s32.msk vm6, v2  }
0xd8: {  	[tilespmem:v13+s13+$0x0] =	vst.idx.add.s32.msk vm10, v2  }
0xd9: {  	s17 =	sld [smem:$0x7FD];
	_ =	sdelay $0x2  }
0xda: {  	p1 =	seq.s32 s17, $0x1  }
0xdb: {  	v5 =	vbroadcast @!p1 v5, $0xF  }
0xdc: {  	[tilespmem:v7+s13+$0x0] =	vst.idx.add.s32.msk vm5, v2;
	v6 =	vlaneseq.u32 @!p1  }
0xdd: {  	[hbm4b:s6+s9] =	stream.strided.scatter [tilespmem:s13], [sflag:$0x1], $0x1000, s11, s9, $0x38;
	vm3 =	veq.s32 @!p1 v5, v6;
	[tilespmem:$0xE080] =	vst v63  }
0xde: {  	_ =	swait.ge [sflag:s3], $0x1000;
	v4 =	vnsel @!p1 vm3, $0x0, v4  }
0xdf: {  	v3 =	vnsel @!p1 vm3, $0x0, v3;
	(xrf0) =	vadd.scan.msk.s32 @!p1 $0xffff, v4  }
0xe0: {  	(xrf0) =	vadd.scan.msk.s32 @!p1 $0xffff, v3;
	_ =	sdelay $0x4  }
0xe1: {  	v3, _, _ =	vpop @!p1 (xrf0)  }
0xe2: {  	(v2sf) =	vpush @!p1 v3, $0xF;
	v3, _, _ =	vpop @!p1 (xrf0)  }
0xe3: {  	(v2sf) =	vpush @!p1 v3, $0xF;
	_ =	sdelay $0xd  }
0xe4: {  	s17 =	spop @!p1 (v2sf)  }
0xe5: {  	v3 =	vmov @!p1 s16;
	s15 =	sadd.s32 @!p1 s15, s17;
	s17 =	spop @!p1 (v2sf)  }
0xe6: {  	[sflag:s3] =	ssyncset.done $0x0;
	v3 =	vnsel @!p1 vm1, $0x0, v3;
	s15 =	ssub.s32 @!p1 s15, s17  }
0xe7: {  	s14 =	sadd.s32 $0x1, s14;
	[sflag:s3] =	ssyncadd.s32 $0xFFFFF000;
	v3 =	vsel @!p1 vm2, s15, v3  }
0xe8: {  	p0 =	sne.s32 s14, s8;
	s16 =	simm.s32 @!p1 $0xE000;
	s15 =	simm.s32 @!p1 $0x0;
	[tilespmem:$0xE000] =	vst @!p1 v3  }
0xe9: {  	[hbm4b:s7+s15] =	stream.linear.scatter @!p1 [tilespmem:s16], [sflag:$0x1], $0x80, $0x38;
	[tilespmem:$0xE080] =	vst v63  }
.Ltmp3:
0xea: {  	_ = 	snop;
	(pc) =	sbr.rel @p0 .LBB2_1-.Ltmp3, $4  }
0xeb: {  	s15 =	simm.s32 @!p1 $0x1  }
0xec: {  	_ =	swait.ge @!p1 [sflag:s15], $0x80  }
0xed: {  	[sflag:s15] =	ssyncset.done @!p1 $0x0  }
0xee: {  	[sflag:s15] =	ssyncadd.s32 @!p1 $0xFFFFFF80  }
0xef: {  	_ =	sfence.sel $0x180000  }
0xf0: {  	[bflag:$0x0] =	sbarrier.arrive $0xFFFF  }
0xf1: {  	p0 =	sne.s32 s0, $0x0;
	_ =	strace $0x9000004A  }
0xf2: {  	s0 =	sadd.s32 @!p0 $0x100000, s1;
	[bflag:$0x2] =	sbarrier.arrive $0xFFFF  }
0xf3: {  	[sflag:s0] =	ssyncadd.tile.s32 @!p0 $0x1;
	_ =	shalt  }
.Lfunc_end2:
_tile_overlayer_lowered:
.L_overlay_start_2:
0xf4: {  	(tag) =	ssettag $0x2  }
0xf5: {  	s0 =	rddreg [dreg:$0x0];
	s2 =	stileid.u32  }
0xf6: {  	s1 =	rddreg [dreg:$0x1];
	p0 =	sne.s32 s2, $0x0  }
0xf7: {  	s3 =	rddreg [dreg:$0x2];
	[bflag:$0x3] =	sbarrier.arrive $0xFFFF;
	s2 =	simm.s32 @!p0 $0x1C01  }
0xf8: {  	[timem:s3], [sflag:s2] =	dma.local @!p0 [hbm:s0], s1  }
0xf9: {  	s0 =	simm.s32 @!p0 $0x1  }
0xfa: {  	_ =	swait.ge @!p0 [sflag:s0], s1  }
0xfb: {  	s1 =	ssub.s32 @!p0 $0x0, s1;
	[sflag:s0] =	ssyncset.done @!p0 $0x0  }
0xfc: {  	[sflag:s0] =	ssyncadd.s32 @!p0 s1  }
0xfd: {  	[bflag:$0x3] =	sbarrier.arrive $0xFFFF  }
0xfe: {  	_ =	shalt  }

// kernel: kernel.13.cloned.1.call-start
scs
__scs_entry_jumppad:
0x0: {  	(pc) =	sbr.rel $0x88, $3  }
0x1: {  	(tag) =	ssettag $0x0;
	lr =	simm.s32 $0x1  }
0x2: {  	[smem:$0x3F9C] =	sst lr;
	_ =	strace $0xD0000000  }
0x3: {  	_ = 	snop  }
0x4: {  	_ = 	snop  }
0x5: {  	_ = 	snop  }
0x6: {  	_ = 	snop  }
0x7: {  	_ = 	snop  }
__scs_overlays_trampoline_lowered:
0x8: {  	[smem:$0x3FAB] =	sst s0  }
0x9: {  	[smem:$0x3FAC] =	sst s1  }
0xa: {  	[smem:$0x3FAD] =	sst s2  }
0xb: {  	[smem:$0x3FAE] =	sst s3  }
0xc: {  	[smem:$0x3FAF] =	sst s4  }
0xd: {  	[smem:$0x3FB0] =	sst s5  }
0xe: {  	[smem:$0x3FB1] =	sst s6  }
0xf: {  	[smem:$0x3FB2] =	sst s7  }
0x10: {  	[smem:$0x3FB3] =	sst s8  }
0x11: {  	[smem:$0x3FB4] =	sst s9;
	s0 =	simm.s32 @!p0 $0x0  }
0x12: {  	s1 =	sld [smem:$0x3F9A];
	s0 =	simm.s32 @p0 $0x1  }
0x13: {  	[smem:$0x3FB5] =	sst s0;
	s0 =	simm.s32 @!p1 $0x0  }
0x14: {  	s2 =	sld [smem:$0x3F99];
	s0 =	simm.s32 @p1 $0x1  }
0x15: {  	[smem:$0x3FB6] =	sst s0;
	s0 =	simm.s32 @!p2 $0x0  }
0x16: {  	s3 =	sld [smem:$0x3FDB];
	s0 =	simm.s32 @p2 $0x1  }
0x17: {  	s4 =	simm.s32 $0x1BF5;
	[smem:$0x3FB8] =	sst s0  }
0x18: {  	s0 =	sld [smem:$0x3F9B];
	_ =	swait.ge [sflag:s4], $0x0  }
0x19: {  	s7 =	sld [smem:$0x3F9C]  }
0x1a: {  	s8 =	sadd.s32 $0xFFFFE003, lr  }
0x1b: {  	s9 =	sadd.s32 $0xFFFFFEF7, lr;
	s5 =	simm.s32 $0xFFFFFFFF;
	p2 =	slt.u32 s8, $0xFFFFF086  }
0x1c: {  	p1 =	slt.u32 s9, $0xF7A;
	s5 =	simm.s32 @!p2 $0x0  }
0x1d: {  	s5 =	simm.s32 @p1 $0x1;
	p0 =	seq.s32 s7, s2  }
0x1e: {  	s7 =	smul.u32 @!p0 $0xF7A, s2;
	p2 =	seq.s32 @!p0 s5, $0x0  }
0x1f: {  	s9 =	smul.u32 $0xF7A, s1;
	s8 =	simm.s32 @!p0 $0x1BF5;
	p2 =	por !p2, p0  }
0x20: {  	[sflag:s8] =	ssyncset.s32 @!p0 $0xFFFFF086;
	s6 =	sadd.s32 @!p0 s3, s7;
	s7 =	simm.s32 @!p0 $0x108  }
0x21: {  	s3 =	sadd.s32 s3, s9;
	s6 =	sadd.s32 @!p0 $0x88, s6;
	s7 =	simm.s32 @p2 $0x1082  }
0x22: {  	[simem:s7], [sflag:s8] =	dma.local @!p0 [hbm:s6], $0xF7A  }
0x23: {  	s9 =	sor.u32 $0xD0000000, s2;
	s6 =	simm.s32 $0x108;
	_ =	swait.ge @!p0 [sflag:s8], $0x0  }
0x24: {  	s3 =	sadd.s32 $0x88, s3;
	s6 =	simm.s32 @!p1 $0x1082;
	[sflag:s4] =	ssyncset.s32 $0xFFFFF086  }
0x25: {  	[simem:s6], [sflag:s4] =	dma.local [hbm:s3], $0xF7A  }
0x26: {  	[smem:$0x3F9C] =	sst s1;
	(tag) =	ssettag s2;
	_ =	strace s9  }
0x27: {  	s1 =	sld [smem:$0x3FAC]  }
0x28: {  	s2 =	sld [smem:$0x3FAD]  }
0x29: {  	s4 =	sld [smem:$0x3FAF]  }
0x2a: {  	p0 =	seq.s32 s5, $0x0;
	s5 =	sld [smem:$0x3FB0]  }
0x2b: {  	s6 =	sld [smem:$0x3FB1]  }
0x2c: {  	s7 =	sld [smem:$0x3FB2]  }
0x2d: {  	s3 =	simm.s32 $0x108;
	s8 =	sld [smem:$0x3FB3]  }
0x2e: {  	s3 =	simm.s32 @!p0 $0x1082;
	s9 =	sld [smem:$0x3FB4]  }
0x2f: {  	lr =	sadd.s32 s0, s3;
	s0 =	sld [smem:$0x3FAB]  }
0x30: {  	s3 =	sld [smem:$0x3FAE]  }
0x31: {  	[smem:$0x3FB7] =	sst s10  }
0x32: {  	s10 =	sld [smem:$0x3FB5];
	_ =	sdelay $0x3  }
0x33: {  	p0 =	seq.s32 s10, $0x1;
	s10 =	sld [smem:$0x3FB7];
	_ =	sdelay $0x3  }
0x34: {  	[smem:$0x3FB7] =	sst s10  }
0x35: {  	s10 =	sld [smem:$0x3FB6];
	_ =	sdelay $0x3  }
0x36: {  	p1 =	seq.s32 s10, $0x1;
	s10 =	sld [smem:$0x3FB7];
	_ =	sdelay $0x3  }
0x37: {  	[smem:$0x3FB7] =	sst s10  }
0x38: {  	s10 =	sld [smem:$0x3FB8]  }
0x39: {  	_ = 	snop;
	(pc) =	sbr.ind lr, $3  }
0x3a: {  	_ = 	snop  }
0x3b: {  	_ = 	snop  }
0x3c: {  	p2 =	seq.s32 s10, $0x1;
	s10 =	sld [smem:$0x3FB7]  }
0x3d: {  	_ =	shalt  }
0x3e: {  	_ =	shalt  }
0x3f: {  	_ =	shalt  }
0x40: {  	_ =	shalt  }
0x41: {  	_ =	shalt  }
0x42: {  	_ =	shalt  }
0x43: {  	_ =	shalt  }
0x44: {  	_ =	shalt  }
0x45: {  	_ =	shalt  }
0x46: {  	_ =	shalt  }
0x47: {  	_ =	shalt  }
0x48: {  	_ =	shalt  }
0x49: {  	_ =	shalt  }
0x4a: {  	_ =	shalt  }
0x4b: {  	_ =	shalt  }
0x4c: {  	_ =	shalt  }
0x4d: {  	_ =	shalt  }
0x4e: {  	_ =	shalt  }
0x4f: {  	_ =	shalt  }
0x50: {  	_ =	shalt  }
0x51: {  	_ =	shalt  }
0x52: {  	_ =	shalt  }
0x53: {  	_ =	shalt  }
0x54: {  	_ =	shalt  }
0x55: {  	_ =	shalt  }
0x56: {  	_ =	shalt  }
0x57: {  	_ =	shalt  }
0x58: {  	_ =	shalt  }
0x59: {  	_ =	shalt  }
0x5a: {  	_ =	shalt  }
0x5b: {  	_ =	shalt  }
0x5c: {  	_ =	shalt  }
0x5d: {  	_ =	shalt  }
0x5e: {  	_ =	shalt  }
0x5f: {  	_ =	shalt  }
0x60: {  	_ =	shalt  }
0x61: {  	_ =	shalt  }
0x62: {  	_ =	shalt  }
0x63: {  	_ =	shalt  }
0x64: {  	_ =	shalt  }
0x65: {  	_ =	shalt  }
0x66: {  	_ =	shalt  }
0x67: {  	_ =	shalt  }
0x68: {  	_ =	shalt  }
0x69: {  	_ =	shalt  }
0x6a: {  	_ =	shalt  }
0x6b: {  	_ =	shalt  }
0x6c: {  	_ =	shalt  }
0x6d: {  	_ =	shalt  }
0x6e: {  	_ =	shalt  }
0x6f: {  	_ =	shalt  }
0x70: {  	_ =	shalt  }
0x71: {  	_ =	shalt  }
0x72: {  	_ =	shalt  }
0x73: {  	_ =	shalt  }
0x74: {  	_ =	shalt  }
0x75: {  	_ =	shalt  }
0x76: {  	_ =	shalt  }
0x77: {  	_ =	shalt  }
0x78: {  	_ =	shalt  }
0x79: {  	_ =	shalt  }
0x7a: {  	_ =	shalt  }
0x7b: {  	_ =	shalt  }
0x7c: {  	_ =	shalt  }
0x7d: {  	_ =	shalt  }
0x7e: {  	_ =	shalt  }
0x7f: {  	_ =	shalt  }
0x80: {  	_ =	shalt  }
0x81: {  	_ =	shalt  }
0x82: {  	_ =	shalt  }
0x83: {  	_ =	shalt  }
0x84: {  	_ =	shalt  }
0x85: {  	_ =	shalt  }
0x86: {  	_ =	shalt  }
0x87: {  	_ =	shalt  }
.Lfunc_end0:
.L_simem_size_0:
called_computation.2_lowered:
.L_overlay_start_0:
0x88: {  	s2 =	sld [smem:$0x3FD9]  }
0x89: {  	s3 =	sld [smem:$0x3FFE];
	_ =	sdelay $0x1  }
0x8a: {  	s1 =	srdreg.scid  }
0x8b: {  	s0 =	sand.u32 $0x1, s1  }
0x8c: {  	s16 =	sshll.u32 s0, $0xA;
	s2 =	sadd.s32 s3, s2  }
0x8d: {  	s2 =	sadd.s32 s2, s16  }
0x8e: {  	[smem:$0x3FC3] =	sst s2  }
0x8f: {  	_ = 	snop  }
0x90: {  	(tm) =	ssettm $0x1  }
0x91: {  	s17 =	sld [smem:$0x3FFB];
	_ =	sdelay $0x3  }
0x92: {  	_ =	strace s17  }
0x93: {  	s2 =	sld [smem:$0x3FFC];
	_ =	sdelay $0x3  }
0x94: {  	_ =	strace s2  }
0x95: {  	s2 =	sld [smem:$0x3FFD];
	_ =	sdelay $0x3  }
0x96: {  	_ =	strace s2  }
0x97: {  	_ =	strace $0x8FFFFFFF  }
0x98: {  	s18 =	sld [smem:$0x3FDB];
	_ =	sdelay $0x1  }
0x99: {  	s19 =	simm.s32 $_scs_section_size  }
0x9a: {  	s4 =	simm.s32 $_size__tile_overlayer_lowered;
	s5 =	simm.s32 $_tile_overlayer_lowered  }
0x9b: {  	s22 =	simm.s32 $0x1BFF;
	s21 =	sshll.u32 s5, $0x1;
	s2 =	sadd.s32 s19, s18  }
0x9c: {  	s6 =	simm.s32 $0x0;
	s20 =	sshll.u32 s4, $0x1;
	s4 =	sadd.s32 s21, s2  }
0x9d: {  	[timem:s6], [sflag:s22] =	dma.local [hbm:s4], s20  }
0x9e: {  	_ =	swait.ge [sflag:s22], s20  }
0x9f: {  	s3 =	ssub.s32 $0x0, s20;
	[sflag:s22] =	ssyncset.done $0x0  }
0xa0: {  	[sflag:s22] =	ssyncadd.s32 s3;
	_ =	sdelay $0x1  }
0xa1: {  	s23 =	simm.s32 $0x1B8B  }
0xa2: {  	_ =	swait.ge [sflag:s23], $0x1  }
0xa3: {  	[sflag:s23] =	ssyncset.done $0x0  }
0xa4: {  	s25 =	simm.s32 $0x1B8E;
	s24 =	sld [smem:$0x3FFE];
	[sflag:s23] =	ssyncadd.s32 $0xFFFFFFFF  }
0xa5: {  	s26 =	simm.s32 $execute0_lowered;
	[smem:$0x3FD2] =	sst s25  }
0xa6: {  	s4 =	sshll.u32 s26, $0x1;
	_ =	strace $0x8000004C;
	[dreg:$0x1] =	wrdreg $0xFFFFFFFF  }
0xa7: {  	s28 =	simm.s32 $_size_execute0_lowered;
	s2 =	sadd.s32 s2, s4;
	[dreg:$0x0] =	wrdreg $0x0  }
0xa8: {  	s4 =	sshll.u32 s28, $0x1;
	[dreg:$0x2] =	wrdreg s2  }
0xa9: {  	[dreg:$0x3] =	wrdreg s4  }
0xaa: {  	[dreg:$0x4] =	wrdreg $0xC0  }
0xab: {  	_ =	task [dreg:s6], $0x5FFFF  }
0xac: {  	[dreg:$0x1] =	wrdreg $0xFFFFFFFF  }
0xad: {  	[dreg:$0x0] =	wrdreg $0x60  }
0xae: {  	[dreg:$0x2] =	wrdreg s24  }
0xaf: {  	[dreg:$0x3] =	wrdreg $0x9  }
0xb0: {  	_ =	task.clear_ibuf [dreg:s6], $0x4FFFF;
	_ =	strace $0x9000004C  }
0xb1: {  	s29 =	simm.s32 $0x9;
	_ =	strace $0x8000004E  }
0xb2: {  	_ =	swait.ge [sflag:s29], $0x1  }
0xb3: {  	[sflag:s29] =	ssyncadd.s32 $0xFFFFFFFF  }
0xb4: {  	_ =	strace $0x9000004E  }
0xb5: {  	_ =	sfence  }
0xb6: {  	s30 =	sld [smem:$0x0];
	_ =	sdelay $0x2  }
0xb7: {  	s31 =	sshll.u32 s1, $0xD;
	s1 =	sshrl.u32 s1, $0x2  }
0xb8: {  	s3 =	sand.u32 $0x4000, s31;
	s1 =	sadd.s32 s1, s30  }
0xb9: {  	s0 =	sor.u32 s3, s0;
	s1 =	sshll.u32 s1, $0x11  }
0xba: {  	s0 =	sor.u32 s1, s0  }
0xbb: {  	s0 =	sadd.s32 $0x8F2B, s0  }
0xbc: {  	[sflag:s0] =	ssyncadd.remote.s32 $0x1  }
0xbd: {  	_ =	sfence.sel $0xFFFF  }
0xbe: {  	[dreg:$0x0] =	wrdreg $0xFFFFFFFF;
	(pc) =	sbr.abs _section_cstart, $3  }
0xbf: {  	[dreg:$0x1] =	wrdreg $0xFFFFFFFF  }
0xc0: {  	_ =	task.clear_ibuf [dreg:s6], $0x2FFFF;
	_ =	strace $0x9FFFFFFF  }
0xc1: {  	(tm) =	ssettm $0x7FFFFFFF  }
tec
execute0_lowered:
.L_overlay_start_1:
0x0: {  	(tag) =	ssettag $0x1  }
0x1: {  	s0 =	srdreg.scid  }
0x2: {  	s2 =	simm.s32 $0x1;
	s6 =	rddreg [dreg:$0x0];
	s14 =	simm.s32 $0xD080  }
0x3: {  	s15 =	simm.s32 $0xD000;
	s4 =	sand.u32 $0x1, s0;
	s0 =	stileid.u32  }
0x4: {  	s16 =	simm.s32 $0x0;
	s1 =	sshll.u32 s4, $0x4;
	s3 =	sand.u32 $0x3, s0  }
0x5: {  	s28 =	sshll.u32 s0, $0x4;
	s4 =	ssub.s32 $0x2, s4;
	s5 =	sor.u32 s0, s1  }
0x6: {  	p0 =	sne.s32 s3, $0x0;
	s1 =	rddreg [dreg:$0x1];
	p1 =	seq.s32 s5, $0x0  }
0x7: {  	s8 =	smul.u32 $0x24000, s3;
	s3 =	simm.s32 $0x1;
	p1 =	por !p0, !p1  }
0x8: {  	s13 =	sshrl.u32 s4, $0x1;
	s7 =	sshrl.u32 s5, $0x2;
	p1 =	por !p1, !p1  }
0x9: {  	s13 =	ssub.s32 s4, s13;
	s5 =	sshll.u32 s5, $0x4;
	s2 =	simm.s32 @!p1 $0x0  }
0xa: {  	s30 =	sand.u32 $0x180, s5;
	s7 =	ssub.s32 s7, s2;
	s2 =	simm.s32 $0x0  }
0xb: {  	s25 =	sshrl.u32 s7, $0x2;
	[smem:$0x7FF] =	sst s2;
	s9 =	sshll.u32 s7, $0x7  }
0xc: {  	s11 =	sshll.u32 s7, $0xE;
	s12 =	sshll.u32 s7, $0x9;
	s29 =	sshll.u32 s7, $0x4  }
0xd: {  	p1 =	slt.s32 s7, $0x4;
	s10 =	smul.u32 $0x90000, s25;
	_ =	strace $0x8000004D  }
0xe: {  	s9 =	sand.u32 $0x180, s9;
	s11 =	sand.u32 $0xFFFF8000, s11;
	s12 =	sand.u32 $0x200, s12  }
0xf: {  	s26 =	sor.u32 s12, s11;
	s11 =	sand.u32 $0x70, s28;
	s12 =	sand.u32 $0x1FFFFFF0, s29  }
0x10: {  	s10 =	sadd.s32 s8, s10;
	s8 =	sor.u32 s8, s9;
	s11 =	sadd.s32 s11, s6  }
0x11: {  	s12 =	sadd.s32 s12, s6;
	s10 =	sor.u32 s9, s10;
	s8 =	sshrl.u32 s8, $0x3  }
0x12: {  	s9 =	sshrl.u32 s26, $0x3;
	s31 =	sadd.s32 s30, s11;
	s11 =	simm.s32 $0x200  }
0x13: {  	s10 =	sshrl.u32 s10, $0x3;
	s8 =	sadd.s32 s8, s6;
	s9 =	sadd.s32 s9, s6  }
0x14: {  	v0 =	vlaneseq.u32;
	s7 =	sadd.s32 $0x24800, s31;
	s10 =	sadd.s32 s10, s6;
	s4 =	sadd.s32 $0x12800, s8  }
0x15: {  	vm0 =	vcmask $0x308;
	v0 =	vmul.u32 $0xFFFFFFFF, v0;
	s5 =	sadd.s32 $0x28A00, s9;
	s6 =	sadd.s32 $0x2CA00, s12;
	s8 =	sadd.s32 $0x24A00, s12  }
0x16: {  	vm1 =	vmmov $0x1;
	v1 =	vimm.s32 $0x0;
	v2 =	vimm.s32 $0x1;
	s9 =	smax.u32 s13, $0x1;
	s12 =	simm.s32 $0x400;
	s10 =	sadd.s32 $0x800, s10  }
0x17: {  	v0 =	vadd.s32 $0xF, v0;
	vm2 =	vcmask @!p0 $0x300;
	vm3 =	vcmask @!p0 $0x704;
	s13 =	simm.s32 $0x9000;
	s4 =	smov.u32 @p1 s10;
	s10 =	simm.s32 $0x80  }
.LBB2_1:
0x18: {  	[tilespmem:s2], [sflag:$0x1] =	stream.strided.gather [hbm4b:s4+s10], $0x9000, s11, s10, $0x38;
	[tilespmem:$0xD100] =	vst v63  }
0x19: {  	_ =	swait.ge [sflag:s3], $0x9000  }
0x1a: {  	[sflag:s3] =	ssyncset.done $0x0  }
0x1b: {  	[sflag:s3] =	ssyncadd.s32 $0xFFFF7000  }
0x1c: {  	[tilespmem:s13], [sflag:$0x1] =	stream.strided.gather [hbm4b:s5+s11], $0x4000, s12, s11, $0x38;
	[tilespmem:$0xD100] =	vst v63  }
0x1d: {  	_ =	swait.ge [sflag:s3], $0x4000  }
0x1e: {  	[sflag:s3] =	ssyncset.done $0x0  }
0x1f: {  	[sflag:s3] =	ssyncadd.s32 $0xFFFFC000  }
0x20: {  	[tilespmem:s14], [sflag:$0x1] =	stream.linear.gather [hbm4b:s6+s2], $0x80, $0x38;
	[tilespmem:$0xD100] =	vst v63  }
0x21: {  	_ =	swait.ge [sflag:s3], $0x80  }
0x22: {  	s17 =	simm.s32 $0xFF0;
	s18 =	simm.s32 $0x3FC0;
	[sflag:s3] =	ssyncset.done $0x0  }
0x23: {  	s17 =	sand.u32 $0x70, s17;
	s18 =	sand.u32 $0x3E00, s18;
	[sflag:s3] =	ssyncadd.s32 $0xFFFFFF80  }
0x24: {  	s17 =	sor.u32 s17, s18;
	v3 =	vld [tilespmem:$0xD080]  }
0x25: {  	v4 =	vld [tilespmem:s17+$0x9000]  }
0x26: {  	v5 =	vld [tilespmem:s17+$0x9080]  }
0x27: {  	s24 =	simm.s32 $0xFE0;
	s19 =	simm.s32 $0x3F80  }
0x28: {  	s25 =	sand.u32 $0x70, s24;
	s26 =	sand.u32 $0x3E00, s19;
	v6 =	vld [tilespmem:s17+$0x9100]  }
0x29: {  	v7 =	vld [tilespmem:s17+$0x9180];
	s17 =	sor.u32 s25, s26  }
0x2a: {  	v8 =	vld [tilespmem:s17+$0x9000]  }
0x2b: {  	v9 =	vld [tilespmem:s17+$0x9080];
	v4 =	vadd.s32 v4, v5;
	v5 =	vsel vm0, $0x0, v3  }
0x2c: {  	(xrf0) =	vadd.scan.msk.s32 $0xffff, v5;
	v5 =	vld [tilespmem:s17+$0x9100]  }
0x2d: {  	v4 =	vadd.s32 v6, v4;
	v6 =	vld [tilespmem:s17+$0x9180]  }
0x2e: {  	v4 =	vadd.s32 v7, v4  }
0x2f: {  	s30 =	simm.s32 $0xFD0;
	s31 =	simm.s32 $0x3F40;
	s20 =	simm.s32 $0x3F00;
	(xrf0) =	vadd.scan.msk.s32 $0xffff, v4  }
0x30: {  	s19 =	simm.s32 $0xFC0;
	s18 =	sand.u32 $0x3E00, s31;
	s17 =	sand.u32 $0x70, s30;
	v4 =	vadd.s32 v8, v9  }
0x31: {  	s17 =	sor.u32 s17, s18;
	s18 =	sand.u32 $0x70, s19;
	s19 =	sand.u32 $0x3E00, s20;
	v4 =	vadd.s32 v5, v4  }
0x32: {  	v7 =	vld [tilespmem:s17+$0x9180];
	s21 =	sor.u32 s18, s19;
	v4 =	vadd.s32 v6, v4  }
0x33: {  	v8 =	vld [tilespmem:s21+$0x9000]  }
0x34: {  	v10 =	vld [tilespmem:s21+$0x9080];
	v5, _, _ =	vpop (xrf0)  }
0x35: {  	(v2sf) =	vpush v5, $0xF;
	(xrf0) =	vadd.scan.msk.s32 $0xffff, v4;
	v5 =	vld [tilespmem:s17+$0x9080];
	v4, _, _ =	vpop (xrf0)  }
0x36: {  	(v2sf) =	vpush v4, $0xF;
	v4 =	vld [tilespmem:s17+$0x9000]  }
0x37: {  	v6 =	vld [tilespmem:s17+$0x9100]  }
0x38: {  	s22 =	simm.s32 $0xFB0;
	s23 =	simm.s32 $0x3EC0;
	v60 =	vld [tilespmem:s21+$0x9100]  }
0x39: {  	s18 =	sand.u32 $0x70, s22;
	s19 =	sand.u32 $0x3E00, s23;
	v11 =	vld [tilespmem:s21+$0x9180]  }
0x3a: {  	s24 =	sor.u32 s18, s19  }
0x3b: {  	v4 =	vadd.s32 v4, v5;
	v5 =	vld [tilespmem:s24+$0x9000]  }
0x3c: {  	v59, _, _ =	vpop (xrf0);
	v4 =	vadd.s32 v6, v4;
	v6 =	vadd.s32 v8, v10;
	v8 =	vld [tilespmem:s24+$0x9080]  }
0x3d: {  	(v2sf) =	vpush v59, $0xF;
	v4 =	vadd.s32 v7, v4;
	v6 =	vadd.s32 v60, v6;
	v7 =	vld [tilespmem:s24+$0x9100]  }
0x3e: {  	(xrf0) =	vadd.scan.msk.s32 $0xffff, v4;
	v4 =	vadd.s32 v11, v6  }
0x3f: {  	(xrf0) =	vadd.scan.msk.s32 $0xffff, v4  }
0x40: {  	v6 =	vld [tilespmem:s24+$0x9180]  }
0x41: {  	v4 =	vadd.s32 v5, v8  }
0x42: {  	v7 =	vadd.s32 v7, v4  }
0x43: {  	s25 =	simm.s32 $0xFA0;
	s26 =	simm.s32 $0x3E80  }
0x44: {  	s18 =	sand.u32 $0x70, s25;
	s19 =	sand.u32 $0x3E00, s26;
	v5, _, _ =	vpop (xrf0)  }
0x45: {  	s18 =	sor.u32 s18, s19;
	s17 =	spop (v2sf);
	v6 =	vadd.s32 v6, v7;
	(v2sf) =	vpush v5, $0xF;
	v7, _, _ =	vpop (xrf0)  }
0x46: {  	v61 =	vld [tilespmem:s18+$0x9000];
	s21 =	spop (v2sf);
	(v2sf) =	vpush v7, $0xF  }
0x47: {  	p1 =	por $0x1, $0x1;
	s28 =	simm.s32 $0xF80;
	s30 =	simm.s32 $0xF90;
	v62 =	vld [tilespmem:s18+$0x9080]  }
0x48: {  	s22 =	simm.s32 $0xFF;
	s25 =	simm.s32 $0x3E40;
	s19 =	sand.u32 $0x70, s30;
	v63 =	vld [tilespmem:s18+$0x9100]  }
0x49: {  	s31 =	sand.u32 $0x3E00, s25;
	s20 =	ssub.s32 $0x5666, s17;
	s24 =	sadd.s32 $0x0, s21  }
0x4a: {  	s23 =	simm.s32 $0x0;
	s26 =	sor.u32 s19, s31;
	p2 =	sge.s32 s24, s20  }
0x4b: {  	s19 =	simm.s32 $0x0;
	v4 =	vld [tilespmem:s18+$0x9180];
	s18 =	simm.s32 $0x0;
	(xrf0) =	vadd.scan.msk.s32 $0xffff, v6;
	p1 =	por !p1, !p2  }
0x4c: {  	v8 =	vadd.s32 v61, v62;
	v6 =	vld [tilespmem:s26+$0x9080];
	s21 =	smov.u32 s24;
	p1 =	por !p1, !p1;
	s29 =	spop (v2sf)  }
0x4d: {  	v5 =	vld [tilespmem:s26+$0x9000];
	v7 =	vadd.s32 v63, v8;
	s19 =	smov.u32 @p1 s22;
	s23 =	simm.s32 @p1 $0x1;
	s18 =	smov.u32 @p1 s18  }
.LBB2_2:
0x4e: {  	s24 =	sadd.s32 s24, s29  }
0x4f: {  	s30 =	sand.u32 $0x70, s28;
	p1 =	seq.s32 s23, $0x0;
	p2 =	sge.s32 s24, s20  }
0x50: {  	v8 =	vld [tilespmem:s26+$0x9100];
	s25 =	sadd.s32 $0xFFFFFFC0, s25;
	v9 =	vadd.s32 v4, v7;
	p1 =	por !p1, !p2;
	p2 =	sne.s32 s28, $0x0  }
.Ltmp0:
0x51: {  	s29 =	sand.u32 $0x3E00, s25;
	v4 =	vld [tilespmem:s26+$0x9180];
	(xrf0) =	vadd.scan.msk.s32 $0xffff, v9;
	v7, _, _ =	vpop (xrf0);
	(pc) =	sbr.rel @p2 .LBB2_2-.Ltmp0, $4  }
0x52: {  	s22 =	sadd.s32 $0xFFFFFFFF, s22;
	s26 =	sor.u32 s30, s29;
	(v2sf) =	vpush v7, $0xF  }
0x53: {  	s28 =	sadd.s32 $0xFFFFFFF0, s28;
	p1 =	por !p1, !p1  }
0x54: {  	v7 =	vadd.s32 v5, v6;
	v5 =	vld [tilespmem:s26+$0x9000];
	s19 =	smov.u32 @p1 s22;
	s23 =	simm.s32 @p1 $0x1  }
0x55: {  	s18 =	smov.u32 @p1 s21;
	s21 =	smov.u32 s24;
	v6 =	vld [tilespmem:s26+$0x9080];
	v7 =	vadd.s32 v8, v7;
	s29 =	spop (v2sf)  }
0x56: {  	v8 =	vld [tilespmem:s26+$0x9100];
	v4 =	vadd.s32 v4, v7  }
0x57: {  	v7 =	vld [tilespmem:s26+$0x9180];
	_ =	sdelay $0x1  }
0x58: {  	(xrf0) =	vadd.scan.msk.s32 $0xffff, v4;
	v4, _, _ =	vpop (xrf0)  }
0x59: {  	(v2sf) =	vpush v4, $0xF;
	v4 =	vadd.s32 v5, v6  }
0x5a: {  	v4 =	vadd.s32 v8, v4  }
0x5b: {  	v4 =	vadd.s32 v7, v4;
	_ =	sdelay $0x1  }
0x5c: {  	(xrf0) =	vadd.scan.msk.s32 $0xffff, v4  }
0x5d: {  	v4, _, _ =	vpop (xrf0)  }
0x5e: {  	s24 =	sadd.s32 s24, s29;
	(v2sf) =	vpush v4, $0xF  }
0x5f: {  	p1 =	seq.s32 s23, $0x0;
	p2 =	sge.s32 s24, s20  }
0x60: {  	p1 =	por !p1, !p2  }
0x61: {  	s25 =	spop (v2sf);
	p1 =	por !p1, !p1  }
0x62: {  	s25 =	sadd.s32 s24, s25;
	s23 =	simm.s32 @p1 $0x1;
	v4, _, _ =	vpop (xrf0)  }
0x63: {  	p3 =	sge.s32 s25, s20;
	p4 =	seq.s32 s23, $0x0;
	(v2sf) =	vpush v4, $0xF  }
0x64: {  	s26 =	simm.s32 @!p1 $0x0;
	p2 =	por !p4, !p3  }
0x65: {  	s26 =	simm.s32 @p1 $0x1;
	p2 =	por !p2, !p2;
	s30 =	spop (v2sf)  }
0x66: {  	[smem:$0x7FD] =	sst s26;
	s23 =	simm.s32 @p2 $0x1;
	s26 =	sadd.s32 s25, s30  }
0x67: {  	p5 =	seq.s32 s23, $0x0;
	p4 =	sge.s32 s26, s20  }
0x68: {  	p3 =	por !p5, !p4  }
0x69: {  	p3 =	por !p3, !p3;
	s28 =	spop (v2sf)  }
0x6a: {  	s23 =	simm.s32 @p3 $0x1;
	s28 =	sadd.s32 s26, s28  }
0x6b: {  	p6 =	seq.s32 s23, $0x0;
	p5 =	sge.s32 s28, s20  }
0x6c: {  	p4 =	por !p6, !p5  }
0x6d: {  	p4 =	por !p4, !p4;
	s31 =	spop (v2sf)  }
0x6e: {  	s23 =	simm.s32 @p4 $0x1;
	s29 =	sadd.s32 s28, s31  }
0x6f: {  	p5 =	seq.s32 s23, $0x0;
	p6 =	sge.s32 s29, s20  }
0x70: {  	s22 =	sadd.s32 $0xFFFFFFFF, s22;
	p5 =	por !p5, !p6  }
0x71: {  	s19 =	smov.u32 @p1 s22;
	s22 =	sadd.s32 $0xFFFFFFFF, s22;
	p5 =	por !p5, !p5  }
0x72: {  	s19 =	smov.u32 @p2 s22;
	s30 =	spop (v2sf);
	s23 =	simm.s32 @p5 $0x1  }
0x73: {  	s22 =	sadd.s32 $0xFFFFFFFF, s22;
	p6 =	seq.s32 s23, $0x0;
	s23 =	sadd.s32 s29, s30  }
0x74: {  	s19 =	smov.u32 @p3 s22;
	s22 =	sadd.s32 $0xFFFFFFFF, s22;
	p1 =	sge.s32 s23, s20  }
0x75: {  	s19 =	smov.u32 @p4 s22;
	s22 =	sadd.s32 $0xFFFFFFFF, s22;
	p1 =	por !p6, !p1  }
0x76: {  	s19 =	smov.u32 @p5 s22;
	s22 =	sadd.s32 $0xFFFFFFFF, s22;
	p6 =	por !p1, !p1  }
0x77: {  	s19 =	smov.u32 @p6 s22  }
0x78: {  	s22 =	sshll.u32 s19, $0x4;
	s31 =	sshll.u32 s19, $0x6  }
0x79: {  	s22 =	sand.u32 $0x70, s22;
	s23 =	sand.u32 $0x3E00, s31  }
0x7a: {  	s22 =	sor.u32 s22, s23  }
0x7b: {  	v4 =	vld [tilespmem:s22+$0x9000]  }
0x7c: {  	v5 =	vld [tilespmem:s22+$0x9080]  }
0x7d: {  	v6 =	vld [tilespmem:s22+$0x9100]  }
0x7e: {  	v7 =	vld [tilespmem:s22+$0x9180];
	_ =	sdelay $0x2  }
0x7f: {  	v4 =	vadd.s32 v4, v5  }
0x80: {  	v4 =	vadd.s32 v6, v4  }
0x81: {  	s23 =	sld [smem:$0x7FD];
	v4 =	vadd.s32 v7, v4  }
0x82: {  	v5 =	vnsel vm1, $0x0, v3;
	v3 =	vperm.xlane v4, v0  }
0x83: {  	(xrf0) =	vadd.scan.msk.s32 $0xffff, v5  }
0x84: {  	p1 =	seq.s32 s23, $0x1;
	(xrf0) =	vadd.scan.msk.s32 $0xffff, v3  }
0x85: {  	s18 =	smov.u32 @p1 s21  }
0x86: {  	s18 =	smov.u32 @p2 s24  }
0x87: {  	s18 =	smov.u32 @p3 s25  }
0x88: {  	s18 =	smov.u32 @p4 s26  }
0x89: {  	s18 =	smov.u32 @p5 s28;
	v5, _, _ =	vpop (xrf0)  }
0x8a: {  	s18 =	smov.u32 @p6 s29;
	v4, _, _ =	vpop (xrf0)  }
0x8b: {  	v6 =	vadd.s32 s18, v4  }
0x8c: {  	vm4 =	vge.s32 v6, s20  }
0x8d: {  	v6 =	vmctz.xlane vm4;
	_ =	sdelay $0x1  }
0x8e: {  	v6 =	vnsel vm1, $0x0, v6  }
0x8f: {  	(xrf0) =	vadd.scan.msk.s32 $0xffff, v6;
	_ =	sdelay $0x5  }
0x90: {  	(v2sf) =	vpush v5, $0xF;
	v5, _, _ =	vpop (xrf0)  }
0x91: {  	(v2sf) =	vpush v5, $0xF;
	_ =	sdelay $0x2  }
0x92: {  	[tilespmem:$0xD000] =	vst v1  }
0x93: {  	[tilespmem:$0xD010] =	vst v1  }
0x94: {  	[tilespmem:$0xD020] =	vst v1  }
0x95: {  	[tilespmem:$0xD030] =	vst v1  }
0x96: {  	[tilespmem:$0xD040] =	vst v1  }
0x97: {  	[tilespmem:$0xD050] =	vst v1  }
0x98: {  	[tilespmem:$0xD060] =	vst v1  }
0x99: {  	[tilespmem:$0xD070] =	vst v1;
	s20 =	simm.s32 $0x80  }
0x9a: {  	v9 =	vld [tilespmem:s20+$0xFFFFFFB0]  }
0x9b: {  	v7 =	vld [tilespmem:s20+$0xFFFFFF80]  }
0x9c: {  	v8 =	vld [tilespmem:s20+$0x70]  }
0x9d: {  	v10 =	vld [tilespmem:s20+$0x60];
	s30 =	spop (v2sf)  }
0x9e: {  	s19 =	sshllo.u32 s19, $0x4;
	v12 =	vld [tilespmem:s20+$0x40];
	s31 =	spop (v2sf)  }
0x9f: {  	v13 =	vld [tilespmem:s20+$0x30];
	s21 =	sshll.u32 s30, $0xC;
	s19 =	ssub.s32 s19, s31  }
0xa0: {  	v14 =	vld [tilespmem:s20+$0x20];
	s19 =	sor.u32 s21, s19  }
0xa1: {  	v54 =	vld [tilespmem:s20+$0x0];
	v15 =	vshrl.u32 v8, $0x7;
	v6 =	vmov s19  }
0xa2: {  	v11 =	vld [tilespmem:s20+$0x50];
	vm4 =	veq.s32 v15, v6  }
0xa3: {  	v16 =	vld [tilespmem:s20+$0x10];
	v8 =	vand.u32 $0x7F, v8;
	v18 =	vshrl.u32 v12, $0x7  }
0xa4: {  	v20 =	vld [tilespmem:s20+$0xFFFFFFE0];
	v19 =	vshrl.u32 v10, $0x7;
	vm5 =	veq.s32 v18, v6  }
0xa5: {  	v17 =	vld [tilespmem:s20+$0xFFFFFFF0];
	v56 =	vshrl.u32 v14, $0x7;
	v12 =	vand.u32 $0x7F, v12;
	vm6 =	veq.s32 v19, v6  }
0xa6: {  	v55 =	vld [tilespmem:s20+$0xFFFFFFD0];
	v21 =	vshrl.u32 v13, $0x7;
	v10 =	vand.u32 $0x7F, v10;
	v57 =	vshrl.u32 v54, $0x7  }
0xa7: {  	v22 =	vld [tilespmem:s20+$0xFFFFFFC0];
	v14 =	vand.u32 $0x7F, v14;
	v13 =	vand.u32 $0x7F, v13;
	vm7 =	veq.s32 v56, v6  }
0xa8: {  	v23 =	vshrl.u32 v16, $0x7;
	vm8 =	veq.s32 v21, v6;
	[tilespmem:v8+s15+$0x0] =	vst.idx.add.s32.msk vm4, v2;
	v8 =	vshrl.u32 v11, $0x7  }
0xa9: {  	v58 =	vld [tilespmem:s20+$0xFFFFFFA0];
	v60 =	vand.u32 $0x7F, v20;
	v61 =	vand.u32 $0x7F, v7;
	vm9 =	veq.s32 v8, v6  }
0xaa: {  	v62 =	vand.u32 $0x7F, v17;
	v11 =	vand.u32 $0x7F, v11;
	[tilespmem:v12+s15+$0x0] =	vst.idx.add.s32.msk vm5, v2;
	vm5 =	veq.s32 v23, v6  }
0xab: {  	vm4 =	veq.s32 v57, v6;
	[tilespmem:v10+s15+$0x0] =	vst.idx.add.s32.msk vm6, v2;
	v10 =	vand.u32 $0x7F, v16;
	v8 =	vshrl.u32 v20, $0x7  }
0xac: {  	v59 =	vld [tilespmem:s20+$0xFFFFFF90];
	v15 =	vand.u32 $0x7F, v54;
	vm10 =	veq.s32 v8, v6;
	v8 =	vshrl.u32 v7, $0x7  }
0xad: {  	v63 =	vand.u32 $0x7F, v22;
	[tilespmem:v14+s15+$0x0] =	vst.idx.add.s32.msk vm7, v2;
	v7 =	vshrl.u32 v22, $0x7;
	vm11 =	veq.s32 v8, v6  }
0xae: {  	[tilespmem:v13+s15+$0x0] =	vst.idx.add.s32.msk vm8, v2;
	v8 =	vshrl.u32 v17, $0x7;
	vm13 =	veq.s32 v7, v6;
	v7 =	vand.u32 $0x7F, v9  }
0xaf: {  	v9 =	vshrl.u32 v9, $0x7;
	vm12 =	veq.s32 v8, v6;
	[tilespmem:v11+s15+$0x0] =	vst.idx.add.s32.msk vm9, v2;
	v11 =	vshrl.u32 v55, $0x7  }
0xb0: {  	v8 =	vand.u32 $0x7F, v55;
	[tilespmem:v10+s15+$0x0] =	vst.idx.add.s32.msk vm5, v2;
	v10 =	vshrl.u32 v58, $0x7;
	vm9 =	veq.s32 v11, v6  }
0xb1: {  	vm6 =	veq.s32 v9, v6;
	v9 =	vshrl.u32 v59, $0x7;
	[tilespmem:v15+s15+$0x0] =	vst.idx.add.s32.msk vm4, v2;
	vm7 =	veq.s32 v10, v6  }
0xb2: {  	vm8 =	veq.s32 v9, v6;
	v9 =	vand.u32 $0x7F, v58;
	[tilespmem:v60+s15+$0x0] =	vst.idx.add.s32.msk vm10, v2  }
0xb3: {  	v10 =	vand.u32 $0x7F, v59;
	[tilespmem:v61+s15+$0x0] =	vst.idx.add.s32.msk vm11, v2  }
0xb4: {  	[tilespmem:v63+s15+$0x0] =	vst.idx.add.s32.msk vm13, v2  }
0xb5: {  	s21 =	simm.s32 $0x0;
	[tilespmem:v62+s15+$0x0] =	vst.idx.add.s32.msk vm12, v2  }
.LBB2_4:
0xb6: {  	s21 =	sadd.s32 $0x10, s21;
	[tilespmem:v8+s15+$0x0] =	vst.idx.add.s32.msk vm9, v2;
	s20 =	sadd.s32 $0x100, s20  }
0xb7: {  	p1 =	slt.u32 s21, $0x8F0;
	[tilespmem:v9+s15+$0x0] =	vst.idx.add.s32.msk vm7, v2  }
0xb8: {  	[tilespmem:v10+s15+$0x0] =	vst.idx.add.s32.msk vm8, v2  }
0xb9: {  	[tilespmem:v7+s15+$0x0] =	vst.idx.add.s32.msk vm6, v2  }
0xba: {  	v9 =	vld [tilespmem:s20+$0xFFFFFFB0]  }
0xbb: {  	v7 =	vld [tilespmem:s20+$0xFFFFFF80]  }
0xbc: {  	v8 =	vld [tilespmem:s20+$0x70]  }
0xbd: {  	v10 =	vld [tilespmem:s20+$0x60]  }
0xbe: {  	v11 =	vld [tilespmem:s20+$0x50]  }
0xbf: {  	v12 =	vld [tilespmem:s20+$0x40]  }
0xc0: {  	v13 =	vshrl.u32 v7, $0x7;
	v14 =	vld [tilespmem:s20+$0x30]  }
0xc1: {  	v15 =	vld [tilespmem:s20+$0x20];
	v16 =	vshrl.u32 v8, $0x7  }
0xc2: {  	v17 =	vand.u32 $0x7F, v7;
	v7 =	vld [tilespmem:s20+$0x10];
	v18 =	vshrl.u32 v10, $0x7;
	vm8 =	veq.s32 v16, v6  }
0xc3: {  	vm4 =	veq.s32 v13, v6;
	v8 =	vand.u32 $0x7F, v8;
	v13 =	vld [tilespmem:s20+$0x0];
	v16 =	vshrl.u32 v11, $0x7  }
0xc4: {  	vm6 =	veq.s32 v18, v6;
	v19 =	vld [tilespmem:s20+$0xFFFFFFF0];
	v20 =	vshrl.u32 v12, $0x7;
	vm5 =	veq.s32 v16, v6  }
0xc5: {  	v11 =	vand.u32 $0x7F, v11;
	v16 =	vld [tilespmem:s20+$0xFFFFFFE0];
	v18 =	vand.u32 $0x7F, v14;
	vm9 =	veq.s32 v20, v6  }
0xc6: {  	v12 =	vand.u32 $0x7F, v12;
	v14 =	vshrl.u32 v14, $0x7;
	v20 =	vld [tilespmem:s20+$0xFFFFFFD0];
	v21 =	vshrl.u32 v15, $0x7  }
0xc7: {  	v10 =	vand.u32 $0x7F, v10;
	vm7 =	veq.s32 v14, v6;
	v22 =	vld [tilespmem:s20+$0xFFFFFFC0];
	vm10 =	veq.s32 v21, v6  }
0xc8: {  	v15 =	vand.u32 $0x7F, v15;
	v21 =	vshrl.u32 v7, $0x7;
	v14 =	vshrl.u32 v13, $0x7;
	[tilespmem:v8+s15+$0x0] =	vst.idx.add.s32.msk vm8, v2  }
0xc9: {  	v23 =	vld [tilespmem:s20+$0xFFFFFFA0];
	v24 =	vand.u32 $0x7F, v19;
	vm8 =	veq.s32 v14, v6;
	v14 =	vand.u32 $0x7F, v7  }
0xca: {  	v13 =	vand.u32 $0x7F, v13;
	v19 =	vshrl.u32 v19, $0x7;
	v25 =	vld [tilespmem:s20+$0xFFFFFF90];
	v7 =	vshrl.u32 v16, $0x7  }
0xcb: {  	vm12 =	veq.s32 v21, v6;
	v8 =	vand.u32 $0x7F, v20;
	vm11 =	veq.s32 v7, v6;
	[tilespmem:v12+s15+$0x0] =	vst.idx.add.s32.msk vm9, v2  }
0xcc: {  	v16 =	vand.u32 $0x7F, v16;
	v12 =	vand.u32 $0x7F, v22;
	v21 =	vshrl.u32 v22, $0x7;
	[tilespmem:v10+s15+$0x0] =	vst.idx.add.s32.msk vm6, v2  }
0xcd: {  	v7 =	vand.u32 $0x7F, v9;
	v9 =	vshrl.u32 v9, $0x7;
	v10 =	vshrl.u32 v20, $0x7;
	[tilespmem:v15+s15+$0x0] =	vst.idx.add.s32.msk vm10, v2  }
0xce: {  	vm6 =	veq.s32 v9, v6;
	vm10 =	veq.s32 v19, v6;
	v15 =	vshrl.u32 v23, $0x7;
	[tilespmem:v18+s15+$0x0] =	vst.idx.add.s32.msk vm7, v2  }
0xcf: {  	vm13 =	veq.s32 v21, v6;
	v9 =	vshrl.u32 v25, $0x7;
	vm7 =	veq.s32 v15, v6;
	[tilespmem:v13+s15+$0x0] =	vst.idx.add.s32.msk vm8, v2  }
0xd0: {  	vm9 =	veq.s32 v10, v6;
	vm8 =	veq.s32 v9, v6;
	v9 =	vand.u32 $0x7F, v23;
	[tilespmem:v11+s15+$0x0] =	vst.idx.add.s32.msk vm5, v2  }
.Ltmp1:
0xd1: {  	v10 =	vand.u32 $0x7F, v25;
	[tilespmem:v16+s15+$0x0] =	vst.idx.add.s32.msk vm11, v2;
	(pc) =	sbr.rel @p1 .LBB2_4-.Ltmp1, $4  }
0xd2: {  	[tilespmem:v14+s15+$0x0] =	vst.idx.add.s32.msk vm12, v2  }
0xd3: {  	[tilespmem:v17+s15+$0x0] =	vst.idx.add.s32.msk vm4, v2  }
0xd4: {  	[tilespmem:v24+s15+$0x0] =	vst.idx.add.s32.msk vm10, v2  }
0xd5: {  	[tilespmem:v12+s15+$0x0] =	vst.idx.add.s32.msk vm13, v2  }
0xd6: {  	_ =	sdelay $0x4  }
0xd7: {  	[tilespmem:v8+s15+$0x0] =	vst.idx.add.s32.msk vm9, v2  }
0xd8: {  	[tilespmem:v9+s15+$0x0] =	vst.idx.add.s32.msk vm7, v2  }
0xd9: {  	[tilespmem:v10+s15+$0x0] =	vst.idx.add.s32.msk vm8, v2;
	v5 =	vbroadcast @!p0 v5, $0xF  }
0xda: {  	[tilespmem:v7+s15+$0x0] =	vst.idx.add.s32.msk vm6, v2;
	v6 =	vlaneseq.u32 @!p0  }
0xdb: {  	[hbm4b:s7+s2] =	stream.linear.scatter [tilespmem:s15], [sflag:$0x1], $0x80, $0x38;
	vm4 =	veq.s32 @!p0 v5, v6;
	[tilespmem:$0xD100] =	vst v63  }
0xdc: {  	_ =	swait.ge [sflag:s3], $0x80;
	v4 =	vnsel @!p0 vm4, $0x0, v4  }
0xdd: {  	v3 =	vnsel @!p0 vm4, $0x0, v3;
	(xrf0) =	vadd.scan.msk.s32 @!p0 $0xffff, v4  }
0xde: {  	(xrf0) =	vadd.scan.msk.s32 @!p0 $0xffff, v3;
	_ =	sdelay $0x4  }
0xdf: {  	v3, _, _ =	vpop @!p0 (xrf0)  }
0xe0: {  	(v2sf) =	vpush @!p0 v3, $0xF;
	v3, _, _ =	vpop @!p0 (xrf0)  }
0xe1: {  	(v2sf) =	vpush @!p0 v3, $0xF;
	_ =	sdelay $0xd  }
0xe2: {  	s17 =	sadd.s32 @!p0 s17, s18;
	s18 =	spop @!p0 (v2sf)  }
0xe3: {  	v3 =	vmov @!p0 s19;
	s17 =	sadd.s32 @!p0 s18, s17;
	s18 =	spop @!p0 (v2sf)  }
0xe4: {  	[sflag:s3] =	ssyncset.done $0x0;
	v3 =	vnsel @!p0 vm2, $0x0, v3;
	s17 =	ssub.s32 @!p0 s17, s18  }
0xe5: {  	s16 =	sadd.s32 $0x1, s16;
	[sflag:s3] =	ssyncadd.s32 $0xFFFFFF80;
	v3 =	vsel @!p0 vm3, s17, v3  }
0xe6: {  	p1 =	sne.s32 s16, s9;
	s18 =	simm.s32 @!p0 $0xD080;
	s17 =	simm.s32 @!p0 $0x0;
	[tilespmem:$0xD080] =	vst @!p0 v3  }
0xe7: {  	[hbm4b:s8+s17] =	stream.linear.scatter @!p0 [tilespmem:s18], [sflag:$0x1], $0x80, $0x38;
	[tilespmem:$0xD100] =	vst v63  }
.Ltmp2:
0xe8: {  	_ = 	snop;
	(pc) =	sbr.rel @p1 .LBB2_1-.Ltmp2, $4  }
0xe9: {  	s17 =	simm.s32 @!p0 $0x1  }
0xea: {  	_ =	swait.ge @!p0 [sflag:s17], $0x80  }
0xeb: {  	[sflag:s17] =	ssyncset.done @!p0 $0x0  }
0xec: {  	[sflag:s17] =	ssyncadd.s32 @!p0 $0xFFFFFF80  }
0xed: {  	_ =	sfence.sel $0x180000  }
0xee: {  	[bflag:$0x0] =	sbarrier.arrive $0xFFFF  }
0xef: {  	p0 =	sne.s32 s0, $0x0;
	_ =	strace $0x9000004D  }
0xf0: {  	s0 =	sadd.s32 @!p0 $0x100000, s1;
	[bflag:$0x2] =	sbarrier.arrive $0xFFFF  }
0xf1: {  	[sflag:s0] =	ssyncadd.tile.s32 @!p0 $0x1;
	_ =	shalt  }
.Lfunc_end2:
_tile_overlayer_lowered:
.L_overlay_start_2:
0xf2: {  	(tag) =	ssettag $0x2  }
0xf3: {  	s0 =	rddreg [dreg:$0x0];
	s2 =	stileid.u32  }
0xf4: {  	s1 =	rddreg [dreg:$0x1];
	p0 =	sne.s32 s2, $0x0  }
0xf5: {  	s3 =	rddreg [dreg:$0x2];
	[bflag:$0x3] =	sbarrier.arrive $0xFFFF;
	s2 =	simm.s32 @!p0 $0x1C01  }
0xf6: {  	[timem:s3], [sflag:s2] =	dma.local @!p0 [hbm:s0], s1  }
0xf7: {  	s0 =	simm.s32 @!p0 $0x1  }
0xf8: {  	_ =	swait.ge @!p0 [sflag:s0], s1  }
0xf9: {  	s1 =	ssub.s32 @!p0 $0x0, s1;
	[sflag:s0] =	ssyncset.done @!p0 $0x0  }
0xfa: {  	[sflag:s0] =	ssyncadd.s32 @!p0 s1  }
0xfb: {  	[bflag:$0x3] =	sbarrier.arrive $0xFFFF  }
0xfc: {  	_ =	shalt  }

// kernel: kernel.16.cloned.1.call-start
scs
__scs_entry_jumppad:
0x0: {  	(pc) =	sbr.rel $0x88, $3  }
0x1: {  	(tag) =	ssettag $0x0;
	lr =	simm.s32 $0x1  }
0x2: {  	[smem:$0x3F9C] =	sst lr;
	_ =	strace $0xD0000000  }
0x3: {  	_ = 	snop  }
0x4: {  	_ = 	snop  }
0x5: {  	_ = 	snop  }
0x6: {  	_ = 	snop  }
0x7: {  	_ = 	snop  }
__scs_overlays_trampoline_lowered:
0x8: {  	[smem:$0x3FAB] =	sst s0  }
0x9: {  	[smem:$0x3FAC] =	sst s1  }
0xa: {  	[smem:$0x3FAD] =	sst s2  }
0xb: {  	[smem:$0x3FAE] =	sst s3  }
0xc: {  	[smem:$0x3FAF] =	sst s4  }
0xd: {  	[smem:$0x3FB0] =	sst s5  }
0xe: {  	[smem:$0x3FB1] =	sst s6  }
0xf: {  	[smem:$0x3FB2] =	sst s7  }
0x10: {  	[smem:$0x3FB3] =	sst s8  }
0x11: {  	[smem:$0x3FB4] =	sst s9;
	s0 =	simm.s32 @!p0 $0x0  }
0x12: {  	s1 =	sld [smem:$0x3F9A];
	s0 =	simm.s32 @p0 $0x1  }
0x13: {  	[smem:$0x3FB5] =	sst s0;
	s0 =	simm.s32 @!p1 $0x0  }
0x14: {  	s2 =	sld [smem:$0x3F99];
	s0 =	simm.s32 @p1 $0x1  }
0x15: {  	[smem:$0x3FB6] =	sst s0;
	s0 =	simm.s32 @!p2 $0x0  }
0x16: {  	s3 =	sld [smem:$0x3FDB];
	s0 =	simm.s32 @p2 $0x1  }
0x17: {  	s4 =	simm.s32 $0x1BF5;
	[smem:$0x3FB8] =	sst s0  }
0x18: {  	s0 =	sld [smem:$0x3F9B];
	_ =	swait.ge [sflag:s4], $0x0  }
0x19: {  	s7 =	sld [smem:$0x3F9C]  }
0x1a: {  	s8 =	sadd.s32 $0xFFFFE003, lr  }
0x1b: {  	s9 =	sadd.s32 $0xFFFFFEF7, lr;
	s5 =	simm.s32 $0xFFFFFFFF;
	p2 =	slt.u32 s8, $0xFFFFF086  }
0x1c: {  	p1 =	slt.u32 s9, $0xF7A;
	s5 =	simm.s32 @!p2 $0x0  }
0x1d: {  	s5 =	simm.s32 @p1 $0x1;
	p0 =	seq.s32 s7, s2  }
0x1e: {  	s7 =	smul.u32 @!p0 $0xF7A, s2;
	p2 =	seq.s32 @!p0 s5, $0x0  }
0x1f: {  	s9 =	smul.u32 $0xF7A, s1;
	s8 =	simm.s32 @!p0 $0x1BF5;
	p2 =	por !p2, p0  }
0x20: {  	[sflag:s8] =	ssyncset.s32 @!p0 $0xFFFFF086;
	s6 =	sadd.s32 @!p0 s3, s7;
	s7 =	simm.s32 @!p0 $0x108  }
0x21: {  	s3 =	sadd.s32 s3, s9;
	s6 =	sadd.s32 @!p0 $0x88, s6;
	s7 =	simm.s32 @p2 $0x1082  }
0x22: {  	[simem:s7], [sflag:s8] =	dma.local @!p0 [hbm:s6], $0xF7A  }
0x23: {  	s9 =	sor.u32 $0xD0000000, s2;
	s6 =	simm.s32 $0x108;
	_ =	swait.ge @!p0 [sflag:s8], $0x0  }
0x24: {  	s3 =	sadd.s32 $0x88, s3;
	s6 =	simm.s32 @!p1 $0x1082;
	[sflag:s4] =	ssyncset.s32 $0xFFFFF086  }
0x25: {  	[simem:s6], [sflag:s4] =	dma.local [hbm:s3], $0xF7A  }
0x26: {  	[smem:$0x3F9C] =	sst s1;
	(tag) =	ssettag s2;
	_ =	strace s9  }
0x27: {  	s1 =	sld [smem:$0x3FAC]  }
0x28: {  	s2 =	sld [smem:$0x3FAD]  }
0x29: {  	s4 =	sld [smem:$0x3FAF]  }
0x2a: {  	p0 =	seq.s32 s5, $0x0;
	s5 =	sld [smem:$0x3FB0]  }
0x2b: {  	s6 =	sld [smem:$0x3FB1]  }
0x2c: {  	s7 =	sld [smem:$0x3FB2]  }
0x2d: {  	s3 =	simm.s32 $0x108;
	s8 =	sld [smem:$0x3FB3]  }
0x2e: {  	s3 =	simm.s32 @!p0 $0x1082;
	s9 =	sld [smem:$0x3FB4]  }
0x2f: {  	lr =	sadd.s32 s0, s3;
	s0 =	sld [smem:$0x3FAB]  }
0x30: {  	s3 =	sld [smem:$0x3FAE]  }
0x31: {  	[smem:$0x3FB7] =	sst s10  }
0x32: {  	s10 =	sld [smem:$0x3FB5];
	_ =	sdelay $0x3  }
0x33: {  	p0 =	seq.s32 s10, $0x1;
	s10 =	sld [smem:$0x3FB7];
	_ =	sdelay $0x3  }
0x34: {  	[smem:$0x3FB7] =	sst s10  }
0x35: {  	s10 =	sld [smem:$0x3FB6];
	_ =	sdelay $0x3  }
0x36: {  	p1 =	seq.s32 s10, $0x1;
	s10 =	sld [smem:$0x3FB7];
	_ =	sdelay $0x3  }
0x37: {  	[smem:$0x3FB7] =	sst s10  }
0x38: {  	s10 =	sld [smem:$0x3FB8]  }
0x39: {  	_ = 	snop;
	(pc) =	sbr.ind lr, $3  }
0x3a: {  	_ = 	snop  }
0x3b: {  	_ = 	snop  }
0x3c: {  	p2 =	seq.s32 s10, $0x1;
	s10 =	sld [smem:$0x3FB7]  }
0x3d: {  	_ =	shalt  }
0x3e: {  	_ =	shalt  }
0x3f: {  	_ =	shalt  }
0x40: {  	_ =	shalt  }
0x41: {  	_ =	shalt  }
0x42: {  	_ =	shalt  }
0x43: {  	_ =	shalt  }
0x44: {  	_ =	shalt  }
0x45: {  	_ =	shalt  }
0x46: {  	_ =	shalt  }
0x47: {  	_ =	shalt  }
0x48: {  	_ =	shalt  }
0x49: {  	_ =	shalt  }
0x4a: {  	_ =	shalt  }
0x4b: {  	_ =	shalt  }
0x4c: {  	_ =	shalt  }
0x4d: {  	_ =	shalt  }
0x4e: {  	_ =	shalt  }
0x4f: {  	_ =	shalt  }
0x50: {  	_ =	shalt  }
0x51: {  	_ =	shalt  }
0x52: {  	_ =	shalt  }
0x53: {  	_ =	shalt  }
0x54: {  	_ =	shalt  }
0x55: {  	_ =	shalt  }
0x56: {  	_ =	shalt  }
0x57: {  	_ =	shalt  }
0x58: {  	_ =	shalt  }
0x59: {  	_ =	shalt  }
0x5a: {  	_ =	shalt  }
0x5b: {  	_ =	shalt  }
0x5c: {  	_ =	shalt  }
0x5d: {  	_ =	shalt  }
0x5e: {  	_ =	shalt  }
0x5f: {  	_ =	shalt  }
0x60: {  	_ =	shalt  }
0x61: {  	_ =	shalt  }
0x62: {  	_ =	shalt  }
0x63: {  	_ =	shalt  }
0x64: {  	_ =	shalt  }
0x65: {  	_ =	shalt  }
0x66: {  	_ =	shalt  }
0x67: {  	_ =	shalt  }
0x68: {  	_ =	shalt  }
0x69: {  	_ =	shalt  }
0x6a: {  	_ =	shalt  }
0x6b: {  	_ =	shalt  }
0x6c: {  	_ =	shalt  }
0x6d: {  	_ =	shalt  }
0x6e: {  	_ =	shalt  }
0x6f: {  	_ =	shalt  }
0x70: {  	_ =	shalt  }
0x71: {  	_ =	shalt  }
0x72: {  	_ =	shalt  }
0x73: {  	_ =	shalt  }
0x74: {  	_ =	shalt  }
0x75: {  	_ =	shalt  }
0x76: {  	_ =	shalt  }
0x77: {  	_ =	shalt  }
0x78: {  	_ =	shalt  }
0x79: {  	_ =	shalt  }
0x7a: {  	_ =	shalt  }
0x7b: {  	_ =	shalt  }
0x7c: {  	_ =	shalt  }
0x7d: {  	_ =	shalt  }
0x7e: {  	_ =	shalt  }
0x7f: {  	_ =	shalt  }
0x80: {  	_ =	shalt  }
0x81: {  	_ =	shalt  }
0x82: {  	_ =	shalt  }
0x83: {  	_ =	shalt  }
0x84: {  	_ =	shalt  }
0x85: {  	_ =	shalt  }
0x86: {  	_ =	shalt  }
0x87: {  	_ =	shalt  }
.Lfunc_end0:
.L_simem_size_0:
called_computation.3_lowered:
.L_overlay_start_0:
0x88: {  	s2 =	sld [smem:$0x3FD9]  }
0x89: {  	s3 =	sld [smem:$0x3FFE];
	_ =	sdelay $0x1  }
0x8a: {  	s1 =	srdreg.scid  }
0x8b: {  	s0 =	sand.u32 $0x1, s1  }
0x8c: {  	s16 =	sshll.u32 s0, $0xA;
	s2 =	sadd.s32 s3, s2  }
0x8d: {  	s2 =	sadd.s32 s2, s16  }
0x8e: {  	[smem:$0x3FC3] =	sst s2  }
0x8f: {  	_ = 	snop  }
0x90: {  	(tm) =	ssettm $0x1  }
0x91: {  	s17 =	sld [smem:$0x3FFB];
	_ =	sdelay $0x3  }
0x92: {  	_ =	strace s17  }
0x93: {  	s2 =	sld [smem:$0x3FFC];
	_ =	sdelay $0x3  }
0x94: {  	_ =	strace s2  }
0x95: {  	s2 =	sld [smem:$0x3FFD];
	_ =	sdelay $0x3  }
0x96: {  	_ =	strace s2  }
0x97: {  	_ =	strace $0x8FFFFFFF  }
0x98: {  	s18 =	sld [smem:$0x3FDB];
	_ =	sdelay $0x1  }
0x99: {  	s19 =	simm.s32 $_scs_section_size  }
0x9a: {  	s4 =	simm.s32 $_size__tile_overlayer_lowered;
	s5 =	simm.s32 $_tile_overlayer_lowered  }
0x9b: {  	s22 =	simm.s32 $0x1BFF;
	s21 =	sshll.u32 s5, $0x1;
	s2 =	sadd.s32 s19, s18  }
0x9c: {  	s6 =	simm.s32 $0x0;
	s20 =	sshll.u32 s4, $0x1;
	s4 =	sadd.s32 s21, s2  }
0x9d: {  	[timem:s6], [sflag:s22] =	dma.local [hbm:s4], s20  }
0x9e: {  	_ =	swait.ge [sflag:s22], s20  }
0x9f: {  	s3 =	ssub.s32 $0x0, s20;
	[sflag:s22] =	ssyncset.done $0x0  }
0xa0: {  	[sflag:s22] =	ssyncadd.s32 s3;
	_ =	sdelay $0x1  }
0xa1: {  	s23 =	simm.s32 $0x1B8B  }
0xa2: {  	_ =	swait.ge [sflag:s23], $0x1  }
0xa3: {  	[sflag:s23] =	ssyncset.done $0x0  }
0xa4: {  	s25 =	simm.s32 $0x1B8E;
	s24 =	sld [smem:$0x3FFE];
	[sflag:s23] =	ssyncadd.s32 $0xFFFFFFFF  }
0xa5: {  	s26 =	simm.s32 $execute0_lowered;
	[smem:$0x3FD2] =	sst s25  }
0xa6: {  	s4 =	sshll.u32 s26, $0x1;
	_ =	strace $0x8000004F;
	[dreg:$0x1] =	wrdreg $0xFFFFFFFF  }
0xa7: {  	s28 =	simm.s32 $_size_execute0_lowered;
	s2 =	sadd.s32 s2, s4;
	[dreg:$0x0] =	wrdreg $0x0  }
0xa8: {  	s4 =	sshll.u32 s28, $0x1;
	[dreg:$0x2] =	wrdreg s2  }
0xa9: {  	[dreg:$0x3] =	wrdreg s4  }
0xaa: {  	[dreg:$0x4] =	wrdreg $0xC0  }
0xab: {  	_ =	task [dreg:s6], $0x5FFFF  }
0xac: {  	[dreg:$0x1] =	wrdreg $0xFFFFFFFF  }
0xad: {  	[dreg:$0x0] =	wrdreg $0x60  }
0xae: {  	[dreg:$0x2] =	wrdreg s24  }
0xaf: {  	[dreg:$0x3] =	wrdreg $0x9  }
0xb0: {  	_ =	task.clear_ibuf [dreg:s6], $0x4FFFF;
	_ =	strace $0x9000004F  }
0xb1: {  	s29 =	simm.s32 $0x9;
	_ =	strace $0x80000051  }
0xb2: {  	_ =	swait.ge [sflag:s29], $0x1  }
0xb3: {  	[sflag:s29] =	ssyncadd.s32 $0xFFFFFFFF  }
0xb4: {  	_ =	strace $0x90000051  }
0xb5: {  	_ =	sfence  }
0xb6: {  	s30 =	sld [smem:$0x0];
	_ =	sdelay $0x2  }
0xb7: {  	s31 =	sshll.u32 s1, $0xD;
	s1 =	sshrl.u32 s1, $0x2  }
0xb8: {  	s3 =	sand.u32 $0x4000, s31;
	s1 =	sadd.s32 s1, s30  }
0xb9: {  	s0 =	sor.u32 s3, s0;
	s1 =	sshll.u32 s1, $0x11  }
0xba: {  	s0 =	sor.u32 s1, s0  }
0xbb: {  	s0 =	sadd.s32 $0x8F2B, s0  }
0xbc: {  	[sflag:s0] =	ssyncadd.remote.s32 $0x1  }
0xbd: {  	_ =	sfence.sel $0xFFFF  }
0xbe: {  	[dreg:$0x0] =	wrdreg $0xFFFFFFFF;
	(pc) =	sbr.abs _section_cstart, $3  }
0xbf: {  	[dreg:$0x1] =	wrdreg $0xFFFFFFFF  }
0xc0: {  	_ =	task.clear_ibuf [dreg:s6], $0x2FFFF;
	_ =	strace $0x9FFFFFFF  }
0xc1: {  	(tm) =	ssettm $0x7FFFFFFF  }
tec
execute0_lowered:
.L_overlay_start_1:
0x0: {  	(tag) =	ssettag $0x1  }
0x1: {  	s0 =	srdreg.scid  }
0x2: {  	s2 =	simm.s32 $0x1;
	s4 =	sand.u32 $0x1, s0;
	s0 =	stileid.u32  }
0x3: {  	s7 =	rddreg [dreg:$0x0];
	s1 =	sshll.u32 s4, $0x4;
	s26 =	sand.u32 $0x3, s0  }
0x4: {  	s11 =	sshll.u32 s0, $0x4;
	s4 =	ssub.s32 $0x2, s4;
	s5 =	sor.u32 s0, s1  }
0x5: {  	p1 =	sne.s32 s26, $0x0;
	s8 =	smul.u32 $0x24000, s26;
	p0 =	seq.s32 s5, $0x0  }
0x6: {  	s1 =	rddreg [dreg:$0x1];
	s11 =	sand.u32 $0x70, s11;
	p0 =	por !p1, !p0  }
0x7: {  	s30 =	sshrl.u32 s4, $0x1;
	s3 =	sshrl.u32 s5, $0x2;
	p0 =	por !p0, !p0  }
0x8: {  	s11 =	sadd.s32 s11, s7;
	s13 =	ssub.s32 s4, s30;
	s2 =	simm.s32 @!p0 $0x0  }
0x9: {  	s5 =	sshll.u32 s5, $0x4;
	s6 =	ssub.s32 s3, s2;
	s2 =	simm.s32 $0x0  }
0xa: {  	s31 =	sand.u32 $0x180, s5;
	s3 =	sshrl.u32 s6, $0x2;
	[smem:$0x7FF] =	sst s2  }
0xb: {  	s9 =	sshll.u32 s6, $0x7;
	s29 =	sshll.u32 s6, $0x6;
	s12 =	sshll.u32 s6, $0x4  }
0xc: {  	p0 =	slt.s32 s6, $0x4;
	s3 =	smul.u32 $0x90000, s3;
	s12 =	sand.u32 $0x1FFFFFF0, s12  }
0xd: {  	_ =	strace $0x80000050;
	s9 =	sand.u32 $0x180, s9;
	s12 =	sadd.s32 s12, s7  }
0xe: {  	s10 =	sadd.s32 s8, s3;
	s3 =	simm.s32 $0x1;
	s8 =	sor.u32 s8, s9  }
0xf: {  	s6 =	sadd.s32 $0x24A00, s12;
	s10 =	sor.u32 s9, s10;
	s8 =	sshrl.u32 s8, $0x3  }
0x10: {  	s28 =	sshrl.u32 s10, $0x3;
	s8 =	sadd.s32 s8, s7;
	s10 =	sand.u32 $0x1FFFFFC0, s29  }
0x11: {  	s9 =	sadd.s32 s28, s7;
	s10 =	sadd.s32 s10, s7;
	s4 =	sadd.s32 $0x12800, s8  }
0x12: {  	s7 =	sadd.s32 s31, s11;
	s8 =	sadd.s32 $0x24E00, s12;
	s11 =	simm.s32 $0x9000  }
0x13: {  	v0 =	vlaneseq.u32;
	s12 =	simm.s32 $0x9200;
	s14 =	sadd.s32 $0x800, s9;
	s5 =	sadd.s32 $0x24800, s10  }
0x14: {  	v0 =	vmul.u32 $0xFFFFFFFF, v0;
	s7 =	sadd.s32 $0x24C00, s7;
	s4 =	smov.u32 @p0 s14;
	s14 =	simm.s32 @!p1 $0x0  }
0x15: {  	vm0 =	vcmask $0x308;
	vm1 =	vmmov $0x1;
	s9 =	smax.u32 s13, $0x1;
	s10 =	simm.s32 $0x200;
	s14 =	simm.s32 @p1 $0x1  }
0x16: {  	v0 =	vadd.s32 $0xF, v0;
	vm2 =	vcmask @!p1 $0x300;
	vm3 =	vcmask @!p1 $0x704;
	s13 =	simm.s32 $0x9280;
	[smem:$0x7FD] =	sst s14;
	s14 =	simm.s32 $0x0  }
.LBB2_1:
0x17: {  	s17 =	simm.s32 $0x80  }
0x18: {  	[tilespmem:s2], [sflag:$0x1] =	stream.strided.gather [hbm4b:s4+s17], $0x9000, s10, s17, $0x38;
	[tilespmem:$0x9300] =	vst v63  }
0x19: {  	_ =	swait.ge [sflag:s3], $0x9000  }
0x1a: {  	[sflag:s3] =	ssyncset.done $0x0  }
0x1b: {  	[sflag:s3] =	ssyncadd.s32 $0xFFFF7000  }
0x1c: {  	[tilespmem:s11], [sflag:$0x1] =	stream.linear.gather [hbm4b:s5+s2], $0x200, $0x38;
	[tilespmem:$0x9300] =	vst v63  }
0x1d: {  	_ =	swait.ge [sflag:s3], $0x200  }
0x1e: {  	[sflag:s3] =	ssyncset.done $0x0  }
0x1f: {  	[sflag:s3] =	ssyncadd.s32 $0xFFFFFE00  }
0x20: {  	[tilespmem:s12], [sflag:$0x1] =	stream.linear.gather [hbm4b:s6+s2], $0x80, $0x38;
	[tilespmem:$0x9300] =	vst v63  }
0x21: {  	_ =	swait.ge [sflag:s3], $0x80  }
0x22: {  	[sflag:s3] =	ssyncset.done $0x0  }
0x23: {  	[sflag:s3] =	ssyncadd.s32 $0xFFFFFF80  }
0x24: {  	v1 =	vld [tilespmem:$0x9200]  }
0x25: {  	v2 =	vld [tilespmem:$0x9070]  }
0x26: {  	v3 =	vld [tilespmem:$0x90F0]  }
0x27: {  	v4 =	vld [tilespmem:$0x9170]  }
0x28: {  	v5 =	vld [tilespmem:$0x91F0]  }
0x29: {  	v6 =	vld [tilespmem:$0x9060]  }
0x2a: {  	v7 =	vld [tilespmem:$0x90E0]  }
0x2b: {  	v8 =	vld [tilespmem:$0x9160]  }
0x2c: {  	v9 =	vld [tilespmem:$0x91E0]  }
0x2d: {  	v10 =	vld [tilespmem:$0x9050]  }
0x2e: {  	v11 =	vld [tilespmem:$0x90D0]  }
0x2f: {  	v12 =	vld [tilespmem:$0x9150]  }
0x30: {  	v13 =	vld [tilespmem:$0x91D0]  }
0x31: {  	v14 =	vld [tilespmem:$0x9040]  }
0x32: {  	v15 =	vld [tilespmem:$0x90C0]  }
0x33: {  	v16 =	vld [tilespmem:$0x9140]  }
0x34: {  	v17 =	vld [tilespmem:$0x91C0]  }
0x35: {  	v18 =	vld [tilespmem:$0x9030]  }
0x36: {  	v19 =	vld [tilespmem:$0x90B0]  }
0x37: {  	v20 =	vld [tilespmem:$0x9130]  }
0x38: {  	v21 =	vld [tilespmem:$0x91B0]  }
0x39: {  	v22 =	vld [tilespmem:$0x9020];
	v2 =	vadd.s32 v2, v3  }
0x3a: {  	v3 =	vld [tilespmem:$0x90A0];
	v6 =	vadd.s32 v6, v7;
	v2 =	vadd.s32 v4, v2;
	v4 =	vsel vm0, $0x0, v1  }
0x3b: {  	v7 =	vld [tilespmem:$0x9120];
	(xrf0) =	vadd.scan.msk.s32 $0xffff, v4;
	v2 =	vadd.s32 v5, v2;
	v4 =	vadd.s32 v8, v6;
	v5 =	vadd.s32 v10, v11  }
0x3c: {  	v6 =	vld [tilespmem:$0x91A0];
	(xrf0) =	vadd.scan.msk.s32 $0xffff, v2;
	v2 =	vadd.s32 v9, v4;
	v4 =	vadd.s32 v12, v5;
	v5 =	vadd.s32 v14, v15  }
0x3d: {  	(xrf0) =	vadd.scan.msk.s32 $0xffff, v2;
	v2 =	vadd.s32 v13, v4;
	v4 =	vadd.s32 v16, v5  }
0x3e: {  	v8 =	vld [tilespmem:$0x9010];
	v5 =	vadd.s32 v18, v19;
	(xrf0) =	vadd.scan.msk.s32 $0xffff, v2;
	v2 =	vadd.s32 v17, v4  }
0x3f: {  	v4 =	vadd.s32 v20, v5;
	v3 =	vadd.s32 v22, v3;
	v5 =	vld [tilespmem:$0x9090];
	(xrf0) =	vadd.scan.msk.s32 $0xffff, v2  }
0x40: {  	v2 =	vadd.s32 v21, v4;
	v3 =	vadd.s32 v7, v3;
	v4 =	vld [tilespmem:$0x9110]  }
0x41: {  	(xrf0) =	vadd.scan.msk.s32 $0xffff, v2;
	v2 =	vadd.s32 v6, v3;
	v3 =	vld [tilespmem:$0x9190];
	v6, _, _ =	vpop (xrf0)  }
0x42: {  	(xrf0) =	vadd.scan.msk.s32 $0xffff, v2;
	v2 =	vld [tilespmem:$0x9000];
	v7, _, _ =	vpop (xrf0);
	(v2sf) =	vpush v6, $0xF  }
0x43: {  	v6 =	vld [tilespmem:$0x9080];
	v9, _, _ =	vpop (xrf0);
	(v2sf) =	vpush v7, $0xF  }
0x44: {  	v7 =	vld [tilespmem:$0x9100];
	v10, _, _ =	vpop (xrf0);
	(v2sf) =	vpush v9, $0xF  }
0x45: {  	v9 =	vld [tilespmem:$0x9180];
	v11, _, _ =	vpop (xrf0);
	(v2sf) =	vpush v10, $0xF  }
0x46: {  	(v2sf) =	vpush v11, $0xF  }
0x47: {  	v5 =	vadd.s32 v8, v5;
	v10, _, _ =	vpop (xrf0)  }
0x48: {  	v4 =	vadd.s32 v4, v5;
	(v2sf) =	vpush v10, $0xF;
	v2 =	vadd.s32 v2, v6  }
0x49: {  	v3 =	vadd.s32 v3, v4;
	v8, _, _ =	vpop (xrf0);
	v2 =	vadd.s32 v7, v2  }
0x4a: {  	(xrf0) =	vadd.scan.msk.s32 $0xffff, v3;
	(v2sf) =	vpush v8, $0xF;
	v2 =	vadd.s32 v9, v2  }
0x4b: {  	(xrf0) =	vadd.scan.msk.s32 $0xffff, v2;
	_ =	sdelay $0x4  }
0x4c: {  	v2, _, _ =	vpop (xrf0)  }
0x4d: {  	(v2sf) =	vpush v2, $0xF;
	v2, _, _ =	vpop (xrf0);
	s15 =	spop (v2sf)  }
0x4e: {  	(v2sf) =	vpush v2, $0xF;
	s20 =	spop (v2sf)  }
0x4f: {  	s16 =	spop (v2sf)  }
0x50: {  	s18 =	simm.s32 $0x0;
	s19 =	ssub.s32 $0x5666, s15;
	s21 =	spop (v2sf)  }
0x51: {  	p3 =	sge.s32 s20, s19;
	s25 =	sadd.s32 s20, s16;
	s22 =	spop (v2sf)  }
0x52: {  	p1 =	slt.s32 s25, s19;
	p0 =	sge.s32 s25, s19;
	s21 =	sadd.s32 s25, s21  }
0x53: {  	s23 =	spop (v2sf);
	s16 =	simm.s32 @!p1 $0x0;
	s18 =	simm.s32 @!p1 $0x60  }
0x54: {  	p0 =	por p3, p0;
	p4 =	slt.s32 s21, s19;
	p5 =	sge.s32 s21, s19  }
0x55: {  	s22 =	sadd.s32 s21, s22;
	s24 =	spop (v2sf);
	s16 =	simm.s32 @p1 $0x1  }
0x56: {  	s18 =	simm.s32 @p3 $0x70;
	p4 =	por p4, p0;
	p0 =	por p0, p5  }
0x57: {  	p6 =	sge.s32 s22, s19;
	s23 =	sadd.s32 s22, s23;
	p2 =	slt.s32 s22, s19  }
0x58: {  	[smem:$0x7FB] =	sst s16;
	s16 =	simm.s32 @!p3 $0x0;
	p6 =	por p0, p6  }
0x59: {  	p5 =	slt.s32 s23, s19;
	p2 =	por p2, p0;
	s16 =	simm.s32 @p3 $0x1  }
0x5a: {  	p3 =	sge.s32 s23, s19;
	[smem:$0x7FA] =	sst s16;
	s16 =	simm.s32 @!p4 $0x0  }
0x5b: {  	s18 =	simm.s32 @!p4 $0x50;
	p0 =	por p6, p3;
	s16 =	simm.s32 @p4 $0x1  }
0x5c: {  	[smem:$0x7FC] =	sst s16;
	s16 =	sadd.s32 s23, s24;
	s30 =	spop (v2sf)  }
0x5d: {  	p1 =	sge.s32 s16, s19;
	s24 =	sadd.s32 s16, s30;
	s26 =	spop (v2sf)  }
0x5e: {  	p5 =	por p5, p6;
	p3 =	por p0, p1;
	s26 =	sadd.s32 s24, s26  }
0x5f: {  	s18 =	simm.s32 @!p2 $0x40;
	p4 =	por !p3, !p3;
	p1 =	sge.s32 s26, s19  }
0x60: {  	s18 =	simm.s32 @!p5 $0x30;
	p6 =	slt.s32 s16, s19;
	p4 =	por !p1, !p4  }
0x61: {  	p6 =	por p6, p0;
	p1 =	por !p4, !p4;
	p4 =	slt.s32 s24, s19  }
0x62: {  	s18 =	simm.s32 @!p6 $0x20;
	p0 =	por p4, p3;
	p1 =	por !p1, !p4  }
0x63: {  	s18 =	simm.s32 @!p0 $0x10;
	p3 =	por !p1, !p1  }
0x64: {  	s18 =	simm.s32 @p3 $0x0  }
0x65: {  	v2 =	vld [tilespmem:s18+$0x9000]  }
0x66: {  	v3 =	vld [tilespmem:s18+$0x9080]  }
0x67: {  	v4 =	vld [tilespmem:s18+$0x9100]  }
0x68: {  	v5 =	vld [tilespmem:s18+$0x9180];
	_ =	sdelay $0x2  }
0x69: {  	s31 =	sld [smem:$0x7FA];
	v2 =	vadd.s32 v2, v3  }
0x6a: {  	s28 =	sld [smem:$0x7FB];
	v2 =	vadd.s32 v4, v2  }
0x6b: {  	s29 =	sld [smem:$0x7FC];
	v2 =	vadd.s32 v5, v2  }
0x6c: {  	p1 =	seq.s32 s31, $0x1;
	v3 =	vnsel vm1, $0x0, v1;
	v1 =	vperm.xlane v2, v0  }
0x6d: {  	s20 =	simm.s32 @p1 $0x0;
	p1 =	seq.s32 s28, $0x1;
	(xrf0) =	vadd.scan.msk.s32 $0xffff, v3  }
0x6e: {  	s20 =	simm.s32 @p1 $0x0;
	p1 =	seq.s32 s29, $0x1;
	(xrf0) =	vadd.scan.msk.s32 $0xffff, v1  }
0x6f: {  	s25 =	smov.u32 @p1 s20  }
0x70: {  	s21 =	smov.u32 @p2 s25  }
0x71: {  	s22 =	smov.u32 @p5 s21  }
0x72: {  	s23 =	smov.u32 @p6 s22  }
0x73: {  	s16 =	smov.u32 @p0 s23;
	v3, _, _ =	vpop (xrf0)  }
0x74: {  	s16 =	smov.u32 @p3 s24;
	v2, _, _ =	vpop (xrf0)  }
0x75: {  	v4 =	vadd.s32 s16, v2  }
0x76: {  	vm4 =	vge.s32 v4, s19  }
0x77: {  	v4 =	vmctz.xlane vm4;
	_ =	sdelay $0x1  }
0x78: {  	v4 =	vnsel vm1, $0x0, v4  }
0x79: {  	(xrf0) =	vadd.scan.msk.s32 $0xffff, v4;
	_ =	sdelay $0x5  }
0x7a: {  	(v2sf) =	vpush v3, $0xF;
	v3, _, _ =	vpop (xrf0)  }
0x7b: {  	(v2sf) =	vpush v3, $0xF;
	_ =	sdelay $0xc  }
0x7c: {  	v10 =	vld [tilespmem:s17+$0x0]  }
0x7d: {  	v6 =	vld [tilespmem:s17+$0x10];
	s30 =	spop (v2sf)  }
0x7e: {  	v7 =	vld [tilespmem:s17+$0xFFFFFFE0];
	s18 =	sor.u32 $0xF, s18;
	s31 =	spop (v2sf)  }
0x7f: {  	v5 =	vld [tilespmem:s17+$0xFFFFFF80];
	s19 =	sshll.u32 s30, $0x7;
	s18 =	ssub.s32 s18, s31  }
0x80: {  	v16 =	vld [tilespmem:s17+$0xFFFFFFA0];
	s18 =	sor.u32 s19, s18  }
0x81: {  	v12 =	vld [tilespmem:s17+$0xFFFFFFD0];
	v4 =	vmov s18  }
0x82: {  	v13 =	vld [tilespmem:s17+$0xFFFFFF90];
	v4 =	vbroadcast v4, $0x0  }
0x83: {  	v15 =	vld [tilespmem:s17+$0xFFFFFFC0]  }
0x84: {  	v11 =	vimm.f32 $0.0e+00;
	v9 =	vld [tilespmem:s17+$0xFFFFFFB0];
	vm4 =	vgt.f32 v5, v4;
	vm5 =	vgt.f32 v7, v4  }
0x85: {  	v22 =	vld [tilespmem:s17+$0xFFFFFFF0];
	vm6 =	vgt.f32 v16, v4;
	v5 =	vnsel vm4, $0x0, v5;
	vm4 =	vgt.f32 v6, v4  }
0x86: {  	v8 =	vld [tilespmem:s17+$0x50];
	v21 =	vnsel vm6, $0x0, v16;
	v16 =	vimm.f32 $0.0e+00;
	v18 =	vadd.f32 v5, v11  }
0x87: {  	v6 =	vnsel vm4, $0x0, v6;
	vm4 =	vgt.f32 v13, v4;
	v5 =	vnsel vm5, $0x0, v7;
	v7 =	vld [tilespmem:s17+$0x30]  }
0x88: {  	v14 =	vld [tilespmem:s17+$0x40];
	vm5 =	vgt.f32 v15, v4;
	v13 =	vnsel vm4, $0x0, v13;
	vm4 =	vgt.f32 v12, v4  }
0x89: {  	v17 =	vnsel vm4, $0x0, v12;
	v12 =	vnsel vm5, $0x0, v15;
	v19 =	vadd.f32 v13, v11;
	v13 =	vld [tilespmem:s17+$0x20]  }
0x8a: {  	vm4 =	vgt.f32 v10, v4;
	vm5 =	vgt.f32 v22, v4;
	v18 =	vadd.f32 v12, v18;
	v12 =	vld [tilespmem:s17+$0x70]  }
0x8b: {  	s19 =	simm.s32 $0x0;
	v20 =	vnsel vm4, $0x0, v10;
	vm4 =	vgt.f32 v9, v4;
	v15 =	vnsel vm5, $0x0, v22;
	v10 =	vld [tilespmem:s17+$0x60];
	s17 =	simm.s32 $0x180  }
.LBB2_2:
0x8c: {  	v22 =	vld [tilespmem:s17+$0xFFFFFF80];
	s19 =	sadd.s32 $0x4, s19;
	v9 =	vnsel vm4, $0x0, v9;
	v17 =	vadd.f32 v17, v19;
	vm4 =	vgt.f32 v7, v4  }
0x8d: {  	v11 =	vadd.f32 v21, v11;
	v18 =	vadd.f32 v20, v18;
	vm5 =	vgt.f32 v8, v4;
	v23 =	vld [tilespmem:s17+$0x0];
	p1 =	slt.u32 s19, $0x23C  }
0x8e: {  	v9 =	vadd.f32 v9, v16;
	vm6 =	vgt.f32 v14, v4;
	v8 =	vnsel vm5, $0x0, v8;
	v19 =	vld [tilespmem:s17+$0xFFFFFFD0]  }
0x8f: {  	vm5 =	vgt.f32 v13, v4;
	v14 =	vnsel vm6, $0x0, v14;
	v16 =	vld [tilespmem:s17+$0x10];
	vm6 =	vgt.f32 v12, v4  }
0x90: {  	v7 =	vnsel vm4, $0x0, v7;
	v6 =	vadd.f32 v6, v17;
	v13 =	vnsel vm5, $0x0, v13;
	v20 =	vld [tilespmem:s17+$0xFFFFFFE0]  }
0x91: {  	v14 =	vadd.f32 v14, v18;
	v12 =	vnsel vm6, $0x0, v12;
	v17 =	vld [tilespmem:s17+$0xFFFFFF90];
	vm4 =	vgt.f32 v22, v4  }
0x92: {  	v15 =	vadd.f32 v15, v9;
	v21 =	vld [tilespmem:s17+$0xFFFFFFA0];
	v18 =	vnsel vm4, $0x0, v22;
	v22 =	vadd.f32 v8, v6  }
0x93: {  	v5 =	vadd.f32 v5, v11;
	vm4 =	vgt.f32 v10, v4;
	v18 =	vadd.f32 v18, v14;
	v24 =	vld [tilespmem:s17+$0xFFFFFFC0]  }
0x94: {  	v7 =	vadd.f32 v7, v15;
	v10 =	vnsel vm4, $0x0, v10;
	v9 =	vld [tilespmem:s17+$0xFFFFFFB0];
	vm5 =	vgt.f32 v16, v4  }
0x95: {  	v11 =	vadd.f32 v13, v5;
	v15 =	vld [tilespmem:s17+$0xFFFFFFF0];
	vm4 =	vgt.f32 v20, v4;
	v6 =	vnsel vm5, $0x0, v16  }
0x96: {  	v16 =	vadd.f32 v12, v7;
	vm5 =	vgt.f32 v17, v4;
	v5 =	vnsel vm4, $0x0, v20;
	v8 =	vld [tilespmem:s17+$0x50]  }
.Ltmp0:
0x97: {  	v11 =	vadd.f32 v10, v11;
	vm4 =	vgt.f32 v19, v4;
	v12 =	vnsel vm5, $0x0, v17;
	v7 =	vld [tilespmem:s17+$0x30];
	(pc) =	sbr.rel @p1 .LBB2_2-.Ltmp0, $4  }
0x98: {  	vm5 =	vgt.f32 v21, v4;
	v17 =	vnsel vm4, $0x0, v19;
	vm6 =	vgt.f32 v24, v4;
	v14 =	vld [tilespmem:s17+$0x40]  }
0x99: {  	vm4 =	vgt.f32 v23, v4;
	v19 =	vadd.f32 v12, v22;
	v10 =	vnsel vm6, $0x0, v24;
	v13 =	vld [tilespmem:s17+$0x20]  }
0x9a: {  	v20 =	vnsel vm4, $0x0, v23;
	v18 =	vadd.f32 v10, v18;
	vm6 =	vgt.f32 v15, v4;
	v12 =	vld [tilespmem:s17+$0x70]  }
0x9b: {  	v21 =	vnsel vm5, $0x0, v21;
	vm4 =	vgt.f32 v9, v4;
	v15 =	vnsel vm6, $0x0, v15;
	v10 =	vld [tilespmem:s17+$0x60];
	s17 =	sadd.s32 $0x100, s17  }
0x9c: {  	v9 =	vnsel vm4, $0x0, v9;
	v17 =	vadd.f32 v17, v19;
	vm4 =	vgt.f32 v7, v4  }
0x9d: {  	v11 =	vadd.f32 v21, v11;
	v18 =	vadd.f32 v20, v18;
	vm5 =	vgt.f32 v8, v4  }
0x9e: {  	v9 =	vadd.f32 v9, v16;
	vm6 =	vgt.f32 v14, v4;
	v8 =	vnsel vm5, $0x0, v8  }
0x9f: {  	v7 =	vnsel vm4, $0x0, v7;
	vm5 =	vgt.f32 v13, v4;
	v6 =	vadd.f32 v6, v17  }
0xa0: {  	v14 =	vnsel vm6, $0x0, v14;
	v5 =	vadd.f32 v5, v11;
	v9 =	vadd.f32 v15, v9  }
0xa1: {  	vm15 =	vgt.f32 v12, v4;
	v59 =	vnsel vm5, $0x0, v13;
	v60 =	vadd.f32 v14, v18  }
0xa2: {  	vm4 =	vgt.f32 v10, v4;
	v5 =	vadd.f32 v59, v5;
	v61 =	vadd.f32 v7, v9  }
0xa3: {  	v62 =	vnsel vm15, $0x0, v12;
	v6 =	vadd.f32 v8, v6;
	v63 =	vnsel vm4, $0x0, v10  }
0xa4: {  	v5 =	vadd.f32 v63, v5;
	v4 =	vadd.f32 v62, v61  }
0xa5: {  	s17 =	sld [smem:$0x7FD]  }
0xa6: {  	v6 =	vadd.f32 v6, v60;
	v4 =	vadd.f32 v4, v5;
	_ =	sdelay $0x1  }
0xa7: {  	p1 =	seq.s32 s17, $0x1;
	v4 =	vadd.f32 v4, v6  }
0xa8: {  	v3 =	vbroadcast @!p1 v3, $0xF  }
0xa9: {  	[tilespmem:$0x9280] =	vst v4;
	v4 =	vlaneseq.u32 @!p1  }
0xaa: {  	[hbm4b:s7+s2] =	stream.linear.scatter [tilespmem:s13], [sflag:$0x1], $0x80, $0x38;
	vm4 =	veq.s32 @!p1 v3, v4;
	[tilespmem:$0x9300] =	vst v63  }
0xab: {  	_ =	swait.ge [sflag:s3], $0x80;
	v2 =	vnsel @!p1 vm4, $0x0, v2  }
0xac: {  	v1 =	vnsel @!p1 vm4, $0x0, v1;
	(xrf0) =	vadd.scan.msk.s32 @!p1 $0xffff, v2  }
0xad: {  	(xrf0) =	vadd.scan.msk.s32 @!p1 $0xffff, v1;
	_ =	sdelay $0x4  }
0xae: {  	v1, _, _ =	vpop @!p1 (xrf0)  }
0xaf: {  	(v2sf) =	vpush @!p1 v1, $0xF;
	v1, _, _ =	vpop @!p1 (xrf0)  }
0xb0: {  	(v2sf) =	vpush @!p1 v1, $0xF;
	_ =	sdelay $0xd  }
0xb1: {  	s15 =	sadd.s32 @!p1 s15, s16;
	s16 =	spop @!p1 (v2sf)  }
0xb2: {  	v1 =	vmov @!p1 s18;
	s15 =	sadd.s32 @!p1 s16, s15;
	s16 =	spop @!p1 (v2sf)  }
0xb3: {  	[sflag:s3] =	ssyncset.done $0x0;
	v1 =	vnsel @!p1 vm2, $0x0, v1;
	s15 =	ssub.s32 @!p1 s15, s16  }
0xb4: {  	s14 =	sadd.s32 $0x1, s14;
	[sflag:s3] =	ssyncadd.s32 $0xFFFFFF80;
	v1 =	vsel @!p1 vm3, s15, v1  }
0xb5: {  	p0 =	sne.s32 s14, s9;
	s16 =	simm.s32 @!p1 $0x9200;
	s15 =	simm.s32 @!p1 $0x0;
	[tilespmem:$0x9200] =	vst @!p1 v1  }
0xb6: {  	[hbm4b:s8+s15] =	stream.linear.scatter @!p1 [tilespmem:s16], [sflag:$0x1], $0x80, $0x38;
	[tilespmem:$0x9300] =	vst v63  }
.Ltmp1:
0xb7: {  	_ = 	snop;
	(pc) =	sbr.rel @p0 .LBB2_1-.Ltmp1, $4  }
0xb8: {  	s15 =	simm.s32 @!p1 $0x1  }
0xb9: {  	_ =	swait.ge @!p1 [sflag:s15], $0x80  }
0xba: {  	[sflag:s15] =	ssyncset.done @!p1 $0x0  }
0xbb: {  	[sflag:s15] =	ssyncadd.s32 @!p1 $0xFFFFFF80  }
0xbc: {  	_ =	sfence.sel $0x180000  }
0xbd: {  	[bflag:$0x0] =	sbarrier.arrive $0xFFFF  }
0xbe: {  	p0 =	sne.s32 s0, $0x0;
	_ =	strace $0x90000050  }
0xbf: {  	s0 =	sadd.s32 @!p0 $0x100000, s1;
	[bflag:$0x2] =	sbarrier.arrive $0xFFFF  }
0xc0: {  	[sflag:s0] =	ssyncadd.tile.s32 @!p0 $0x1;
	_ =	shalt  }
.Lfunc_end2:
_tile_overlayer_lowered:
.L_overlay_start_2:
0xc1: {  	(tag) =	ssettag $0x2  }
0xc2: {  	s0 =	rddreg [dreg:$0x0];
	s2 =	stileid.u32  }
0xc3: {  	s1 =	rddreg [dreg:$0x1];
	p0 =	sne.s32 s2, $0x0  }
0xc4: {  	s3 =	rddreg [dreg:$0x2];
	[bflag:$0x3] =	sbarrier.arrive $0xFFFF;
	s2 =	simm.s32 @!p0 $0x1C01  }
0xc5: {  	[timem:s3], [sflag:s2] =	dma.local @!p0 [hbm:s0], s1  }
0xc6: {  	s0 =	simm.s32 @!p0 $0x1  }
0xc7: {  	_ =	swait.ge @!p0 [sflag:s0], s1  }
0xc8: {  	s1 =	ssub.s32 @!p0 $0x0, s1;
	[sflag:s0] =	ssyncset.done @!p0 $0x0  }
0xc9: {  	[sflag:s0] =	ssyncadd.s32 @!p0 s1  }
0xca: {  	[bflag:$0x3] =	sbarrier.arrive $0xFFFF  }
0xcb: {  	_ =	shalt  }

// kernel: kernel.7.cloned.1.call-start
scs
__scs_entry_jumppad:
0x0: {  	(pc) =	sbr.rel $0x88, $3  }
0x1: {  	(tag) =	ssettag $0x0;
	lr =	simm.s32 $0x1  }
0x2: {  	[smem:$0x3F9C] =	sst lr;
	_ =	strace $0xD0000000  }
0x3: {  	_ = 	snop  }
0x4: {  	_ = 	snop  }
0x5: {  	_ = 	snop  }
0x6: {  	_ = 	snop  }
0x7: {  	_ = 	snop  }
__scs_overlays_trampoline_lowered:
0x8: {  	[smem:$0x3FAB] =	sst s0  }
0x9: {  	[smem:$0x3FAC] =	sst s1  }
0xa: {  	[smem:$0x3FAD] =	sst s2  }
0xb: {  	[smem:$0x3FAE] =	sst s3  }
0xc: {  	[smem:$0x3FAF] =	sst s4  }
0xd: {  	[smem:$0x3FB0] =	sst s5  }
0xe: {  	[smem:$0x3FB1] =	sst s6  }
0xf: {  	[smem:$0x3FB2] =	sst s7  }
0x10: {  	[smem:$0x3FB3] =	sst s8  }
0x11: {  	[smem:$0x3FB4] =	sst s9;
	s0 =	simm.s32 @!p0 $0x0  }
0x12: {  	s1 =	sld [smem:$0x3F9A];
	s0 =	simm.s32 @p0 $0x1  }
0x13: {  	[smem:$0x3FB5] =	sst s0;
	s0 =	simm.s32 @!p1 $0x0  }
0x14: {  	s2 =	sld [smem:$0x3F99];
	s0 =	simm.s32 @p1 $0x1  }
0x15: {  	[smem:$0x3FB6] =	sst s0;
	s0 =	simm.s32 @!p2 $0x0  }
0x16: {  	s3 =	sld [smem:$0x3FDB];
	s0 =	simm.s32 @p2 $0x1  }
0x17: {  	s4 =	simm.s32 $0x1BF5;
	[smem:$0x3FB8] =	sst s0  }
0x18: {  	s0 =	sld [smem:$0x3F9B];
	_ =	swait.ge [sflag:s4], $0x0  }
0x19: {  	s7 =	sld [smem:$0x3F9C]  }
0x1a: {  	s8 =	sadd.s32 $0xFFFFE003, lr  }
0x1b: {  	s9 =	sadd.s32 $0xFFFFFEF7, lr;
	s5 =	simm.s32 $0xFFFFFFFF;
	p2 =	slt.u32 s8, $0xFFFFF086  }
0x1c: {  	p1 =	slt.u32 s9, $0xF7A;
	s5 =	simm.s32 @!p2 $0x0  }
0x1d: {  	s5 =	simm.s32 @p1 $0x1;
	p0 =	seq.s32 s7, s2  }
0x1e: {  	s7 =	smul.u32 @!p0 $0xF7A, s2;
	p2 =	seq.s32 @!p0 s5, $0x0  }
0x1f: {  	s9 =	smul.u32 $0xF7A, s1;
	s8 =	simm.s32 @!p0 $0x1BF5;
	p2 =	por !p2, p0  }
0x20: {  	[sflag:s8] =	ssyncset.s32 @!p0 $0xFFFFF086;
	s6 =	sadd.s32 @!p0 s3, s7;
	s7 =	simm.s32 @!p0 $0x108  }
0x21: {  	s3 =	sadd.s32 s3, s9;
	s6 =	sadd.s32 @!p0 $0x88, s6;
	s7 =	simm.s32 @p2 $0x1082  }
0x22: {  	[simem:s7], [sflag:s8] =	dma.local @!p0 [hbm:s6], $0xF7A  }
0x23: {  	s9 =	sor.u32 $0xD0000000, s2;
	s6 =	simm.s32 $0x108;
	_ =	swait.ge @!p0 [sflag:s8], $0x0  }
0x24: {  	s3 =	sadd.s32 $0x88, s3;
	s6 =	simm.s32 @!p1 $0x1082;
	[sflag:s4] =	ssyncset.s32 $0xFFFFF086  }
0x25: {  	[simem:s6], [sflag:s4] =	dma.local [hbm:s3], $0xF7A  }
0x26: {  	[smem:$0x3F9C] =	sst s1;
	(tag) =	ssettag s2;
	_ =	strace s9  }
0x27: {  	s1 =	sld [smem:$0x3FAC]  }
0x28: {  	s2 =	sld [smem:$0x3FAD]  }
0x29: {  	s4 =	sld [smem:$0x3FAF]  }
0x2a: {  	p0 =	seq.s32 s5, $0x0;
	s5 =	sld [smem:$0x3FB0]  }
0x2b: {  	s6 =	sld [smem:$0x3FB1]  }
0x2c: {  	s7 =	sld [smem:$0x3FB2]  }
0x2d: {  	s3 =	simm.s32 $0x108;
	s8 =	sld [smem:$0x3FB3]  }
0x2e: {  	s3 =	simm.s32 @!p0 $0x1082;
	s9 =	sld [smem:$0x3FB4]  }
0x2f: {  	lr =	sadd.s32 s0, s3;
	s0 =	sld [smem:$0x3FAB]  }
0x30: {  	s3 =	sld [smem:$0x3FAE]  }
0x31: {  	[smem:$0x3FB7] =	sst s10  }
0x32: {  	s10 =	sld [smem:$0x3FB5];
	_ =	sdelay $0x3  }
0x33: {  	p0 =	seq.s32 s10, $0x1;
	s10 =	sld [smem:$0x3FB7];
	_ =	sdelay $0x3  }
0x34: {  	[smem:$0x3FB7] =	sst s10  }
0x35: {  	s10 =	sld [smem:$0x3FB6];
	_ =	sdelay $0x3  }
0x36: {  	p1 =	seq.s32 s10, $0x1;
	s10 =	sld [smem:$0x3FB7];
	_ =	sdelay $0x3  }
0x37: {  	[smem:$0x3FB7] =	sst s10  }
0x38: {  	s10 =	sld [smem:$0x3FB8]  }
0x39: {  	_ = 	snop;
	(pc) =	sbr.ind lr, $3  }
0x3a: {  	_ = 	snop  }
0x3b: {  	_ = 	snop  }
0x3c: {  	p2 =	seq.s32 s10, $0x1;
	s10 =	sld [smem:$0x3FB7]  }
0x3d: {  	_ =	shalt  }
0x3e: {  	_ =	shalt  }
0x3f: {  	_ =	shalt  }
0x40: {  	_ =	shalt  }
0x41: {  	_ =	shalt  }
0x42: {  	_ =	shalt  }
0x43: {  	_ =	shalt  }
0x44: {  	_ =	shalt  }
0x45: {  	_ =	shalt  }
0x46: {  	_ =	shalt  }
0x47: {  	_ =	shalt  }
0x48: {  	_ =	shalt  }
0x49: {  	_ =	shalt  }
0x4a: {  	_ =	shalt  }
0x4b: {  	_ =	shalt  }
0x4c: {  	_ =	shalt  }
0x4d: {  	_ =	shalt  }
0x4e: {  	_ =	shalt  }
0x4f: {  	_ =	shalt  }
0x50: {  	_ =	shalt  }
0x51: {  	_ =	shalt  }
0x52: {  	_ =	shalt  }
0x53: {  	_ =	shalt  }
0x54: {  	_ =	shalt  }
0x55: {  	_ =	shalt  }
0x56: {  	_ =	shalt  }
0x57: {  	_ =	shalt  }
0x58: {  	_ =	shalt  }
0x59: {  	_ =	shalt  }
0x5a: {  	_ =	shalt  }
0x5b: {  	_ =	shalt  }
0x5c: {  	_ =	shalt  }
0x5d: {  	_ =	shalt  }
0x5e: {  	_ =	shalt  }
0x5f: {  	_ =	shalt  }
0x60: {  	_ =	shalt  }
0x61: {  	_ =	shalt  }
0x62: {  	_ =	shalt  }
0x63: {  	_ =	shalt  }
0x64: {  	_ =	shalt  }
0x65: {  	_ =	shalt  }
0x66: {  	_ =	shalt  }
0x67: {  	_ =	shalt  }
0x68: {  	_ =	shalt  }
0x69: {  	_ =	shalt  }
0x6a: {  	_ =	shalt  }
0x6b: {  	_ =	shalt  }
0x6c: {  	_ =	shalt  }
0x6d: {  	_ =	shalt  }
0x6e: {  	_ =	shalt  }
0x6f: {  	_ =	shalt  }
0x70: {  	_ =	shalt  }
0x71: {  	_ =	shalt  }
0x72: {  	_ =	shalt  }
0x73: {  	_ =	shalt  }
0x74: {  	_ =	shalt  }
0x75: {  	_ =	shalt  }
0x76: {  	_ =	shalt  }
0x77: {  	_ =	shalt  }
0x78: {  	_ =	shalt  }
0x79: {  	_ =	shalt  }
0x7a: {  	_ =	shalt  }
0x7b: {  	_ =	shalt  }
0x7c: {  	_ =	shalt  }
0x7d: {  	_ =	shalt  }
0x7e: {  	_ =	shalt  }
0x7f: {  	_ =	shalt  }
0x80: {  	_ =	shalt  }
0x81: {  	_ =	shalt  }
0x82: {  	_ =	shalt  }
0x83: {  	_ =	shalt  }
0x84: {  	_ =	shalt  }
0x85: {  	_ =	shalt  }
0x86: {  	_ =	shalt  }
0x87: {  	_ =	shalt  }
.Lfunc_end0:
.L_simem_size_0:
called_computation_lowered:
.L_overlay_start_0:
0x88: {  	s2 =	sld [smem:$0x3FD9]  }
0x89: {  	s3 =	sld [smem:$0x3FFE];
	_ =	sdelay $0x1  }
0x8a: {  	s1 =	srdreg.scid  }
0x8b: {  	s0 =	sand.u32 $0x1, s1  }
0x8c: {  	s16 =	sshll.u32 s0, $0xA;
	s2 =	sadd.s32 s3, s2  }
0x8d: {  	s2 =	sadd.s32 s2, s16  }
0x8e: {  	[smem:$0x3FC3] =	sst s2  }
0x8f: {  	_ = 	snop  }
0x90: {  	(tm) =	ssettm $0x1  }
0x91: {  	s17 =	sld [smem:$0x3FFB];
	_ =	sdelay $0x3  }
0x92: {  	_ =	strace s17  }
0x93: {  	s2 =	sld [smem:$0x3FFC];
	_ =	sdelay $0x3  }
0x94: {  	_ =	strace s2  }
0x95: {  	s2 =	sld [smem:$0x3FFD];
	_ =	sdelay $0x3  }
0x96: {  	_ =	strace s2  }
0x97: {  	_ =	strace $0x8FFFFFFF  }
0x98: {  	s18 =	sld [smem:$0x3FDB];
	_ =	sdelay $0x1  }
0x99: {  	s19 =	simm.s32 $_scs_section_size  }
0x9a: {  	s4 =	simm.s32 $_size__tile_overlayer_lowered;
	s5 =	simm.s32 $_tile_overlayer_lowered  }
0x9b: {  	s22 =	simm.s32 $0x1BFF;
	s21 =	sshll.u32 s5, $0x1;
	s2 =	sadd.s32 s19, s18  }
0x9c: {  	s6 =	simm.s32 $0x0;
	s20 =	sshll.u32 s4, $0x1;
	s4 =	sadd.s32 s21, s2  }
0x9d: {  	[timem:s6], [sflag:s22] =	dma.local [hbm:s4], s20  }
0x9e: {  	_ =	swait.ge [sflag:s22], s20  }
0x9f: {  	s3 =	ssub.s32 $0x0, s20;
	[sflag:s22] =	ssyncset.done $0x0  }
0xa0: {  	[sflag:s22] =	ssyncadd.s32 s3;
	_ =	sdelay $0x1  }
0xa1: {  	s23 =	simm.s32 $0x1B8B  }
0xa2: {  	_ =	swait.ge [sflag:s23], $0x1  }
0xa3: {  	[sflag:s23] =	ssyncset.done $0x0  }
0xa4: {  	s25 =	simm.s32 $0x1B8E;
	s24 =	sld [smem:$0x3FFE];
	[sflag:s23] =	ssyncadd.s32 $0xFFFFFFFF  }
0xa5: {  	s26 =	simm.s32 $execute0_lowered;
	[smem:$0x3FD2] =	sst s25  }
0xa6: {  	s4 =	sshll.u32 s26, $0x1;
	_ =	strace $0x80000046;
	[dreg:$0x1] =	wrdreg $0xFFFFFFFF  }
0xa7: {  	s28 =	simm.s32 $_size_execute0_lowered;
	s2 =	sadd.s32 s2, s4;
	[dreg:$0x0] =	wrdreg $0x0  }
0xa8: {  	s4 =	sshll.u32 s28, $0x1;
	[dreg:$0x2] =	wrdreg s2  }
0xa9: {  	[dreg:$0x3] =	wrdreg s4  }
0xaa: {  	[dreg:$0x4] =	wrdreg $0xC0  }
0xab: {  	_ =	task [dreg:s6], $0x5FFFF  }
0xac: {  	[dreg:$0x1] =	wrdreg $0xFFFFFFFF  }
0xad: {  	[dreg:$0x0] =	wrdreg $0x60  }
0xae: {  	[dreg:$0x2] =	wrdreg s24  }
0xaf: {  	[dreg:$0x3] =	wrdreg $0x9  }
0xb0: {  	_ =	task.clear_ibuf [dreg:s6], $0x4FFFF;
	_ =	strace $0x90000046  }
0xb1: {  	s29 =	simm.s32 $0x9;
	_ =	strace $0x80000048  }
0xb2: {  	_ =	swait.ge [sflag:s29], $0x1  }
0xb3: {  	[sflag:s29] =	ssyncadd.s32 $0xFFFFFFFF  }
0xb4: {  	_ =	strace $0x90000048  }
0xb5: {  	_ =	sfence  }
0xb6: {  	s30 =	sld [smem:$0x0];
	_ =	sdelay $0x2  }
0xb7: {  	s31 =	sshll.u32 s1, $0xD;
	s1 =	sshrl.u32 s1, $0x2  }
0xb8: {  	s3 =	sand.u32 $0x4000, s31;
	s1 =	sadd.s32 s1, s30  }
0xb9: {  	s0 =	sor.u32 s3, s0;
	s1 =	sshll.u32 s1, $0x11  }
0xba: {  	s0 =	sor.u32 s1, s0  }
0xbb: {  	s0 =	sadd.s32 $0x8F2B, s0  }
0xbc: {  	[sflag:s0] =	ssyncadd.remote.s32 $0x1  }
0xbd: {  	_ =	sfence.sel $0xFFFF  }
0xbe: {  	[dreg:$0x0] =	wrdreg $0xFFFFFFFF;
	(pc) =	sbr.abs _section_cstart, $3  }
0xbf: {  	[dreg:$0x1] =	wrdreg $0xFFFFFFFF  }
0xc0: {  	_ =	task.clear_ibuf [dreg:s6], $0x2FFFF;
	_ =	strace $0x9FFFFFFF  }
0xc1: {  	(tm) =	ssettm $0x7FFFFFFF  }
tec
execute0_lowered:
.L_overlay_start_1:
0x0: {  	(tag) =	ssettag $0x1  }
0x1: {  	s0 =	srdreg.scid  }
0x2: {  	s4 =	sand.u32 $0x1, s0  }
0x3: {  	s0 =	stileid.u32;
	s1 =	sshll.u32 s4, $0x4  }
0x4: {  	s2 =	simm.s32 $0x1;
	s28 =	sand.u32 $0x3, s0;
	s5 =	sor.u32 s0, s1  }
0x5: {  	s7 =	rddreg [dreg:$0x0];
	p1 =	sne.s32 s28, $0x0;
	p0 =	seq.s32 s5, $0x0  }
0x6: {  	s10 =	sshll.u32 s0, $0x4;
	s4 =	ssub.s32 $0x2, s4;
	p0 =	por !p1, !p0  }
0x7: {  	s29 =	smul.u32 $0x24000, s28;
	s1 =	rddreg [dreg:$0x1];
	p0 =	por !p0, !p0  }
0x8: {  	s10 =	sand.u32 $0x70, s10;
	s3 =	sshrl.u32 s5, $0x2;
	s2 =	simm.s32 @!p0 $0x0  }
0x9: {  	s11 =	sshrl.u32 s4, $0x1;
	s5 =	sshll.u32 s5, $0x9;
	s6 =	ssub.s32 s3, s2  }
0xa: {  	s31 =	ssub.s32 s4, s11;
	s11 =	simm.s32 $0x0;
	s30 =	sshrl.u32 s6, $0x2  }
0xb: {  	s5 =	sand.u32 $0x3000, s5;
	s2 =	simm.s32 $0x0;
	s8 =	smul.u32 $0x90000, s30  }
0xc: {  	s3 =	simm.s32 $0x1;
	s9 =	sshll.u32 s6, $0x7;
	[smem:$0x7FF] =	sst s2  }
0xd: {  	p0 =	slt.s32 s6, $0x4;
	s9 =	sand.u32 $0x180, s9;
	s8 =	sadd.s32 s29, s8  }
0xe: {  	s6 =	smax.u32 s31, $0x1;
	s8 =	sor.u32 s9, s8;
	s9 =	sor.u32 s29, s9  }
0xf: {  	_ =	strace $0x80000047;
	s8 =	sshrl.u32 s8, $0x3;
	s9 =	sshrl.u32 s9, $0x3  }
0x10: {  	s8 =	sadd.s32 s8, s7;
	s9 =	sadd.s32 s9, s7;
	s7 =	sadd.s32 s10, s7  }
0x11: {  	s10 =	simm.s32 $0x400;
	s4 =	sadd.s32 $0x12800, s9;
	s5 =	sadd.s32 s5, s7  }
0x12: {  	s7 =	sadd.s32 $0x800, s8;
	s8 =	simm.s32 $0x200;
	s9 =	simm.s32 $0x9000  }
0x13: {  	v0 =	vimm.s32 $0x0;
	v1 =	vimm.s32 $0x1;
	s5 =	sadd.s32 $0x24800, s5;
	s4 =	smov.u32 @p0 s7;
	s7 =	simm.s32 $0x80  }
.LBB2_1:
0x14: {  	[tilespmem:s2], [sflag:$0x1] =	stream.strided.gather [hbm4b:s4+s7], $0x9000, s8, s7, $0x38;
	[tilespmem:$0xA000] =	vst v63  }
0x15: {  	_ =	swait.ge [sflag:s3], $0x9000  }
0x16: {  	[sflag:s3] =	ssyncset.done $0x0  }
0x17: {  	s13 =	simm.s32 $0x9040;
	[sflag:s3] =	ssyncadd.s32 $0xFFFF7000  }
0x18: {  	[tilespmem:s13+$0xFFFFFFC0] =	vst v0  }
0x19: {  	[tilespmem:s13+$0x30] =	vst v0  }
0x1a: {  	[tilespmem:s13+$0x20] =	vst v0  }
0x1b: {  	[tilespmem:s13+$0x10] =	vst v0  }
0x1c: {  	[tilespmem:s13+$0x0] =	vst v0  }
0x1d: {  	[tilespmem:s13+$0xFFFFFFF0] =	vst v0  }
0x1e: {  	s14 =	simm.s32 $0x0;
	[tilespmem:s13+$0xFFFFFFE0] =	vst v0  }
.LBB2_2:
0x1f: {  	s14 =	sadd.s32 $0x8, s14;
	[tilespmem:s13+$0xFFFFFFD0] =	vst v0;
	s13 =	sadd.s32 $0x80, s13  }
0x20: {  	[tilespmem:s13+$0xFFFFFFC0] =	vst v0;
	p0 =	slt.u32 s14, $0xF8  }
0x21: {  	[tilespmem:s13+$0x30] =	vst v0  }
.Ltmp0:
0x22: {  	[tilespmem:s13+$0x20] =	vst v0;
	(pc) =	sbr.rel @p0 .LBB2_2-.Ltmp0, $4  }
0x23: {  	[tilespmem:s13+$0x10] =	vst v0  }
0x24: {  	[tilespmem:s13+$0x0] =	vst v0  }
0x25: {  	[tilespmem:s13+$0xFFFFFFF0] =	vst v0  }
0x26: {  	s12 =	simm.s32 $0x80;
	[tilespmem:s13+$0xFFFFFFE0] =	vst v0  }
0x27: {  	[tilespmem:s13+$0xFFFFFFD0] =	vst v0  }
0x28: {  	v2 =	vld [tilespmem:s12+$0x10]  }
0x29: {  	v3 =	vld [tilespmem:s12+$0x0]  }
0x2a: {  	v4 =	vld [tilespmem:s12+$0xFFFFFF80]  }
0x2b: {  	v5 =	vld [tilespmem:s12+$0x70]  }
0x2c: {  	v6 =	vld [tilespmem:s12+$0xFFFFFFA0]  }
0x2d: {  	v7 =	vld [tilespmem:s12+$0xFFFFFFB0]  }
0x2e: {  	v8 =	vld [tilespmem:s12+$0xFFFFFFC0]  }
0x2f: {  	v10 =	vld [tilespmem:s12+$0x50]  }
0x30: {  	v11 =	vld [tilespmem:s12+$0x40];
	v4 =	vshrl.u32 v4, $0x13  }
0x31: {  	v9 =	vld [tilespmem:s12+$0x60];
	v5 =	vshrl.u32 v5, $0x13  }
0x32: {  	v12 =	vld [tilespmem:s12+$0x30]  }
0x33: {  	v13 =	vld [tilespmem:s12+$0x20]  }
0x34: {  	v14 =	vld [tilespmem:s12+$0xFFFFFFD0];
	v59 =	vshrl.u32 v10, $0x13  }
0x35: {  	v60 =	vshrl.u32 v11, $0x13;
	[tilespmem:v4+s9+$0x0] =	vst.idx.add.s32.msk $0xffff, v1  }
0x36: {  	v4 =	vshrl.u32 v9, $0x13;
	[tilespmem:v5+s9+$0x0] =	vst.idx.add.s32.msk $0xffff, v1  }
0x37: {  	v5 =	vld [tilespmem:s12+$0xFFFFFFF0]  }
0x38: {  	v61 =	vld [tilespmem:s12+$0xFFFFFFE0];
	v2 =	vshrl.u32 v2, $0x13  }
0x39: {  	v13 =	vshrl.u32 v13, $0x13;
	[tilespmem:v59+s9+$0x0] =	vst.idx.add.s32.msk $0xffff, v1  }
0x3a: {  	v3 =	vshrl.u32 v3, $0x13;
	[tilespmem:v60+s9+$0x0] =	vst.idx.add.s32.msk $0xffff, v1  }
0x3b: {  	v62 =	vshrl.u32 v12, $0x13;
	[tilespmem:v4+s9+$0x0] =	vst.idx.add.s32.msk $0xffff, v1  }
0x3c: {  	v63 =	vshrl.u32 v14, $0x13;
	v4 =	vshrl.u32 v5, $0x13;
	v5 =	vld [tilespmem:s12+$0xFFFFFF90]  }
0x3d: {  	[tilespmem:v2+s9+$0x0] =	vst.idx.add.s32.msk $0xffff, v1;
	v2 =	vshrl.u32 v7, $0x13  }
0x3e: {  	v8 =	vshrl.u32 v8, $0x13;
	[tilespmem:v13+s9+$0x0] =	vst.idx.add.s32.msk $0xffff, v1  }
0x3f: {  	v6 =	vshrl.u32 v6, $0x13;
	[tilespmem:v3+s9+$0x0] =	vst.idx.add.s32.msk $0xffff, v1  }
0x40: {  	[tilespmem:v62+s9+$0x0] =	vst.idx.add.s32.msk $0xffff, v1  }
0x41: {  	[tilespmem:v63+s9+$0x0] =	vst.idx.add.s32.msk $0xffff, v1;
	v3 =	vshrl.u32 v5, $0x13  }
0x42: {  	[tilespmem:v2+s9+$0x0] =	vst.idx.add.s32.msk $0xffff, v1;
	v2 =	vshrl.u32 v61, $0x13  }
0x43: {  	[tilespmem:v8+s9+$0x0] =	vst.idx.add.s32.msk $0xffff, v1  }
0x44: {  	[tilespmem:v6+s9+$0x0] =	vst.idx.add.s32.msk $0xffff, v1  }
0x45: {  	s13 =	simm.s32 $0x0;
	[tilespmem:v4+s9+$0x0] =	vst.idx.add.s32.msk $0xffff, v1  }
.LBB2_4:
0x46: {  	s13 =	sadd.s32 $0x10, s13;
	[tilespmem:v3+s9+$0x0] =	vst.idx.add.s32.msk $0xffff, v1;
	s12 =	sadd.s32 $0x100, s12  }
0x47: {  	p0 =	slt.u32 s13, $0x8F0;
	[tilespmem:v2+s9+$0x0] =	vst.idx.add.s32.msk $0xffff, v1  }
0x48: {  	v2 =	vld [tilespmem:s12+$0x10]  }
0x49: {  	v3 =	vld [tilespmem:s12+$0x0]  }
0x4a: {  	v4 =	vld [tilespmem:s12+$0xFFFFFF80]  }
0x4b: {  	v5 =	vld [tilespmem:s12+$0x70]  }
0x4c: {  	v6 =	vld [tilespmem:s12+$0xFFFFFFA0]  }
0x4d: {  	v7 =	vld [tilespmem:s12+$0xFFFFFFB0]  }
0x4e: {  	v8 =	vld [tilespmem:s12+$0xFFFFFFC0]  }
0x4f: {  	v4 =	vshrl.u32 v4, $0x13;
	v9 =	vld [tilespmem:s12+$0x60]  }
0x50: {  	v10 =	vld [tilespmem:s12+$0x50];
	v5 =	vshrl.u32 v5, $0x13  }
0x51: {  	v11 =	vld [tilespmem:s12+$0x40]  }
0x52: {  	v12 =	vld [tilespmem:s12+$0x30]  }
0x53: {  	v13 =	vld [tilespmem:s12+$0x20]  }
0x54: {  	[tilespmem:v4+s9+$0x0] =	vst.idx.add.s32.msk $0xffff, v1;
	v4 =	vshrl.u32 v9, $0x13  }
0x55: {  	v9 =	vshrl.u32 v10, $0x13;
	[tilespmem:v5+s9+$0x0] =	vst.idx.add.s32.msk $0xffff, v1  }
0x56: {  	v5 =	vld [tilespmem:s12+$0xFFFFFFF0];
	v10 =	vshrl.u32 v11, $0x13  }
0x57: {  	v11 =	vld [tilespmem:s12+$0xFFFFFFE0]  }
0x58: {  	v14 =	vld [tilespmem:s12+$0xFFFFFFD0];
	v13 =	vshrl.u32 v13, $0x13  }
0x59: {  	v15 =	vshrl.u32 v2, $0x13;
	[tilespmem:v4+s9+$0x0] =	vst.idx.add.s32.msk $0xffff, v1  }
0x5a: {  	v3 =	vshrl.u32 v3, $0x13;
	[tilespmem:v9+s9+$0x0] =	vst.idx.add.s32.msk $0xffff, v1  }
0x5b: {  	v4 =	vshrl.u32 v5, $0x13;
	[tilespmem:v10+s9+$0x0] =	vst.idx.add.s32.msk $0xffff, v1  }
0x5c: {  	v9 =	vshrl.u32 v12, $0x13;
	v5 =	vld [tilespmem:s12+$0xFFFFFF90];
	v2 =	vshrl.u32 v11, $0x13  }
0x5d: {  	v10 =	vshrl.u32 v14, $0x13;
	[tilespmem:v13+s9+$0x0] =	vst.idx.add.s32.msk $0xffff, v1  }
0x5e: {  	v8 =	vshrl.u32 v8, $0x13;
	[tilespmem:v15+s9+$0x0] =	vst.idx.add.s32.msk $0xffff, v1  }
0x5f: {  	v7 =	vshrl.u32 v7, $0x13;
	[tilespmem:v3+s9+$0x0] =	vst.idx.add.s32.msk $0xffff, v1  }
0x60: {  	v6 =	vshrl.u32 v6, $0x13;
	[tilespmem:v4+s9+$0x0] =	vst.idx.add.s32.msk $0xffff, v1  }
.Ltmp1:
0x61: {  	v3 =	vshrl.u32 v5, $0x13;
	[tilespmem:v9+s9+$0x0] =	vst.idx.add.s32.msk $0xffff, v1;
	(pc) =	sbr.rel @p0 .LBB2_4-.Ltmp1, $4  }
0x62: {  	[tilespmem:v10+s9+$0x0] =	vst.idx.add.s32.msk $0xffff, v1  }
0x63: {  	[tilespmem:v8+s9+$0x0] =	vst.idx.add.s32.msk $0xffff, v1  }
0x64: {  	[tilespmem:v7+s9+$0x0] =	vst.idx.add.s32.msk $0xffff, v1  }
0x65: {  	[tilespmem:v6+s9+$0x0] =	vst.idx.add.s32.msk $0xffff, v1  }
0x66: {  	_ =	sdelay $0x2  }
0x67: {  	s11 =	sadd.s32 $0x1, s11  }
0x68: {  	[tilespmem:v3+s9+$0x0] =	vst.idx.add.s32.msk $0xffff, v1;
	p0 =	sne.s32 s11, s6  }
.Ltmp2:
0x69: {  	[tilespmem:v2+s9+$0x0] =	vst.idx.add.s32.msk $0xffff, v1;
	(pc) =	sbr.rel @p0 .LBB2_1-.Ltmp2, $4  }
0x6a: {  	[hbm4b:s5+s7] =	stream.strided.scatter [tilespmem:s9], [sflag:$0x1], $0x1000, s10, s7, $0x38;
	[tilespmem:$0xA000] =	vst v63  }
0x6b: {  	_ =	swait.ge [sflag:s3], $0x1000  }
0x6c: {  	[sflag:s3] =	ssyncset.done $0x0  }
0x6d: {  	[sflag:s3] =	ssyncadd.s32 $0xFFFFF000  }
0x6e: {  	_ =	sfence.sel $0x180000  }
0x6f: {  	[bflag:$0x0] =	sbarrier.arrive $0xFFFF  }
0x70: {  	p0 =	sne.s32 s0, $0x0;
	_ =	strace $0x90000047  }
0x71: {  	s0 =	sadd.s32 @!p0 $0x100000, s1;
	[bflag:$0x2] =	sbarrier.arrive $0xFFFF  }
0x72: {  	[sflag:s0] =	ssyncadd.tile.s32 @!p0 $0x1;
	_ =	shalt  }
.Lfunc_end2:
_tile_overlayer_lowered:
.L_overlay_start_2:
0x73: {  	(tag) =	ssettag $0x2  }
0x74: {  	s0 =	rddreg [dreg:$0x0];
	s2 =	stileid.u32  }
0x75: {  	s1 =	rddreg [dreg:$0x1];
	p0 =	sne.s32 s2, $0x0  }
0x76: {  	s3 =	rddreg [dreg:$0x2];
	[bflag:$0x3] =	sbarrier.arrive $0xFFFF;
	s2 =	simm.s32 @!p0 $0x1C01  }
0x77: {  	[timem:s3], [sflag:s2] =	dma.local @!p0 [hbm:s0], s1  }
0x78: {  	s0 =	simm.s32 @!p0 $0x1  }
0x79: {  	_ =	swait.ge @!p0 [sflag:s0], s1  }
0x7a: {  	s1 =	ssub.s32 @!p0 $0x0, s1;
	[sflag:s0] =	ssyncset.done @!p0 $0x0  }
0x7b: {  	[sflag:s0] =	ssyncadd.s32 @!p0 s1  }
0x7c: {  	[bflag:$0x3] =	sbarrier.arrive $0xFFFF  }
0x7d: {  	_ =	shalt  }

</sc_bundles>
